<compile_context>
chip_gen: v7x
topology: tpu7x:2x2x1
jax: 0.10.2.dev20260603
libtpu: 0.0.44.dev20260713+nightly
codegen_flags: <defaults>
</compile_context>

<pallas_src>
import jax
import jax.numpy as jnp
from jax import lax
from jax.experimental import pallas as pl
from jax.experimental.pallas import tpu as pltpu
from jax.experimental.pallas import tpu_sc as plsc

B = 16384
D = 16
V = 1000000
CHUNK = 128
W_IDX = 512
GRP = 16


def _gather_body(sidx_hbm, utab_hbm, itab_hbm,
                 uout_hbm, iout_hbm,
                 idx_v, grp0_v, grp1_v, du_v, di_v,
                 sem0a, sem0b, sem0c, sem0d, sem1a, sem1b, sem1c, sem1d):
    wid = lax.axis_index("s") * 2 + lax.axis_index("c")

    pltpu.sync_copy(sidx_hbm.at[pl.ds(pl.multiple_of(wid * 8, 8), 8)], idx_v)

    grps = (grp0_v, grp1_v)
    sems = ((sem0a, sem0b, sem0c, sem0d), (sem1a, sem1b, sem1c, sem1d))
    n_grp = W_IDX // GRP

    def fire(tab, r0, g, buf):
        p = g * GRP
        v = idx_v[r0 + lax.div(p, 128), pl.ds(lax.rem(p, 128), 16)]
        for j in range(GRP):
            off = pl.multiple_of(
                lax.shift_right_logical(v[j], 7) * 128, 128)
            pltpu.make_async_copy(
                tab.at[pl.ds(0, 8), pl.ds(off, 128)],
                grps[buf].at[pl.ds(0, 8), pl.ds(j * 128, 128)],
                sems[buf][j % 2]).start()
            pltpu.make_async_copy(
                tab.at[pl.ds(8, 8), pl.ds(off, 128)],
                grps[buf].at[pl.ds(8, 8), pl.ds(j * 128, 128)],
                sems[buf][2 + j % 2]).start()

    def drain_extract(tab, dst, r0, g, buf):
        for q in range(4):
            pltpu.make_async_copy(
                tab.at[pl.ds(0, 8), pl.ds(0, GRP * 64)],
                grps[buf].at[pl.ds(0, 8), pl.ds(0, GRP * 64)],
                sems[buf][q]).wait()
        p = g * GRP
        lv = idx_v[r0 + lax.div(p, 128), pl.ds(lax.rem(p, 128), 16)] & 127
        colv = lax.iota(jnp.int32, 16) * 128 + lv
        bv = lax.iota(jnp.int32, 16) + p

        def dbody(d, _):
            dv = jnp.zeros((16,), jnp.int32) + d
            vals = plsc.load_gather(grps[buf], [dv, colv])
            plsc.store_scatter(dst, [dv, bv], vals)
            return 0

        lax.fori_loop(0, D, dbody, 0)

    fire(utab_hbm, 0, 0, 0)

    def body(g, _):
        fire(itab_hbm, 4, g, 1)
        drain_extract(utab_hbm, du_v, 0, g, 0)
        fire(utab_hbm, 0, g + 1, 0)
        drain_extract(itab_hbm, di_v, 4, g, 1)
        return 0

    lax.fori_loop(0, n_grp - 1, body, 0)
    g_last = n_grp - 1
    fire(itab_hbm, 4, g_last, 1)
    drain_extract(utab_hbm, du_v, 0, g_last, 0)
    drain_extract(itab_hbm, di_v, 4, g_last, 1)

    obase = pl.multiple_of(wid * W_IDX, 128)
    pltpu.sync_copy(du_v, uout_hbm.at[:, pl.ds(obase, W_IDX)])
    pltpu.sync_copy(di_v, iout_hbm.at[:, pl.ds(obase, W_IDX)])


def _sc_gather(sidx, utab_t, itab_t):
    mesh = plsc.VectorSubcoreMesh(core_axis_name="c", subcore_axis_name="s")
    f = pl.kernel(
        _gather_body,
        mesh=mesh,
        compiler_params=pltpu.CompilerParams(needs_layout_passes=False),
        out_type=[
            jax.ShapeDtypeStruct((D, B), jnp.float32),
            jax.ShapeDtypeStruct((D, B), jnp.float32),
        ],
        scratch_types=[
            pltpu.VMEM((8, CHUNK), jnp.int32),
            pltpu.VMEM((D, GRP * 128), jnp.float32),
            pltpu.VMEM((D, GRP * 128), jnp.float32),
            pltpu.VMEM((D, W_IDX), jnp.float32),
            pltpu.VMEM((D, W_IDX), jnp.float32),
        ] + [pltpu.SemaphoreType.DMA] * 8,
    )
    return f(sidx, utab_t, itab_t)


def _mlp_body(u_ref, i_ref, w1u_ref, w1i_ref, b1_ref, w2_ref, b2_ref,
              w3_ref, b3_ref, out_ref):
    x = (jnp.dot(w1u_ref[...], u_ref[...], preferred_element_type=jnp.float32)
         + jnp.dot(w1i_ref[...], i_ref[...], preferred_element_type=jnp.float32)
         + b1_ref[...])
    h1 = jnp.maximum(x, 0.0)
    h2 = jnp.maximum(
        jnp.dot(w2_ref[...], h1, preferred_element_type=jnp.float32)
        + b2_ref[...], 0.0)
    out_ref[...] = (
        jnp.dot(w3_ref[...], h2, preferred_element_type=jnp.float32)
        + b3_ref[...])


def _tc_mlp(u_t, i_t, w1u, w1i, b1, w2, b2, w3, b3):
    return pl.pallas_call(
        _mlp_body,
        out_shape=jax.ShapeDtypeStruct((1, B), jnp.float32),
    )(u_t, i_t, w1u, w1i, b1, w2, b2, w3, b3)


def kernel(user, item, user_table, item_table, W1, b1, W2, b2, W3, b3):
    uidx = user.astype(jnp.int32).reshape(32, 4, CHUNK)
    iidx = item.astype(jnp.int32).reshape(32, 4, CHUNK)
    sidx = jnp.concatenate([uidx, iidx], axis=1).reshape(256, CHUNK)
    u_t, i_t = _sc_gather(sidx, user_table.T, item_table.T)
    out_t = _tc_mlp(u_t, i_t, W1[:, :D], W1[:, D:], b1.reshape(64, 1),
                    W2, b2.reshape(32, 1), W3, b3.reshape(1, 1))
    return out_t.reshape(B, 1)

# --- scband reference (transcript-rebuilt; emitter-appended) ---
"""Pipeline reference for scband-recommendation-nn-33011118637829 (READ-ONLY COPY).

The authoritative reference and input builder live on the scoring server;
editing this copy changes nothing except your own understanding.
"""

import jax, jax.numpy as jnp
import numpy as np

B = 16384
V_USERS = 1000000
V_ITEMS = 1000000
D = 16


def setup_inputs(seed: int = 0) -> dict:
    key = jax.random.key(seed)
    ks = jax.random.split(key, 10)
    user = jax.random.randint(ks[0], (B,), 0, V_USERS, dtype=jnp.int64) if jax.config.jax_enable_x64 else jax.random.randint(ks[0], (B,), 0, V_USERS, dtype=jnp.int32)
    item = jax.random.randint(ks[1], (B,), 0, V_ITEMS, dtype=jnp.int32)
    user_table = jax.random.normal(ks[2], (V_USERS, D), dtype=jnp.float32) * 0.02
    item_table = jax.random.normal(ks[3], (V_ITEMS, D), dtype=jnp.float32) * 0.02
    W1 = jax.random.normal(ks[4], (64, 2 * D), dtype=jnp.float32) * (1.0 / np.sqrt(2 * D))
    b1 = jnp.zeros((64,), dtype=jnp.float32)
    W2 = jax.random.normal(ks[5], (32, 64), dtype=jnp.float32) * (1.0 / np.sqrt(64))
    b2 = jnp.zeros((32,), dtype=jnp.float32)
    W3 = jax.random.normal(ks[6], (1, 32), dtype=jnp.float32) * (1.0 / np.sqrt(32))
    b3 = jnp.zeros((1,), dtype=jnp.float32)
    return {
        "user": user,
        "item": item,
        "user_table": user_table,
        "item_table": item_table,
        "W1": W1, "b1": b1,
        "W2": W2, "b2": b2,
        "W3": W3, "b3": b3,
    }


def reference(user, item, user_table, item_table, W1, b1, W2, b2, W3, b3):
    user_emb = jnp.take(user_table, user, axis=0)
    item_emb = jnp.take(item_table, item, axis=0)
    x = jnp.concatenate([user_emb, item_emb], axis=1)
    h = jax.nn.relu(x @ W1.T + b1)
    h = jax.nn.relu(h @ W2.T + b2)
    out = h @ W3.T + b3
    return out

if __name__ == "__main__":
    import jax
    _d = setup_inputs()
    print(jax.jit(kernel)(*tuple(_d.values())))

</pallas_src>

<mosaic_0001>
#map = affine_map<(d0, d1) -> (0, 0)>
module attributes {stable_mosaic.version = 14 : i64} {
  func.func @_gather_body(%arg0: i32, %arg1: i32, %arg2: memref<256x128xi32, #tpu.memory_space<hbm>>, %arg3: memref<16x1000000xf32, #tpu.memory_space<hbm>>, %arg4: memref<16x1000000xf32, #tpu.memory_space<hbm>>, %arg5: memref<16x16384xf32, #tpu.memory_space<hbm>>, %arg6: memref<16x16384xf32, #tpu.memory_space<hbm>>, %arg7: memref<8x128xi32, #tpu.memory_space<vmem>>, %arg8: memref<16x2048xf32, #tpu.memory_space<vmem>>, %arg9: memref<16x2048xf32, #tpu.memory_space<vmem>>, %arg10: memref<16x512xf32, #tpu.memory_space<vmem>>, %arg11: memref<16x512xf32, #tpu.memory_space<vmem>>, %arg12: memref<!tpu.dma_semaphore, #tpu.memory_space<semaphore_mem>>, %arg13: memref<!tpu.dma_semaphore, #tpu.memory_space<semaphore_mem>>, %arg14: memref<!tpu.dma_semaphore, #tpu.memory_space<semaphore_mem>>, %arg15: memref<!tpu.dma_semaphore, #tpu.memory_space<semaphore_mem>>, %arg16: memref<!tpu.dma_semaphore, #tpu.memory_space<semaphore_mem>>, %arg17: memref<!tpu.dma_semaphore, #tpu.memory_space<semaphore_mem>>, %arg18: memref<!tpu.dma_semaphore, #tpu.memory_space<semaphore_mem>>, %arg19: memref<!tpu.dma_semaphore, #tpu.memory_space<semaphore_mem>>) attributes {dimension_semantics = [#tpu.dimension_semantics<core_parallel>, #tpu.dimension_semantics<subcore_parallel>], iteration_bounds = array<i64: 2, 16>, scalar_prefetch = 0 : i64, scratch_operands = 13 : i64, tpu.core_type = #tpu.core_type<sc_vector_subcore>, window_params = [{transform_indices = #map}, {transform_indices = #map}, {transform_indices = #map}, {transform_indices = #map}, {transform_indices = #map}]} {
    %mul3A = arith.constant 2 : i32
    %mul3A_0 = arith.muli %arg1, %mul3A : i32
    %add3A = arith.addi %mul3A_0, %arg0 : i32
    %mul3A_1 = arith.constant 8 : i32
    %mul3A_2 = arith.muli %add3A, %mul3A_1 : i32
    %multiple_of3A = tpu.assume_multiple %mul3A_2, 8 : i32
    "tpu.region"() ({
      %run_scoped3A = tpu.sem_alloc : memref<!tpu.dma_semaphore, #tpu.memory_space<semaphore_mem>>
      %dma_start3A_1044 = arith.constant 0 : i32
      %dma_start3A_1045 = tpu.memref_slice %arg2[%multiple_of3A, %dma_start3A_1044] : memref<256x128xi32, #tpu.memory_space<hbm>> -> memref<8x128xi32, #tpu.memory_space<hbm>>
      %dma_start3A_1046 = arith.constant 0 : i32
      %dma_start3A_1047 = tpu.memref_slice %arg2[%multiple_of3A, %dma_start3A_1046] : memref<256x128xi32, #tpu.memory_space<hbm>> -> memref<8x128xi32, #tpu.memory_space<hbm>>
      tpu.enqueue_dma source(%dma_start3A_1047 : memref<8x128xi32, #tpu.memory_space<hbm>>) target(%arg7 : memref<8x128xi32, #tpu.memory_space<vmem>>) target_semaphore(%run_scoped3A : memref<!tpu.dma_semaphore, #tpu.memory_space<semaphore_mem>>)
      %dma_wait3A_1048 = arith.constant 0 : i32
      %dma_wait3A_1049 = tpu.memref_slice %arg2[%multiple_of3A, %dma_wait3A_1048] : memref<256x128xi32, #tpu.memory_space<hbm>> -> memref<8x128xi32, #tpu.memory_space<hbm>>
      %dma_wait3A_1050 = arith.constant 0 : i32
      %dma_wait3A_1051 = tpu.memref_slice %arg2[%multiple_of3A, %dma_wait3A_1050] : memref<256x128xi32, #tpu.memory_space<hbm>> -> memref<8x128xi32, #tpu.memory_space<hbm>>
      tpu.wait_dma2 semaphore(%run_scoped3A : memref<!tpu.dma_semaphore, #tpu.memory_space<semaphore_mem>>) src(%dma_wait3A_1051 : memref<8x128xi32, #tpu.memory_space<hbm>>) dst(%arg7 : memref<8x128xi32, #tpu.memory_space<vmem>>)
      tpu.yield
    }) : () -> ()
    %div3A = arith.constant 0 : i32
    %div3A_3 = arith.constant 128 : i32
    %div3A_4 = arith.divsi %div3A, %div3A_3 : i32
    %add3A_5 = arith.constant 0 : i32
    %add3A_6 = arith.addi %add3A_5, %div3A_4 : i32
    %rem3A = arith.constant 0 : i32
    %rem3A_7 = arith.constant 128 : i32
    %rem3A_8 = arith.remsi %rem3A, %rem3A_7 : i32
    %get3A = arith.index_cast %add3A_6 : i32 to index
    %get3A_9 = arith.index_cast %rem3A_8 : i32 to index
    %get3A_10 = tpu.vector_load %arg7[%get3A, %get3A_9] {strides = array<i32>} : memref<8x128xi32, #tpu.memory_space<vmem>>, vector<16xi32>,
    %slice3A = vector.extract_strided_slice %get3A_10 {offsets = [0], sizes = [1], strides = [1]} : vector<16xi32> to vector<1xi32>
    %squeeze3A = vector.extract %slice3A[0] : i32 from vector<1xi32>
    %shift_right_logical3A = arith.constant 7 : i32
    %shift_right_logical3A_11 = arith.shrui %squeeze3A, %shift_right_logical3A : i32
    %mul3A_12 = arith.constant 128 : i32
    %mul3A_13 = arith.muli %shift_right_logical3A_11, %mul3A_12 : i32
    %multiple_of3A_14 = tpu.assume_multiple %mul3A_13, 128 : i32
    %dma_start3A = arith.constant 0 : i32
    %dma_start3A_15 = arith.constant 0 : i32
    %dma_start3A_16 = tpu.memref_slice %arg8[%dma_start3A, %dma_start3A_15] : memref<16x2048xf32, #tpu.memory_space<vmem>> -> memref<8x128xf32, #tpu.memory_space<vmem>>
    %dma_start3A_17 = arith.constant 0 : i32
    %dma_start3A_18 = tpu.memref_slice %arg3[%dma_start3A_17, %multiple_of3A_14] : memref<16x1000000xf32, #tpu.memory_space<hbm>> -> memref<8x128xf32, #tpu.memory_space<hbm>>
    %dma_start3A_19 = arith.constant 0 : i32
    %dma_start3A_20 = arith.constant 0 : i32
    %dma_start3A_21 = tpu.memref_slice %arg8[%dma_start3A_19, %dma_start3A_20] : memref<16x2048xf32, #tpu.memory_space<vmem>> -> memref<8x128xf32, #tpu.memory_space<vmem>>
    %dma_start3A_22 = arith.constant 0 : i32
    %dma_start3A_23 = tpu.memref_slice %arg3[%dma_start3A_22, %multiple_of3A_14] : memref<16x1000000xf32, #tpu.memory_space<hbm>> -> memref<8x128xf32, #tpu.memory_space<hbm>>
    tpu.enqueue_dma source(%dma_start3A_23 : memref<8x128xf32, #tpu.memory_space<hbm>>) target(%dma_start3A_21 : memref<8x128xf32, #tpu.memory_space<vmem>>) target_semaphore(%arg12 : memref<!tpu.dma_semaphore, #tpu.memory_space<semaphore_mem>>)
    %dma_start3A_24 = arith.constant 8 : i32
    %dma_start3A_25 = arith.constant 0 : i32
    %dma_start3A_26 = tpu.memref_slice %arg8[%dma_start3A_24, %dma_start3A_25] : memref<16x2048xf32, #tpu.memory_space<vmem>> -> memref<8x128xf32, #tpu.memory_space<vmem>>
    %dma_start3A_27 = arith.constant 8 : i32
    %dma_start3A_28 = tpu.memref_slice %arg3[%dma_start3A_27, %multiple_of3A_14] : memref<16x1000000xf32, #tpu.memory_space<hbm>> -> memref<8x128xf32, #tpu.memory_space<hbm>>
    %dma_start3A_29 = arith.constant 8 : i32
    %dma_start3A_30 = arith.constant 0 : i32
    %dma_start3A_31 = tpu.memref_slice %arg8[%dma_start3A_29, %dma_start3A_30] : memref<16x2048xf32, #tpu.memory_space<vmem>> -> memref<8x128xf32, #tpu.memory_space<vmem>>
    %dma_start3A_32 = arith.constant 8 : i32
    %dma_start3A_33 = tpu.memref_slice %arg3[%dma_start3A_32, %multiple_of3A_14] : memref<16x1000000xf32, #tpu.memory_space<hbm>> -> memref<8x128xf32, #tpu.memory_space<hbm>>
    tpu.enqueue_dma source(%dma_start3A_33 : memref<8x128xf32, #tpu.memory_space<hbm>>) target(%dma_start3A_31 : memref<8x128xf32, #tpu.memory_space<vmem>>) target_semaphore(%arg14 : memref<!tpu.dma_semaphore, #tpu.memory_space<semaphore_mem>>)
    %slice3A_34 = vector.extract_strided_slice %get3A_10 {offsets = [1], sizes = [1], strides = [1]} : vector<16xi32> to vector<1xi32>
    %squeeze3A_35 = vector.extract %slice3A_34[0] : i32 from vector<1xi32>
    %shift_right_logical3A_36 = arith.constant 7 : i32
    %shift_right_logical3A_37 = arith.shrui %squeeze3A_35, %shift_right_logical3A_36 : i32
    %mul3A_38 = arith.constant 128 : i32
    %mul3A_39 = arith.muli %shift_right_logical3A_37, %mul3A_38 : i32
    %multiple_of3A_40 = tpu.assume_multiple %mul3A_39, 128 : i32
    %dma_start3A_41 = arith.constant 0 : i32
    %dma_start3A_42 = arith.constant 128 : i32
    %dma_start3A_43 = tpu.memref_slice %arg8[%dma_start3A_41, %dma_start3A_42] : memref<16x2048xf32, #tpu.memory_space<vmem>> -> memref<8x128xf32, #tpu.memory_space<vmem>>
    %dma_start3A_44 = arith.constant 0 : i32
    %dma_start3A_45 = tpu.memref_slice %arg3[%dma_start3A_44, %multiple_of3A_40] : memref<16x1000000xf32, #tpu.memory_space<hbm>> -> memref<8x128xf32, #tpu.memory_space<hbm>>
    %dma_start3A_46 = arith.constant 0 : i32
    %dma_start3A_47 = arith.constant 128 : i32
    %dma_start3A_48 = tpu.memref_slice %arg8[%dma_start3A_46, %dma_start3A_47] : memref<16x2048xf32, #tpu.memory_space<vmem>> -> memref<8x128xf32, #tpu.memory_space<vmem>>
    %dma_start3A_49 = arith.constant 0 : i32
    %dma_start3A_50 = tpu.memref_slice %arg3[%dma_start3A_49, %multiple_of3A_40] : memref<16x1000000xf32, #tpu.memory_space<hbm>> -> memref<8x128xf32, #tpu.memory_space<hbm>>
    tpu.enqueue_dma source(%dma_start3A_50 : memref<8x128xf32, #tpu.memory_space<hbm>>) target(%dma_start3A_48 : memref<8x128xf32, #tpu.memory_space<vmem>>) target_semaphore(%arg13 : memref<!tpu.dma_semaphore, #tpu.memory_space<semaphore_mem>>)
    %dma_start3A_51 = arith.constant 8 : i32
    %dma_start3A_52 = arith.constant 128 : i32
    %dma_start3A_53 = tpu.memref_slice %arg8[%dma_start3A_51, %dma_start3A_52] : memref<16x2048xf32, #tpu.memory_space<vmem>> -> memref<8x128xf32, #tpu.memory_space<vmem>>
    %dma_start3A_54 = arith.constant 8 : i32
    %dma_start3A_55 = tpu.memref_slice %arg3[%dma_start3A_54, %multiple_of3A_40] : memref<16x1000000xf32, #tpu.memory_space<hbm>> -> memref<8x128xf32, #tpu.memory_space<hbm>>
    %dma_start3A_56 = arith.constant 8 : i32
    %dma_start3A_57 = arith.constant 128 : i32
    %dma_start3A_58 = tpu.memref_slice %arg8[%dma_start3A_56, %dma_start3A_57] : memref<16x2048xf32, #tpu.memory_space<vmem>> -> memref<8x128xf32, #tpu.memory_space<vmem>>
    %dma_start3A_59 = arith.constant 8 : i32
    %dma_start3A_60 = tpu.memref_slice %arg3[%dma_start3A_59, %multiple_of3A_40] : memref<16x1000000xf32, #tpu.memory_space<hbm>> -> memref<8x128xf32, #tpu.memory_space<hbm>>
    tpu.enqueue_dma source(%dma_start3A_60 : memref<8x128xf32, #tpu.memory_space<hbm>>) target(%dma_start3A_58 : memref<8x128xf32, #tpu.memory_space<vmem>>) target_semaphore(%arg15 : memref<!tpu.dma_semaphore, #tpu.memory_space<semaphore_mem>>)
    %slice3A_61 = vector.extract_strided_slice %get3A_10 {offsets = [2], sizes = [1], strides = [1]} : vector<16xi32> to vector<1xi32>
    %squeeze3A_62 = vector.extract %slice3A_61[0] : i32 from vector<1xi32>
    %shift_right_logical3A_63 = arith.constant 7 : i32
    %shift_right_logical3A_64 = arith.shrui %squeeze3A_62, %shift_right_logical3A_63 : i32
    %mul3A_65 = arith.constant 128 : i32
    %mul3A_66 = arith.muli %shift_right_logical3A_64, %mul3A_65 : i32
    %multiple_of3A_67 = tpu.assume_multiple %mul3A_66, 128 : i32
    %dma_start3A_68 = arith.constant 0 : i32
    %dma_start3A_69 = arith.constant 256 : i32
    %dma_start3A_70 = tpu.memref_slice %arg8[%dma_start3A_68, %dma_start3A_69] : memref<16x2048xf32, #tpu.memory_space<vmem>> -> memref<8x128xf32, #tpu.memory_space<vmem>>
    %dma_start3A_71 = arith.constant 0 : i32
    %dma_start3A_72 = tpu.memref_slice %arg3[%dma_start3A_71, %multiple_of3A_67] : memref<16x1000000xf32, #tpu.memory_space<hbm>> -> memref<8x128xf32, #tpu.memory_space<hbm>>
    %dma_start3A_73 = arith.constant 0 : i32
    %dma_start3A_74 = arith.constant 256 : i32
    %dma_start3A_75 = tpu.memref_slice %arg8[%dma_start3A_73, %dma_start3A_74] : memref<16x2048xf32, #tpu.memory_space<vmem>> -> memref<8x128xf32, #tpu.memory_space<vmem>>
    %dma_start3A_76 = arith.constant 0 : i32
    %dma_start3A_77 = tpu.memref_slice %arg3[%dma_start3A_76, %multiple_of3A_67] : memref<16x1000000xf32, #tpu.memory_space<hbm>> -> memref<8x128xf32, #tpu.memory_space<hbm>>
    tpu.enqueue_dma source(%dma_start3A_77 : memref<8x128xf32, #tpu.memory_space<hbm>>) target(%dma_start3A_75 : memref<8x128xf32, #tpu.memory_space<vmem>>) target_semaphore(%arg12 : memref<!tpu.dma_semaphore, #tpu.memory_space<semaphore_mem>>)
    %dma_start3A_78 = arith.constant 8 : i32
    %dma_start3A_79 = arith.constant 256 : i32
    %dma_start3A_80 = tpu.memref_slice %arg8[%dma_start3A_78, %dma_start3A_79] : memref<16x2048xf32, #tpu.memory_space<vmem>> -> memref<8x128xf32, #tpu.memory_space<vmem>>
    %dma_start3A_81 = arith.constant 8 : i32
    %dma_start3A_82 = tpu.memref_slice %arg3[%dma_start3A_81, %multiple_of3A_67] : memref<16x1000000xf32, #tpu.memory_space<hbm>> -> memref<8x128xf32, #tpu.memory_space<hbm>>
    %dma_start3A_83 = arith.constant 8 : i32
    %dma_start3A_84 = arith.constant 256 : i32
    %dma_start3A_85 = tpu.memref_slice %arg8[%dma_start3A_83, %dma_start3A_84] : memref<16x2048xf32, #tpu.memory_space<vmem>> -> memref<8x128xf32, #tpu.memory_space<vmem>>
    %dma_start3A_86 = arith.constant 8 : i32
    %dma_start3A_87 = tpu.memref_slice %arg3[%dma_start3A_86, %multiple_of3A_67] : memref<16x1000000xf32, #tpu.memory_space<hbm>> -> memref<8x128xf32, #tpu.memory_space<hbm>>
    tpu.enqueue_dma source(%dma_start3A_87 : memref<8x128xf32, #tpu.memory_space<hbm>>) target(%dma_start3A_85 : memref<8x128xf32, #tpu.memory_space<vmem>>) target_semaphore(%arg14 : memref<!tpu.dma_semaphore, #tpu.memory_space<semaphore_mem>>)
    %slice3A_88 = vector.extract_strided_slice %get3A_10 {offsets = [3], sizes = [1], strides = [1]} : vector<16xi32> to vector<1xi32>
    %squeeze3A_89 = vector.extract %slice3A_88[0] : i32 from vector<1xi32>
    %shift_right_logical3A_90 = arith.constant 7 : i32
    %shift_right_logical3A_91 = arith.shrui %squeeze3A_89, %shift_right_logical3A_90 : i32
    %mul3A_92 = arith.constant 128 : i32
    %mul3A_93 = arith.muli %shift_right_logical3A_91, %mul3A_92 : i32
    %multiple_of3A_94 = tpu.assume_multiple %mul3A_93, 128 : i32
    %dma_start3A_95 = arith.constant 0 : i32
    %dma_start3A_96 = arith.constant 384 : i32
    %dma_start3A_97 = tpu.memref_slice %arg8[%dma_start3A_95, %dma_start3A_96] : memref<16x2048xf32, #tpu.memory_space<vmem>> -> memref<8x128xf32, #tpu.memory_space<vmem>>
    %dma_start3A_98 = arith.constant 0 : i32
    %dma_start3A_99 = tpu.memref_slice %arg3[%dma_start3A_98, %multiple_of3A_94] : memref<16x1000000xf32, #tpu.memory_space<hbm>> -> memref<8x128xf32, #tpu.memory_space<hbm>>
    %dma_start3A_100 = arith.constant 0 : i32
    %dma_start3A_101 = arith.constant 384 : i32
    %dma_start3A_102 = tpu.memref_slice %arg8[%dma_start3A_100, %dma_start3A_101] : memref<16x2048xf32, #tpu.memory_space<vmem>> -> memref<8x128xf32, #tpu.memory_space<vmem>>
    %dma_start3A_103 = arith.constant 0 : i32
    %dma_start3A_104 = tpu.memref_slice %arg3[%dma_start3A_103, %multiple_of3A_94] : memref<16x1000000xf32, #tpu.memory_space<hbm>> -> memref<8x128xf32, #tpu.memory_space<hbm>>
    tpu.enqueue_dma source(%dma_start3A_104 : memref<8x128xf32, #tpu.memory_space<hbm>>) target(%dma_start3A_102 : memref<8x128xf32, #tpu.memory_space<vmem>>) target_semaphore(%arg13 : memref<!tpu.dma_semaphore, #tpu.memory_space<semaphore_mem>>)
    %dma_start3A_105 = arith.constant 8 : i32
    %dma_start3A_106 = arith.constant 384 : i32
    %dma_start3A_107 = tpu.memref_slice %arg8[%dma_start3A_105, %dma_start3A_106] : memref<16x2048xf32, #tpu.memory_space<vmem>> -> memref<8x128xf32, #tpu.memory_space<vmem>>
    %dma_start3A_108 = arith.constant 8 : i32
    %dma_start3A_109 = tpu.memref_slice %arg3[%dma_start3A_108, %multiple_of3A_94] : memref<16x1000000xf32, #tpu.memory_space<hbm>> -> memref<8x128xf32, #tpu.memory_space<hbm>>
    %dma_start3A_110 = arith.constant 8 : i32
    %dma_start3A_111 = arith.constant 384 : i32
    %dma_start3A_112 = tpu.memref_slice %arg8[%dma_start3A_110, %dma_start3A_111] : memref<16x2048xf32, #tpu.memory_space<vmem>> -> memref<8x128xf32, #tpu.memory_space<vmem>>
    %dma_start3A_113 = arith.constant 8 : i32
    %dma_start3A_114 = tpu.memref_slice %arg3[%dma_start3A_113, %multiple_of3A_94] : memref<16x1000000xf32, #tpu.memory_space<hbm>> -> memref<8x128xf32, #tpu.memory_space<hbm>>
    tpu.enqueue_dma source(%dma_start3A_114 : memref<8x128xf32, #tpu.memory_space<hbm>>) target(%dma_start3A_112 : memref<8x128xf32, #tpu.memory_space<vmem>>) target_semaphore(%arg15 : memref<!tpu.dma_semaphore, #tpu.memory_space<semaphore_mem>>)
    %slice3A_115 = vector.extract_strided_slice %get3A_10 {offsets = [4], sizes = [1], strides = [1]} : vector<16xi32> to vector<1xi32>
    %squeeze3A_116 = vector.extract %slice3A_115[0] : i32 from vector<1xi32>
    %shift_right_logical3A_117 = arith.constant 7 : i32
    %shift_right_logical3A_118 = arith.shrui %squeeze3A_116, %shift_right_logical3A_117 : i32
    %mul3A_119 = arith.constant 128 : i32
    %mul3A_120 = arith.muli %shift_right_logical3A_118, %mul3A_119 : i32
    %multiple_of3A_121 = tpu.assume_multiple %mul3A_120, 128 : i32
    %dma_start3A_122 = arith.constant 0 : i32
    %dma_start3A_123 = arith.constant 512 : i32
    %dma_start3A_124 = tpu.memref_slice %arg8[%dma_start3A_122, %dma_start3A_123] : memref<16x2048xf32, #tpu.memory_space<vmem>> -> memref<8x128xf32, #tpu.memory_space<vmem>>
    %dma_start3A_125 = arith.constant 0 : i32
    %dma_start3A_126 = tpu.memref_slice %arg3[%dma_start3A_125, %multiple_of3A_121] : memref<16x1000000xf32, #tpu.memory_space<hbm>> -> memref<8x128xf32, #tpu.memory_space<hbm>>
    %dma_start3A_127 = arith.constant 0 : i32
    %dma_start3A_128 = arith.constant 512 : i32
    %dma_start3A_129 = tpu.memref_slice %arg8[%dma_start3A_127, %dma_start3A_128] : memref<16x2048xf32, #tpu.memory_space<vmem>> -> memref<8x128xf32, #tpu.memory_space<vmem>>
    %dma_start3A_130 = arith.constant 0 : i32
    %dma_start3A_131 = tpu.memref_slice %arg3[%dma_start3A_130, %multiple_of3A_121] : memref<16x1000000xf32, #tpu.memory_space<hbm>> -> memref<8x128xf32, #tpu.memory_space<hbm>>
    tpu.enqueue_dma source(%dma_start3A_131 : memref<8x128xf32, #tpu.memory_space<hbm>>) target(%dma_start3A_129 : memref<8x128xf32, #tpu.memory_space<vmem>>) target_semaphore(%arg12 : memref<!tpu.dma_semaphore, #tpu.memory_space<semaphore_mem>>)
    %dma_start3A_132 = arith.constant 8 : i32
    %dma_start3A_133 = arith.constant 512 : i32
    %dma_start3A_134 = tpu.memref_slice %arg8[%dma_start3A_132, %dma_start3A_133] : memref<16x2048xf32, #tpu.memory_space<vmem>> -> memref<8x128xf32, #tpu.memory_space<vmem>>
    %dma_start3A_135 = arith.constant 8 : i32
    %dma_start3A_136 = tpu.memref_slice %arg3[%dma_start3A_135, %multiple_of3A_121] : memref<16x1000000xf32, #tpu.memory_space<hbm>> -> memref<8x128xf32, #tpu.memory_space<hbm>>
    %dma_start3A_137 = arith.constant 8 : i32
    %dma_start3A_138 = arith.constant 512 : i32
    %dma_start3A_139 = tpu.memref_slice %arg8[%dma_start3A_137, %dma_start3A_138] : memref<16x2048xf32, #tpu.memory_space<vmem>> -> memref<8x128xf32, #tpu.memory_space<vmem>>
    %dma_start3A_140 = arith.constant 8 : i32
    %dma_start3A_141 = tpu.memref_slice %arg3[%dma_start3A_140, %multiple_of3A_121] : memref<16x1000000xf32, #tpu.memory_space<hbm>> -> memref<8x128xf32, #tpu.memory_space<hbm>>
    tpu.enqueue_dma source(%dma_start3A_141 : memref<8x128xf32, #tpu.memory_space<hbm>>) target(%dma_start3A_139 : memref<8x128xf32, #tpu.memory_space<vmem>>) target_semaphore(%arg14 : memref<!tpu.dma_semaphore, #tpu.memory_space<semaphore_mem>>)
    %slice3A_142 = vector.extract_strided_slice %get3A_10 {offsets = [5], sizes = [1], strides = [1]} : vector<16xi32> to vector<1xi32>
    %squeeze3A_143 = vector.extract %slice3A_142[0] : i32 from vector<1xi32>
    %shift_right_logical3A_144 = arith.constant 7 : i32
    %shift_right_logical3A_145 = arith.shrui %squeeze3A_143, %shift_right_logical3A_144 : i32
    %mul3A_146 = arith.constant 128 : i32
    %mul3A_147 = arith.muli %shift_right_logical3A_145, %mul3A_146 : i32
    %multiple_of3A_148 = tpu.assume_multiple %mul3A_147, 128 : i32
    %dma_start3A_149 = arith.constant 0 : i32
    %dma_start3A_150 = arith.constant 640 : i32
    %dma_start3A_151 = tpu.memref_slice %arg8[%dma_start3A_149, %dma_start3A_150] : memref<16x2048xf32, #tpu.memory_space<vmem>> -> memref<8x128xf32, #tpu.memory_space<vmem>>
    %dma_start3A_152 = arith.constant 0 : i32
    %dma_start3A_153 = tpu.memref_slice %arg3[%dma_start3A_152, %multiple_of3A_148] : memref<16x1000000xf32, #tpu.memory_space<hbm>> -> memref<8x128xf32, #tpu.memory_space<hbm>>
    %dma_start3A_154 = arith.constant 0 : i32
    %dma_start3A_155 = arith.constant 640 : i32
    %dma_start3A_156 = tpu.memref_slice %arg8[%dma_start3A_154, %dma_start3A_155] : memref<16x2048xf32, #tpu.memory_space<vmem>> -> memref<8x128xf32, #tpu.memory_space<vmem>>
    %dma_start3A_157 = arith.constant 0 : i32
    %dma_start3A_158 = tpu.memref_slice %arg3[%dma_start3A_157, %multiple_of3A_148] : memref<16x1000000xf32, #tpu.memory_space<hbm>> -> memref<8x128xf32, #tpu.memory_space<hbm>>
    tpu.enqueue_dma source(%dma_start3A_158 : memref<8x128xf32, #tpu.memory_space<hbm>>) target(%dma_start3A_156 : memref<8x128xf32, #tpu.memory_space<vmem>>) target_semaphore(%arg13 : memref<!tpu.dma_semaphore, #tpu.memory_space<semaphore_mem>>)
    %dma_start3A_159 = arith.constant 8 : i32
    %dma_start3A_160 = arith.constant 640 : i32
    %dma_start3A_161 = tpu.memref_slice %arg8[%dma_start3A_159, %dma_start3A_160] : memref<16x2048xf32, #tpu.memory_space<vmem>> -> memref<8x128xf32, #tpu.memory_space<vmem>>
    %dma_start3A_162 = arith.constant 8 : i32
    %dma_start3A_163 = tpu.memref_slice %arg3[%dma_start3A_162, %multiple_of3A_148] : memref<16x1000000xf32, #tpu.memory_space<hbm>> -> memref<8x128xf32, #tpu.memory_space<hbm>>
    %dma_start3A_164 = arith.constant 8 : i32
    %dma_start3A_165 = arith.constant 640 : i32
    %dma_start3A_166 = tpu.memref_slice %arg8[%dma_start3A_164, %dma_start3A_165] : memref<16x2048xf32, #tpu.memory_space<vmem>> -> memref<8x128xf32, #tpu.memory_space<vmem>>
    %dma_start3A_167 = arith.constant 8 : i32
    %dma_start3A_168 = tpu.memref_slice %arg3[%dma_start3A_167, %multiple_of3A_148] : memref<16x1000000xf32, #tpu.memory_space<hbm>> -> memref<8x128xf32, #tpu.memory_space<hbm>>
    tpu.enqueue_dma source(%dma_start3A_168 : memref<8x128xf32, #tpu.memory_space<hbm>>) target(%dma_start3A_166 : memref<8x128xf32, #tpu.memory_space<vmem>>) target_semaphore(%arg15 : memref<!tpu.dma_semaphore, #tpu.memory_space<semaphore_mem>>)
    %slice3A_169 = vector.extract_strided_slice %get3A_10 {offsets = [6], sizes = [1], strides = [1]} : vector<16xi32> to vector<1xi32>
    %squeeze3A_170 = vector.extract %slice3A_169[0] : i32 from vector<1xi32>
    %shift_right_logical3A_171 = arith.constant 7 : i32
    %shift_right_logical3A_172 = arith.shrui %squeeze3A_170, %shift_right_logical3A_171 : i32
    %mul3A_173 = arith.constant 128 : i32
    %mul3A_174 = arith.muli %shift_right_logical3A_172, %mul3A_173 : i32
    %multiple_of3A_175 = tpu.assume_multiple %mul3A_174, 128 : i32
    %dma_start3A_176 = arith.constant 0 : i32
    %dma_start3A_177 = arith.constant 768 : i32
    %dma_start3A_178 = tpu.memref_slice %arg8[%dma_start3A_176, %dma_start3A_177] : memref<16x2048xf32, #tpu.memory_space<vmem>> -> memref<8x128xf32, #tpu.memory_space<vmem>>
    %dma_start3A_179 = arith.constant 0 : i32
    %dma_start3A_180 = tpu.memref_slice %arg3[%dma_start3A_179, %multiple_of3A_175] : memref<16x1000000xf32, #tpu.memory_space<hbm>> -> memref<8x128xf32, #tpu.memory_space<hbm>>
    %dma_start3A_181 = arith.constant 0 : i32
    %dma_start3A_182 = arith.constant 768 : i32
    %dma_start3A_183 = tpu.memref_slice %arg8[%dma_start3A_181, %dma_start3A_182] : memref<16x2048xf32, #tpu.memory_space<vmem>> -> memref<8x128xf32, #tpu.memory_space<vmem>>
    %dma_start3A_184 = arith.constant 0 : i32
    %dma_start3A_185 = tpu.memref_slice %arg3[%dma_start3A_184, %multiple_of3A_175] : memref<16x1000000xf32, #tpu.memory_space<hbm>> -> memref<8x128xf32, #tpu.memory_space<hbm>>
    tpu.enqueue_dma source(%dma_start3A_185 : memref<8x128xf32, #tpu.memory_space<hbm>>) target(%dma_start3A_183 : memref<8x128xf32, #tpu.memory_space<vmem>>) target_semaphore(%arg12 : memref<!tpu.dma_semaphore, #tpu.memory_space<semaphore_mem>>)
    %dma_start3A_186 = arith.constant 8 : i32
    %dma_start3A_187 = arith.constant 768 : i32
    %dma_start3A_188 = tpu.memref_slice %arg8[%dma_start3A_186, %dma_start3A_187] : memref<16x2048xf32, #tpu.memory_space<vmem>> -> memref<8x128xf32, #tpu.memory_space<vmem>>
    %dma_start3A_189 = arith.constant 8 : i32
    %dma_start3A_190 = tpu.memref_slice %arg3[%dma_start3A_189, %multiple_of3A_175] : memref<16x1000000xf32, #tpu.memory_space<hbm>> -> memref<8x128xf32, #tpu.memory_space<hbm>>
    %dma_start3A_191 = arith.constant 8 : i32
    %dma_start3A_192 = arith.constant 768 : i32
    %dma_start3A_193 = tpu.memref_slice %arg8[%dma_start3A_191, %dma_start3A_192] : memref<16x2048xf32, #tpu.memory_space<vmem>> -> memref<8x128xf32, #tpu.memory_space<vmem>>
    %dma_start3A_194 = arith.constant 8 : i32
    %dma_start3A_195 = tpu.memref_slice %arg3[%dma_start3A_194, %multiple_of3A_175] : memref<16x1000000xf32, #tpu.memory_space<hbm>> -> memref<8x128xf32, #tpu.memory_space<hbm>>
    tpu.enqueue_dma source(%dma_start3A_195 : memref<8x128xf32, #tpu.memory_space<hbm>>) target(%dma_start3A_193 : memref<8x128xf32, #tpu.memory_space<vmem>>) target_semaphore(%arg14 : memref<!tpu.dma_semaphore, #tpu.memory_space<semaphore_mem>>)
    %slice3A_196 = vector.extract_strided_slice %get3A_10 {offsets = [7], sizes = [1], strides = [1]} : vector<16xi32> to vector<1xi32>
    %squeeze3A_197 = vector.extract %slice3A_196[0] : i32 from vector<1xi32>
    %shift_right_logical3A_198 = arith.constant 7 : i32
    %shift_right_logical3A_199 = arith.shrui %squeeze3A_197, %shift_right_logical3A_198 : i32
    %mul3A_200 = arith.constant 128 : i32
    %mul3A_201 = arith.muli %shift_right_logical3A_199, %mul3A_200 : i32
    %multiple_of3A_202 = tpu.assume_multiple %mul3A_201, 128 : i32
    %dma_start3A_203 = arith.constant 0 : i32
    %dma_start3A_204 = arith.constant 896 : i32
    %dma_start3A_205 = tpu.memref_slice %arg8[%dma_start3A_203, %dma_start3A_204] : memref<16x2048xf32, #tpu.memory_space<vmem>> -> memref<8x128xf32, #tpu.memory_space<vmem>>
    %dma_start3A_206 = arith.constant 0 : i32
    %dma_start3A_207 = tpu.memref_slice %arg3[%dma_start3A_206, %multiple_of3A_202] : memref<16x1000000xf32, #tpu.memory_space<hbm>> -> memref<8x128xf32, #tpu.memory_space<hbm>>
    %dma_start3A_208 = arith.constant 0 : i32
    %dma_start3A_209 = arith.constant 896 : i32
    %dma_start3A_210 = tpu.memref_slice %arg8[%dma_start3A_208, %dma_start3A_209] : memref<16x2048xf32, #tpu.memory_space<vmem>> -> memref<8x128xf32, #tpu.memory_space<vmem>>
    %dma_start3A_211 = arith.constant 0 : i32
    %dma_start3A_212 = tpu.memref_slice %arg3[%dma_start3A_211, %multiple_of3A_202] : memref<16x1000000xf32, #tpu.memory_space<hbm>> -> memref<8x128xf32, #tpu.memory_space<hbm>>
    tpu.enqueue_dma source(%dma_start3A_212 : memref<8x128xf32, #tpu.memory_space<hbm>>) target(%dma_start3A_210 : memref<8x128xf32, #tpu.memory_space<vmem>>) target_semaphore(%arg13 : memref<!tpu.dma_semaphore, #tpu.memory_space<semaphore_mem>>)
    %dma_start3A_213 = arith.constant 8 : i32
    %dma_start3A_214 = arith.constant 896 : i32
    %dma_start3A_215 = tpu.memref_slice %arg8[%dma_start3A_213, %dma_start3A_214] : memref<16x2048xf32, #tpu.memory_space<vmem>> -> memref<8x128xf32, #tpu.memory_space<vmem>>
    %dma_start3A_216 = arith.constant 8 : i32
    %dma_start3A_217 = tpu.memref_slice %arg3[%dma_start3A_216, %multiple_of3A_202] : memref<16x1000000xf32, #tpu.memory_space<hbm>> -> memref<8x128xf32, #tpu.memory_space<hbm>>
    %dma_start3A_218 = arith.constant 8 : i32
    %dma_start3A_219 = arith.constant 896 : i32
    %dma_start3A_220 = tpu.memref_slice %arg8[%dma_start3A_218, %dma_start3A_219] : memref<16x2048xf32, #tpu.memory_space<vmem>> -> memref<8x128xf32, #tpu.memory_space<vmem>>
    %dma_start3A_221 = arith.constant 8 : i32
    %dma_start3A_222 = tpu.memref_slice %arg3[%dma_start3A_221, %multiple_of3A_202] : memref<16x1000000xf32, #tpu.memory_space<hbm>> -> memref<8x128xf32, #tpu.memory_space<hbm>>
    tpu.enqueue_dma source(%dma_start3A_222 : memref<8x128xf32, #tpu.memory_space<hbm>>) target(%dma_start3A_220 : memref<8x128xf32, #tpu.memory_space<vmem>>) target_semaphore(%arg15 : memref<!tpu.dma_semaphore, #tpu.memory_space<semaphore_mem>>)
    %slice3A_223 = vector.extract_strided_slice %get3A_10 {offsets = [8], sizes = [1], strides = [1]} : vector<16xi32> to vector<1xi32>
    %squeeze3A_224 = vector.extract %slice3A_223[0] : i32 from vector<1xi32>
    %shift_right_logical3A_225 = arith.constant 7 : i32
    %shift_right_logical3A_226 = arith.shrui %squeeze3A_224, %shift_right_logical3A_225 : i32
    %mul3A_227 = arith.constant 128 : i32
    %mul3A_228 = arith.muli %shift_right_logical3A_226, %mul3A_227 : i32
    %multiple_of3A_229 = tpu.assume_multiple %mul3A_228, 128 : i32
    %dma_start3A_230 = arith.constant 0 : i32
    %dma_start3A_231 = arith.constant 1024 : i32
    %dma_start3A_232 = tpu.memref_slice %arg8[%dma_start3A_230, %dma_start3A_231] : memref<16x2048xf32, #tpu.memory_space<vmem>> -> memref<8x128xf32, #tpu.memory_space<vmem>>
    %dma_start3A_233 = arith.constant 0 : i32
    %dma_start3A_234 = tpu.memref_slice %arg3[%dma_start3A_233, %multiple_of3A_229] : memref<16x1000000xf32, #tpu.memory_space<hbm>> -> memref<8x128xf32, #tpu.memory_space<hbm>>
    %dma_start3A_235 = arith.constant 0 : i32
    %dma_start3A_236 = arith.constant 1024 : i32
    %dma_start3A_237 = tpu.memref_slice %arg8[%dma_start3A_235, %dma_start3A_236] : memref<16x2048xf32, #tpu.memory_space<vmem>> -> memref<8x128xf32, #tpu.memory_space<vmem>>
    %dma_start3A_238 = arith.constant 0 : i32
    %dma_start3A_239 = tpu.memref_slice %arg3[%dma_start3A_238, %multiple_of3A_229] : memref<16x1000000xf32, #tpu.memory_space<hbm>> -> memref<8x128xf32, #tpu.memory_space<hbm>>
    tpu.enqueue_dma source(%dma_start3A_239 : memref<8x128xf32, #tpu.memory_space<hbm>>) target(%dma_start3A_237 : memref<8x128xf32, #tpu.memory_space<vmem>>) target_semaphore(%arg12 : memref<!tpu.dma_semaphore, #tpu.memory_space<semaphore_mem>>)
    %dma_start3A_240 = arith.constant 8 : i32
    %dma_start3A_241 = arith.constant 1024 : i32
    %dma_start3A_242 = tpu.memref_slice %arg8[%dma_start3A_240, %dma_start3A_241] : memref<16x2048xf32, #tpu.memory_space<vmem>> -> memref<8x128xf32, #tpu.memory_space<vmem>>
    %dma_start3A_243 = arith.constant 8 : i32
    %dma_start3A_244 = tpu.memref_slice %arg3[%dma_start3A_243, %multiple_of3A_229] : memref<16x1000000xf32, #tpu.memory_space<hbm>> -> memref<8x128xf32, #tpu.memory_space<hbm>>
    %dma_start3A_245 = arith.constant 8 : i32
    %dma_start3A_246 = arith.constant 1024 : i32
    %dma_start3A_247 = tpu.memref_slice %arg8[%dma_start3A_245, %dma_start3A_246] : memref<16x2048xf32, #tpu.memory_space<vmem>> -> memref<8x128xf32, #tpu.memory_space<vmem>>
    %dma_start3A_248 = arith.constant 8 : i32
    %dma_start3A_249 = tpu.memref_slice %arg3[%dma_start3A_248, %multiple_of3A_229] : memref<16x1000000xf32, #tpu.memory_space<hbm>> -> memref<8x128xf32, #tpu.memory_space<hbm>>
    tpu.enqueue_dma source(%dma_start3A_249 : memref<8x128xf32, #tpu.memory_space<hbm>>) target(%dma_start3A_247 : memref<8x128xf32, #tpu.memory_space<vmem>>) target_semaphore(%arg14 : memref<!tpu.dma_semaphore, #tpu.memory_space<semaphore_mem>>)
    %slice3A_250 = vector.extract_strided_slice %get3A_10 {offsets = [9], sizes = [1], strides = [1]} : vector<16xi32> to vector<1xi32>
    %squeeze3A_251 = vector.extract %slice3A_250[0] : i32 from vector<1xi32>
    %shift_right_logical3A_252 = arith.constant 7 : i32
    %shift_right_logical3A_253 = arith.shrui %squeeze3A_251, %shift_right_logical3A_252 : i32
    %mul3A_254 = arith.constant 128 : i32
    %mul3A_255 = arith.muli %shift_right_logical3A_253, %mul3A_254 : i32
    %multiple_of3A_256 = tpu.assume_multiple %mul3A_255, 128 : i32
    %dma_start3A_257 = arith.constant 0 : i32
    %dma_start3A_258 = arith.constant 1152 : i32
    %dma_start3A_259 = tpu.memref_slice %arg8[%dma_start3A_257, %dma_start3A_258] : memref<16x2048xf32, #tpu.memory_space<vmem>> -> memref<8x128xf32, #tpu.memory_space<vmem>>
    %dma_start3A_260 = arith.constant 0 : i32
    %dma_start3A_261 = tpu.memref_slice %arg3[%dma_start3A_260, %multiple_of3A_256] : memref<16x1000000xf32, #tpu.memory_space<hbm>> -> memref<8x128xf32, #tpu.memory_space<hbm>>
    %dma_start3A_262 = arith.constant 0 : i32
    %dma_start3A_263 = arith.constant 1152 : i32
    %dma_start3A_264 = tpu.memref_slice %arg8[%dma_start3A_262, %dma_start3A_263] : memref<16x2048xf32, #tpu.memory_space<vmem>> -> memref<8x128xf32, #tpu.memory_space<vmem>>
    %dma_start3A_265 = arith.constant 0 : i32
    %dma_start3A_266 = tpu.memref_slice %arg3[%dma_start3A_265, %multiple_of3A_256] : memref<16x1000000xf32, #tpu.memory_space<hbm>> -> memref<8x128xf32, #tpu.memory_space<hbm>>
    tpu.enqueue_dma source(%dma_start3A_266 : memref<8x128xf32, #tpu.memory_space<hbm>>) target(%dma_start3A_264 : memref<8x128xf32, #tpu.memory_space<vmem>>) target_semaphore(%arg13 : memref<!tpu.dma_semaphore, #tpu.memory_space<semaphore_mem>>)
    %dma_start3A_267 = arith.constant 8 : i32
    %dma_start3A_268 = arith.constant 1152 : i32
    %dma_start3A_269 = tpu.memref_slice %arg8[%dma_start3A_267, %dma_start3A_268] : memref<16x2048xf32, #tpu.memory_space<vmem>> -> memref<8x128xf32, #tpu.memory_space<vmem>>
    %dma_start3A_270 = arith.constant 8 : i32
    %dma_start3A_271 = tpu.memref_slice %arg3[%dma_start3A_270, %multiple_of3A_256] : memref<16x1000000xf32, #tpu.memory_space<hbm>> -> memref<8x128xf32, #tpu.memory_space<hbm>>
    %dma_start3A_272 = arith.constant 8 : i32
    %dma_start3A_273 = arith.constant 1152 : i32
    %dma_start3A_274 = tpu.memref_slice %arg8[%dma_start3A_272, %dma_start3A_273] : memref<16x2048xf32, #tpu.memory_space<vmem>> -> memref<8x128xf32, #tpu.memory_space<vmem>>
    %dma_start3A_275 = arith.constant 8 : i32
    %dma_start3A_276 = tpu.memref_slice %arg3[%dma_start3A_275, %multiple_of3A_256] : memref<16x1000000xf32, #tpu.memory_space<hbm>> -> memref<8x128xf32, #tpu.memory_space<hbm>>
    tpu.enqueue_dma source(%dma_start3A_276 : memref<8x128xf32, #tpu.memory_space<hbm>>) target(%dma_start3A_274 : memref<8x128xf32, #tpu.memory_space<vmem>>) target_semaphore(%arg15 : memref<!tpu.dma_semaphore, #tpu.memory_space<semaphore_mem>>)
    %slice3A_277 = vector.extract_strided_slice %get3A_10 {offsets = [10], sizes = [1], strides = [1]} : vector<16xi32> to vector<1xi32>
    %squeeze3A_278 = vector.extract %slice3A_277[0] : i32 from vector<1xi32>
    %shift_right_logical3A_279 = arith.constant 7 : i32
    %shift_right_logical3A_280 = arith.shrui %squeeze3A_278, %shift_right_logical3A_279 : i32
    %mul3A_281 = arith.constant 128 : i32
    %mul3A_282 = arith.muli %shift_right_logical3A_280, %mul3A_281 : i32
    %multiple_of3A_283 = tpu.assume_multiple %mul3A_282, 128 : i32
    %dma_start3A_284 = arith.constant 0 : i32
    %dma_start3A_285 = arith.constant 1280 : i32
    %dma_start3A_286 = tpu.memref_slice %arg8[%dma_start3A_284, %dma_start3A_285] : memref<16x2048xf32, #tpu.memory_space<vmem>> -> memref<8x128xf32, #tpu.memory_space<vmem>>
    %dma_start3A_287 = arith.constant 0 : i32
    %dma_start3A_288 = tpu.memref_slice %arg3[%dma_start3A_287, %multiple_of3A_283] : memref<16x1000000xf32, #tpu.memory_space<hbm>> -> memref<8x128xf32, #tpu.memory_space<hbm>>
    %dma_start3A_289 = arith.constant 0 : i32
    %dma_start3A_290 = arith.constant 1280 : i32
    %dma_start3A_291 = tpu.memref_slice %arg8[%dma_start3A_289, %dma_start3A_290] : memref<16x2048xf32, #tpu.memory_space<vmem>> -> memref<8x128xf32, #tpu.memory_space<vmem>>
    %dma_start3A_292 = arith.constant 0 : i32
    %dma_start3A_293 = tpu.memref_slice %arg3[%dma_start3A_292, %multiple_of3A_283] : memref<16x1000000xf32, #tpu.memory_space<hbm>> -> memref<8x128xf32, #tpu.memory_space<hbm>>
    tpu.enqueue_dma source(%dma_start3A_293 : memref<8x128xf32, #tpu.memory_space<hbm>>) target(%dma_start3A_291 : memref<8x128xf32, #tpu.memory_space<vmem>>) target_semaphore(%arg12 : memref<!tpu.dma_semaphore, #tpu.memory_space<semaphore_mem>>)
    %dma_start3A_294 = arith.constant 8 : i32
    %dma_start3A_295 = arith.constant 1280 : i32
    %dma_start3A_296 = tpu.memref_slice %arg8[%dma_start3A_294, %dma_start3A_295] : memref<16x2048xf32, #tpu.memory_space<vmem>> -> memref<8x128xf32, #tpu.memory_space<vmem>>
    %dma_start3A_297 = arith.constant 8 : i32
    %dma_start3A_298 = tpu.memref_slice %arg3[%dma_start3A_297, %multiple_of3A_283] : memref<16x1000000xf32, #tpu.memory_space<hbm>> -> memref<8x128xf32, #tpu.memory_space<hbm>>
    %dma_start3A_299 = arith.constant 8 : i32
    %dma_start3A_300 = arith.constant 1280 : i32
    %dma_start3A_301 = tpu.memref_slice %arg8[%dma_start3A_299, %dma_start3A_300] : memref<16x2048xf32, #tpu.memory_space<vmem>> -> memref<8x128xf32, #tpu.memory_space<vmem>>
    %dma_start3A_302 = arith.constant 8 : i32
    %dma_start3A_303 = tpu.memref_slice %arg3[%dma_start3A_302, %multiple_of3A_283] : memref<16x1000000xf32, #tpu.memory_space<hbm>> -> memref<8x128xf32, #tpu.memory_space<hbm>>
    tpu.enqueue_dma source(%dma_start3A_303 : memref<8x128xf32, #tpu.memory_space<hbm>>) target(%dma_start3A_301 : memref<8x128xf32, #tpu.memory_space<vmem>>) target_semaphore(%arg14 : memref<!tpu.dma_semaphore, #tpu.memory_space<semaphore_mem>>)
    %slice3A_304 = vector.extract_strided_slice %get3A_10 {offsets = [11], sizes = [1], strides = [1]} : vector<16xi32> to vector<1xi32>
    %squeeze3A_305 = vector.extract %slice3A_304[0] : i32 from vector<1xi32>
    %shift_right_logical3A_306 = arith.constant 7 : i32
    %shift_right_logical3A_307 = arith.shrui %squeeze3A_305, %shift_right_logical3A_306 : i32
    %mul3A_308 = arith.constant 128 : i32
    %mul3A_309 = arith.muli %shift_right_logical3A_307, %mul3A_308 : i32
    %multiple_of3A_310 = tpu.assume_multiple %mul3A_309, 128 : i32
    %dma_start3A_311 = arith.constant 0 : i32
    %dma_start3A_312 = arith.constant 1408 : i32
    %dma_start3A_313 = tpu.memref_slice %arg8[%dma_start3A_311, %dma_start3A_312] : memref<16x2048xf32, #tpu.memory_space<vmem>> -> memref<8x128xf32, #tpu.memory_space<vmem>>
    %dma_start3A_314 = arith.constant 0 : i32
    %dma_start3A_315 = tpu.memref_slice %arg3[%dma_start3A_314, %multiple_of3A_310] : memref<16x1000000xf32, #tpu.memory_space<hbm>> -> memref<8x128xf32, #tpu.memory_space<hbm>>
    %dma_start3A_316 = arith.constant 0 : i32
    %dma_start3A_317 = arith.constant 1408 : i32
    %dma_start3A_318 = tpu.memref_slice %arg8[%dma_start3A_316, %dma_start3A_317] : memref<16x2048xf32, #tpu.memory_space<vmem>> -> memref<8x128xf32, #tpu.memory_space<vmem>>
    %dma_start3A_319 = arith.constant 0 : i32
    %dma_start3A_320 = tpu.memref_slice %arg3[%dma_start3A_319, %multiple_of3A_310] : memref<16x1000000xf32, #tpu.memory_space<hbm>> -> memref<8x128xf32, #tpu.memory_space<hbm>>
    tpu.enqueue_dma source(%dma_start3A_320 : memref<8x128xf32, #tpu.memory_space<hbm>>) target(%dma_start3A_318 : memref<8x128xf32, #tpu.memory_space<vmem>>) target_semaphore(%arg13 : memref<!tpu.dma_semaphore, #tpu.memory_space<semaphore_mem>>)
    %dma_start3A_321 = arith.constant 8 : i32
    %dma_start3A_322 = arith.constant 1408 : i32
    %dma_start3A_323 = tpu.memref_slice %arg8[%dma_start3A_321, %dma_start3A_322] : memref<16x2048xf32, #tpu.memory_space<vmem>> -> memref<8x128xf32, #tpu.memory_space<vmem>>
    %dma_start3A_324 = arith.constant 8 : i32
    %dma_start3A_325 = tpu.memref_slice %arg3[%dma_start3A_324, %multiple_of3A_310] : memref<16x1000000xf32, #tpu.memory_space<hbm>> -> memref<8x128xf32, #tpu.memory_space<hbm>>
    %dma_start3A_326 = arith.constant 8 : i32
    %dma_start3A_327 = arith.constant 1408 : i32
    %dma_start3A_328 = tpu.memref_slice %arg8[%dma_start3A_326, %dma_start3A_327] : memref<16x2048xf32, #tpu.memory_space<vmem>> -> memref<8x128xf32, #tpu.memory_space<vmem>>
    %dma_start3A_329 = arith.constant 8 : i32
    %dma_start3A_330 = tpu.memref_slice %arg3[%dma_start3A_329, %multiple_of3A_310] : memref<16x1000000xf32, #tpu.memory_space<hbm>> -> memref<8x128xf32, #tpu.memory_space<hbm>>
    tpu.enqueue_dma source(%dma_start3A_330 : memref<8x128xf32, #tpu.memory_space<hbm>>) target(%dma_start3A_328 : memref<8x128xf32, #tpu.memory_space<vmem>>) target_semaphore(%arg15 : memref<!tpu.dma_semaphore, #tpu.memory_space<semaphore_mem>>)
    %slice3A_331 = vector.extract_strided_slice %get3A_10 {offsets = [12], sizes = [1], strides = [1]} : vector<16xi32> to vector<1xi32>
    %squeeze3A_332 = vector.extract %slice3A_331[0] : i32 from vector<1xi32>
    %shift_right_logical3A_333 = arith.constant 7 : i32
    %shift_right_logical3A_334 = arith.shrui %squeeze3A_332, %shift_right_logical3A_333 : i32
    %mul3A_335 = arith.constant 128 : i32
    %mul3A_336 = arith.muli %shift_right_logical3A_334, %mul3A_335 : i32
    %multiple_of3A_337 = tpu.assume_multiple %mul3A_336, 128 : i32
    %dma_start3A_338 = arith.constant 0 : i32
    %dma_start3A_339 = arith.constant 1536 : i32
    %dma_start3A_340 = tpu.memref_slice %arg8[%dma_start3A_338, %dma_start3A_339] : memref<16x2048xf32, #tpu.memory_space<vmem>> -> memref<8x128xf32, #tpu.memory_space<vmem>>
    %dma_start3A_341 = arith.constant 0 : i32
    %dma_start3A_342 = tpu.memref_slice %arg3[%dma_start3A_341, %multiple_of3A_337] : memref<16x1000000xf32, #tpu.memory_space<hbm>> -> memref<8x128xf32, #tpu.memory_space<hbm>>
    %dma_start3A_343 = arith.constant 0 : i32
    %dma_start3A_344 = arith.constant 1536 : i32
    %dma_start3A_345 = tpu.memref_slice %arg8[%dma_start3A_343, %dma_start3A_344] : memref<16x2048xf32, #tpu.memory_space<vmem>> -> memref<8x128xf32, #tpu.memory_space<vmem>>
    %dma_start3A_346 = arith.constant 0 : i32
    %dma_start3A_347 = tpu.memref_slice %arg3[%dma_start3A_346, %multiple_of3A_337] : memref<16x1000000xf32, #tpu.memory_space<hbm>> -> memref<8x128xf32, #tpu.memory_space<hbm>>
    tpu.enqueue_dma source(%dma_start3A_347 : memref<8x128xf32, #tpu.memory_space<hbm>>) target(%dma_start3A_345 : memref<8x128xf32, #tpu.memory_space<vmem>>) target_semaphore(%arg12 : memref<!tpu.dma_semaphore, #tpu.memory_space<semaphore_mem>>)
    %dma_start3A_348 = arith.constant 8 : i32
    %dma_start3A_349 = arith.constant 1536 : i32
    %dma_start3A_350 = tpu.memref_slice %arg8[%dma_start3A_348, %dma_start3A_349] : memref<16x2048xf32, #tpu.memory_space<vmem>> -> memref<8x128xf32, #tpu.memory_space<vmem>>
    %dma_start3A_351 = arith.constant 8 : i32
    %dma_start3A_352 = tpu.memref_slice %arg3[%dma_start3A_351, %multiple_of3A_337] : memref<16x1000000xf32, #tpu.memory_space<hbm>> -> memref<8x128xf32, #tpu.memory_space<hbm>>
    %dma_start3A_353 = arith.constant 8 : i32
    %dma_start3A_354 = arith.constant 1536 : i32
    %dma_start3A_355 = tpu.memref_slice %arg8[%dma_start3A_353, %dma_start3A_354] : memref<16x2048xf32, #tpu.memory_space<vmem>> -> memref<8x128xf32, #tpu.memory_space<vmem>>
    %dma_start3A_356 = arith.constant 8 : i32
    %dma_start3A_357 = tpu.memref_slice %arg3[%dma_start3A_356, %multiple_of3A_337] : memref<16x1000000xf32, #tpu.memory_space<hbm>> -> memref<8x128xf32, #tpu.memory_space<hbm>>
    tpu.enqueue_dma source(%dma_start3A_357 : memref<8x128xf32, #tpu.memory_space<hbm>>) target(%dma_start3A_355 : memref<8x128xf32, #tpu.memory_space<vmem>>) target_semaphore(%arg14 : memref<!tpu.dma_semaphore, #tpu.memory_space<semaphore_mem>>)
    %slice3A_358 = vector.extract_strided_slice %get3A_10 {offsets = [13], sizes = [1], strides = [1]} : vector<16xi32> to vector<1xi32>
    %squeeze3A_359 = vector.extract %slice3A_358[0] : i32 from vector<1xi32>
    %shift_right_logical3A_360 = arith.constant 7 : i32
    %shift_right_logical3A_361 = arith.shrui %squeeze3A_359, %shift_right_logical3A_360 : i32
    %mul3A_362 = arith.constant 128 : i32
    %mul3A_363 = arith.muli %shift_right_logical3A_361, %mul3A_362 : i32
    %multiple_of3A_364 = tpu.assume_multiple %mul3A_363, 128 : i32
    %dma_start3A_365 = arith.constant 0 : i32
    %dma_start3A_366 = arith.constant 1664 : i32
    %dma_start3A_367 = tpu.memref_slice %arg8[%dma_start3A_365, %dma_start3A_366] : memref<16x2048xf32, #tpu.memory_space<vmem>> -> memref<8x128xf32, #tpu.memory_space<vmem>>
    %dma_start3A_368 = arith.constant 0 : i32
    %dma_start3A_369 = tpu.memref_slice %arg3[%dma_start3A_368, %multiple_of3A_364] : memref<16x1000000xf32, #tpu.memory_space<hbm>> -> memref<8x128xf32, #tpu.memory_space<hbm>>
    %dma_start3A_370 = arith.constant 0 : i32
    %dma_start3A_371 = arith.constant 1664 : i32
    %dma_start3A_372 = tpu.memref_slice %arg8[%dma_start3A_370, %dma_start3A_371] : memref<16x2048xf32, #tpu.memory_space<vmem>> -> memref<8x128xf32, #tpu.memory_space<vmem>>
    %dma_start3A_373 = arith.constant 0 : i32
    %dma_start3A_374 = tpu.memref_slice %arg3[%dma_start3A_373, %multiple_of3A_364] : memref<16x1000000xf32, #tpu.memory_space<hbm>> -> memref<8x128xf32, #tpu.memory_space<hbm>>
    tpu.enqueue_dma source(%dma_start3A_374 : memref<8x128xf32, #tpu.memory_space<hbm>>) target(%dma_start3A_372 : memref<8x128xf32, #tpu.memory_space<vmem>>) target_semaphore(%arg13 : memref<!tpu.dma_semaphore, #tpu.memory_space<semaphore_mem>>)
    %dma_start3A_375 = arith.constant 8 : i32
    %dma_start3A_376 = arith.constant 1664 : i32
    %dma_start3A_377 = tpu.memref_slice %arg8[%dma_start3A_375, %dma_start3A_376] : memref<16x2048xf32, #tpu.memory_space<vmem>> -> memref<8x128xf32, #tpu.memory_space<vmem>>
    %dma_start3A_378 = arith.constant 8 : i32
    %dma_start3A_379 = tpu.memref_slice %arg3[%dma_start3A_378, %multiple_of3A_364] : memref<16x1000000xf32, #tpu.memory_space<hbm>> -> memref<8x128xf32, #tpu.memory_space<hbm>>
    %dma_start3A_380 = arith.constant 8 : i32
    %dma_start3A_381 = arith.constant 1664 : i32
    %dma_start3A_382 = tpu.memref_slice %arg8[%dma_start3A_380, %dma_start3A_381] : memref<16x2048xf32, #tpu.memory_space<vmem>> -> memref<8x128xf32, #tpu.memory_space<vmem>>
    %dma_start3A_383 = arith.constant 8 : i32
    %dma_start3A_384 = tpu.memref_slice %arg3[%dma_start3A_383, %multiple_of3A_364] : memref<16x1000000xf32, #tpu.memory_space<hbm>> -> memref<8x128xf32, #tpu.memory_space<hbm>>
    tpu.enqueue_dma source(%dma_start3A_384 : memref<8x128xf32, #tpu.memory_space<hbm>>) target(%dma_start3A_382 : memref<8x128xf32, #tpu.memory_space<vmem>>) target_semaphore(%arg15 : memref<!tpu.dma_semaphore, #tpu.memory_space<semaphore_mem>>)
    %slice3A_385 = vector.extract_strided_slice %get3A_10 {offsets = [14], sizes = [1], strides = [1]} : vector<16xi32> to vector<1xi32>
    %squeeze3A_386 = vector.extract %slice3A_385[0] : i32 from vector<1xi32>
    %shift_right_logical3A_387 = arith.constant 7 : i32
    %shift_right_logical3A_388 = arith.shrui %squeeze3A_386, %shift_right_logical3A_387 : i32
    %mul3A_389 = arith.constant 128 : i32
    %mul3A_390 = arith.muli %shift_right_logical3A_388, %mul3A_389 : i32
    %multiple_of3A_391 = tpu.assume_multiple %mul3A_390, 128 : i32
    %dma_start3A_392 = arith.constant 0 : i32
    %dma_start3A_393 = arith.constant 1792 : i32
    %dma_start3A_394 = tpu.memref_slice %arg8[%dma_start3A_392, %dma_start3A_393] : memref<16x2048xf32, #tpu.memory_space<vmem>> -> memref<8x128xf32, #tpu.memory_space<vmem>>
    %dma_start3A_395 = arith.constant 0 : i32
    %dma_start3A_396 = tpu.memref_slice %arg3[%dma_start3A_395, %multiple_of3A_391] : memref<16x1000000xf32, #tpu.memory_space<hbm>> -> memref<8x128xf32, #tpu.memory_space<hbm>>
    %dma_start3A_397 = arith.constant 0 : i32
    %dma_start3A_398 = arith.constant 1792 : i32
    %dma_start3A_399 = tpu.memref_slice %arg8[%dma_start3A_397, %dma_start3A_398] : memref<16x2048xf32, #tpu.memory_space<vmem>> -> memref<8x128xf32, #tpu.memory_space<vmem>>
    %dma_start3A_400 = arith.constant 0 : i32
    %dma_start3A_401 = tpu.memref_slice %arg3[%dma_start3A_400, %multiple_of3A_391] : memref<16x1000000xf32, #tpu.memory_space<hbm>> -> memref<8x128xf32, #tpu.memory_space<hbm>>
    tpu.enqueue_dma source(%dma_start3A_401 : memref<8x128xf32, #tpu.memory_space<hbm>>) target(%dma_start3A_399 : memref<8x128xf32, #tpu.memory_space<vmem>>) target_semaphore(%arg12 : memref<!tpu.dma_semaphore, #tpu.memory_space<semaphore_mem>>)
    %dma_start3A_402 = arith.constant 8 : i32
    %dma_start3A_403 = arith.constant 1792 : i32
    %dma_start3A_404 = tpu.memref_slice %arg8[%dma_start3A_402, %dma_start3A_403] : memref<16x2048xf32, #tpu.memory_space<vmem>> -> memref<8x128xf32, #tpu.memory_space<vmem>>
    %dma_start3A_405 = arith.constant 8 : i32
    %dma_start3A_406 = tpu.memref_slice %arg3[%dma_start3A_405, %multiple_of3A_391] : memref<16x1000000xf32, #tpu.memory_space<hbm>> -> memref<8x128xf32, #tpu.memory_space<hbm>>
    %dma_start3A_407 = arith.constant 8 : i32
    %dma_start3A_408 = arith.constant 1792 : i32
    %dma_start3A_409 = tpu.memref_slice %arg8[%dma_start3A_407, %dma_start3A_408] : memref<16x2048xf32, #tpu.memory_space<vmem>> -> memref<8x128xf32, #tpu.memory_space<vmem>>
    %dma_start3A_410 = arith.constant 8 : i32
    %dma_start3A_411 = tpu.memref_slice %arg3[%dma_start3A_410, %multiple_of3A_391] : memref<16x1000000xf32, #tpu.memory_space<hbm>> -> memref<8x128xf32, #tpu.memory_space<hbm>>
    tpu.enqueue_dma source(%dma_start3A_411 : memref<8x128xf32, #tpu.memory_space<hbm>>) target(%dma_start3A_409 : memref<8x128xf32, #tpu.memory_space<vmem>>) target_semaphore(%arg14 : memref<!tpu.dma_semaphore, #tpu.memory_space<semaphore_mem>>)
    %slice3A_412 = vector.extract_strided_slice %get3A_10 {offsets = [15], sizes = [1], strides = [1]} : vector<16xi32> to vector<1xi32>
    %squeeze3A_413 = vector.extract %slice3A_412[0] : i32 from vector<1xi32>
    %shift_right_logical3A_414 = arith.constant 7 : i32
    %shift_right_logical3A_415 = arith.shrui %squeeze3A_413, %shift_right_logical3A_414 : i32
    %mul3A_416 = arith.constant 128 : i32
    %mul3A_417 = arith.muli %shift_right_logical3A_415, %mul3A_416 : i32
    %multiple_of3A_418 = tpu.assume_multiple %mul3A_417, 128 : i32
    %dma_start3A_419 = arith.constant 0 : i32
    %dma_start3A_420 = arith.constant 1920 : i32
    %dma_start3A_421 = tpu.memref_slice %arg8[%dma_start3A_419, %dma_start3A_420] : memref<16x2048xf32, #tpu.memory_space<vmem>> -> memref<8x128xf32, #tpu.memory_space<vmem>>
    %dma_start3A_422 = arith.constant 0 : i32
    %dma_start3A_423 = tpu.memref_slice %arg3[%dma_start3A_422, %multiple_of3A_418] : memref<16x1000000xf32, #tpu.memory_space<hbm>> -> memref<8x128xf32, #tpu.memory_space<hbm>>
    %dma_start3A_424 = arith.constant 0 : i32
    %dma_start3A_425 = arith.constant 1920 : i32
    %dma_start3A_426 = tpu.memref_slice %arg8[%dma_start3A_424, %dma_start3A_425] : memref<16x2048xf32, #tpu.memory_space<vmem>> -> memref<8x128xf32, #tpu.memory_space<vmem>>
    %dma_start3A_427 = arith.constant 0 : i32
    %dma_start3A_428 = tpu.memref_slice %arg3[%dma_start3A_427, %multiple_of3A_418] : memref<16x1000000xf32, #tpu.memory_space<hbm>> -> memref<8x128xf32, #tpu.memory_space<hbm>>
    tpu.enqueue_dma source(%dma_start3A_428 : memref<8x128xf32, #tpu.memory_space<hbm>>) target(%dma_start3A_426 : memref<8x128xf32, #tpu.memory_space<vmem>>) target_semaphore(%arg13 : memref<!tpu.dma_semaphore, #tpu.memory_space<semaphore_mem>>)
    %dma_start3A_429 = arith.constant 8 : i32
    %dma_start3A_430 = arith.constant 1920 : i32
    %dma_start3A_431 = tpu.memref_slice %arg8[%dma_start3A_429, %dma_start3A_430] : memref<16x2048xf32, #tpu.memory_space<vmem>> -> memref<8x128xf32, #tpu.memory_space<vmem>>
    %dma_start3A_432 = arith.constant 8 : i32
    %dma_start3A_433 = tpu.memref_slice %arg3[%dma_start3A_432, %multiple_of3A_418] : memref<16x1000000xf32, #tpu.memory_space<hbm>> -> memref<8x128xf32, #tpu.memory_space<hbm>>
    %dma_start3A_434 = arith.constant 8 : i32
    %dma_start3A_435 = arith.constant 1920 : i32
    %dma_start3A_436 = tpu.memref_slice %arg8[%dma_start3A_434, %dma_start3A_435] : memref<16x2048xf32, #tpu.memory_space<vmem>> -> memref<8x128xf32, #tpu.memory_space<vmem>>
    %dma_start3A_437 = arith.constant 8 : i32
    %dma_start3A_438 = tpu.memref_slice %arg3[%dma_start3A_437, %multiple_of3A_418] : memref<16x1000000xf32, #tpu.memory_space<hbm>> -> memref<8x128xf32, #tpu.memory_space<hbm>>
    tpu.enqueue_dma source(%dma_start3A_438 : memref<8x128xf32, #tpu.memory_space<hbm>>) target(%dma_start3A_436 : memref<8x128xf32, #tpu.memory_space<vmem>>) target_semaphore(%arg15 : memref<!tpu.dma_semaphore, #tpu.memory_space<semaphore_mem>>)
    %scan3A = arith.constant 0 : i32
    %scan3A_439 = arith.constant 0 : i32
    %scan3A_440 = arith.constant 31 : i32
    %scan3A_441 = arith.addi %scan3A_439, %scan3A_440 : i32
    %scan3A_442 = arith.constant 1 : i32
    %scan3A_443 = scf.for %scan3A_1044 = %scan3A_439 to %scan3A_441 step %scan3A_442 iter_args(%scan3A_1045 = %scan3A) -> (i32)  : i32 {
      %mul3A_1046 = arith.constant 16 : i32
      %mul3A_1047 = arith.muli %scan3A_1044, %mul3A_1046 : i32
      %div3A_1048 = arith.constant 128 : i32
      %div3A_1049 = arith.divsi %mul3A_1047, %div3A_1048 : i32
      %add3A_1050 = arith.constant 4 : i32
      %add3A_1051 = arith.addi %add3A_1050, %div3A_1049 : i32
      %rem3A_1052 = arith.constant 128 : i32
      %rem3A_1053 = arith.remsi %mul3A_1047, %rem3A_1052 : i32
      %get3A_1054 = arith.index_cast %add3A_1051 : i32 to index
      %get3A_1055 = arith.index_cast %rem3A_1053 : i32 to index
      %get3A_1056 = tpu.vector_load %arg7[%get3A_1054, %get3A_1055] {strides = array<i32>} : memref<8x128xi32, #tpu.memory_space<vmem>>, vector<16xi32>,
      %slice3A_1057 = vector.extract_strided_slice %get3A_1056 {offsets = [0], sizes = [1], strides = [1]} : vector<16xi32> to vector<1xi32>
      %squeeze3A_1058 = vector.extract %slice3A_1057[0] : i32 from vector<1xi32>
      %shift_right_logical3A_1059 = arith.constant 7 : i32
      %shift_right_logical3A_1060 = arith.shrui %squeeze3A_1058, %shift_right_logical3A_1059 : i32
      %mul3A_1061 = arith.constant 128 : i32
      %mul3A_1062 = arith.muli %shift_right_logical3A_1060, %mul3A_1061 : i32
      %multiple_of3A_1063 = tpu.assume_multiple %mul3A_1062, 128 : i32
      %dma_start3A_1064 = arith.constant 0 : i32
      %dma_start3A_1065 = arith.constant 0 : i32
      %dma_start3A_1066 = tpu.memref_slice %arg9[%dma_start3A_1064, %dma_start3A_1065] : memref<16x2048xf32, #tpu.memory_space<vmem>> -> memref<8x128xf32, #tpu.memory_space<vmem>>
      %dma_start3A_1067 = arith.constant 0 : i32
      %dma_start3A_1068 = tpu.memref_slice %arg4[%dma_start3A_1067, %multiple_of3A_1063] : memref<16x1000000xf32, #tpu.memory_space<hbm>> -> memref<8x128xf32, #tpu.memory_space<hbm>>
      %dma_start3A_1069 = arith.constant 0 : i32
      %dma_start3A_1070 = arith.constant 0 : i32
      %dma_start3A_1071 = tpu.memref_slice %arg9[%dma_start3A_1069, %dma_start3A_1070] : memref<16x2048xf32, #tpu.memory_space<vmem>> -> memref<8x128xf32, #tpu.memory_space<vmem>>
      %dma_start3A_1072 = arith.constant 0 : i32
      %dma_start3A_1073 = tpu.memref_slice %arg4[%dma_start3A_1072, %multiple_of3A_1063] : memref<16x1000000xf32, #tpu.memory_space<hbm>> -> memref<8x128xf32, #tpu.memory_space<hbm>>
      tpu.enqueue_dma source(%dma_start3A_1073 : memref<8x128xf32, #tpu.memory_space<hbm>>) target(%dma_start3A_1071 : memref<8x128xf32, #tpu.memory_space<vmem>>) target_semaphore(%arg16 : memref<!tpu.dma_semaphore, #tpu.memory_space<semaphore_mem>>)
      %dma_start3A_1074 = arith.constant 8 : i32
      %dma_start3A_1075 = arith.constant 0 : i32
      %dma_start3A_1076 = tpu.memref_slice %arg9[%dma_start3A_1074, %dma_start3A_1075] : memref<16x2048xf32, #tpu.memory_space<vmem>> -> memref<8x128xf32, #tpu.memory_space<vmem>>
      %dma_start3A_1077 = arith.constant 8 : i32
      %dma_start3A_1078 = tpu.memref_slice %arg4[%dma_start3A_1077, %multiple_of3A_1063] : memref<16x1000000xf32, #tpu.memory_space<hbm>> -> memref<8x128xf32, #tpu.memory_space<hbm>>
      %dma_start3A_1079 = arith.constant 8 : i32
      %dma_start3A_1080 = arith.constant 0 : i32
      %dma_start3A_1081 = tpu.memref_slice %arg9[%dma_start3A_1079, %dma_start3A_1080] : memref<16x2048xf32, #tpu.memory_space<vmem>> -> memref<8x128xf32, #tpu.memory_space<vmem>>
      %dma_start3A_1082 = arith.constant 8 : i32
      %dma_start3A_1083 = tpu.memref_slice %arg4[%dma_start3A_1082, %multiple_of3A_1063] : memref<16x1000000xf32, #tpu.memory_space<hbm>> -> memref<8x128xf32, #tpu.memory_space<hbm>>
      tpu.enqueue_dma source(%dma_start3A_1083 : memref<8x128xf32, #tpu.memory_space<hbm>>) target(%dma_start3A_1081 : memref<8x128xf32, #tpu.memory_space<vmem>>) target_semaphore(%arg18 : memref<!tpu.dma_semaphore, #tpu.memory_space<semaphore_mem>>)
      %slice3A_1084 = vector.extract_strided_slice %get3A_1056 {offsets = [1], sizes = [1], strides = [1]} : vector<16xi32> to vector<1xi32>
      %squeeze3A_1085 = vector.extract %slice3A_1084[0] : i32 from vector<1xi32>
      %shift_right_logical3A_1086 = arith.constant 7 : i32
      %shift_right_logical3A_1087 = arith.shrui %squeeze3A_1085, %shift_right_logical3A_1086 : i32
      %mul3A_1088 = arith.constant 128 : i32
      %mul3A_1089 = arith.muli %shift_right_logical3A_1087, %mul3A_1088 : i32
      %multiple_of3A_1090 = tpu.assume_multiple %mul3A_1089, 128 : i32
      %dma_start3A_1091 = arith.constant 0 : i32
      %dma_start3A_1092 = arith.constant 128 : i32
      %dma_start3A_1093 = tpu.memref_slice %arg9[%dma_start3A_1091, %dma_start3A_1092] : memref<16x2048xf32, #tpu.memory_space<vmem>> -> memref<8x128xf32, #tpu.memory_space<vmem>>
      %dma_start3A_1094 = arith.constant 0 : i32
      %dma_start3A_1095 = tpu.memref_slice %arg4[%dma_start3A_1094, %multiple_of3A_1090] : memref<16x1000000xf32, #tpu.memory_space<hbm>> -> memref<8x128xf32, #tpu.memory_space<hbm>>
      %dma_start3A_1096 = arith.constant 0 : i32
      %dma_start3A_1097 = arith.constant 128 : i32
      %dma_start3A_1098 = tpu.memref_slice %arg9[%dma_start3A_1096, %dma_start3A_1097] : memref<16x2048xf32, #tpu.memory_space<vmem>> -> memref<8x128xf32, #tpu.memory_space<vmem>>
      %dma_start3A_1099 = arith.constant 0 : i32
      %dma_start3A_1100 = tpu.memref_slice %arg4[%dma_start3A_1099, %multiple_of3A_1090] : memref<16x1000000xf32, #tpu.memory_space<hbm>> -> memref<8x128xf32, #tpu.memory_space<hbm>>
      tpu.enqueue_dma source(%dma_start3A_1100 : memref<8x128xf32, #tpu.memory_space<hbm>>) target(%dma_start3A_1098 : memref<8x128xf32, #tpu.memory_space<vmem>>) target_semaphore(%arg17 : memref<!tpu.dma_semaphore, #tpu.memory_space<semaphore_mem>>)
      %dma_start3A_1101 = arith.constant 8 : i32
      %dma_start3A_1102 = arith.constant 128 : i32
      %dma_start3A_1103 = tpu.memref_slice %arg9[%dma_start3A_1101, %dma_start3A_1102] : memref<16x2048xf32, #tpu.memory_space<vmem>> -> memref<8x128xf32, #tpu.memory_space<vmem>>
      %dma_start3A_1104 = arith.constant 8 : i32
      %dma_start3A_1105 = tpu.memref_slice %arg4[%dma_start3A_1104, %multiple_of3A_1090] : memref<16x1000000xf32, #tpu.memory_space<hbm>> -> memref<8x128xf32, #tpu.memory_space<hbm>>
      %dma_start3A_1106 = arith.constant 8 : i32
      %dma_start3A_1107 = arith.constant 128 : i32
      %dma_start3A_1108 = tpu.memref_slice %arg9[%dma_start3A_1106, %dma_start3A_1107] : memref<16x2048xf32, #tpu.memory_space<vmem>> -> memref<8x128xf32, #tpu.memory_space<vmem>>
      %dma_start3A_1109 = arith.constant 8 : i32
      %dma_start3A_1110 = tpu.memref_slice %arg4[%dma_start3A_1109, %multiple_of3A_1090] : memref<16x1000000xf32, #tpu.memory_space<hbm>> -> memref<8x128xf32, #tpu.memory_space<hbm>>
      tpu.enqueue_dma source(%dma_start3A_1110 : memref<8x128xf32, #tpu.memory_space<hbm>>) target(%dma_start3A_1108 : memref<8x128xf32, #tpu.memory_space<vmem>>) target_semaphore(%arg19 : memref<!tpu.dma_semaphore, #tpu.memory_space<semaphore_mem>>)
      %slice3A_1111 = vector.extract_strided_slice %get3A_1056 {offsets = [2], sizes = [1], strides = [1]} : vector<16xi32> to vector<1xi32>
      %squeeze3A_1112 = vector.extract %slice3A_1111[0] : i32 from vector<1xi32>
      %shift_right_logical3A_1113 = arith.constant 7 : i32
      %shift_right_logical3A_1114 = arith.shrui %squeeze3A_1112, %shift_right_logical3A_1113 : i32
      %mul3A_1115 = arith.constant 128 : i32
      %mul3A_1116 = arith.muli %shift_right_logical3A_1114, %mul3A_1115 : i32
      %multiple_of3A_1117 = tpu.assume_multiple %mul3A_1116, 128 : i32
      %dma_start3A_1118 = arith.constant 0 : i32
      %dma_start3A_1119 = arith.constant 256 : i32
      %dma_start3A_1120 = tpu.memref_slice %arg9[%dma_start3A_1118, %dma_start3A_1119] : memref<16x2048xf32, #tpu.memory_space<vmem>> -> memref<8x128xf32, #tpu.memory_space<vmem>>
      %dma_start3A_1121 = arith.constant 0 : i32
      %dma_start3A_1122 = tpu.memref_slice %arg4[%dma_start3A_1121, %multiple_of3A_1117] : memref<16x1000000xf32, #tpu.memory_space<hbm>> -> memref<8x128xf32, #tpu.memory_space<hbm>>
      %dma_start3A_1123 = arith.constant 0 : i32
      %dma_start3A_1124 = arith.constant 256 : i32
      %dma_start3A_1125 = tpu.memref_slice %arg9[%dma_start3A_1123, %dma_start3A_1124] : memref<16x2048xf32, #tpu.memory_space<vmem>> -> memref<8x128xf32, #tpu.memory_space<vmem>>
      %dma_start3A_1126 = arith.constant 0 : i32
      %dma_start3A_1127 = tpu.memref_slice %arg4[%dma_start3A_1126, %multiple_of3A_1117] : memref<16x1000000xf32, #tpu.memory_space<hbm>> -> memref<8x128xf32, #tpu.memory_space<hbm>>
      tpu.enqueue_dma source(%dma_start3A_1127 : memref<8x128xf32, #tpu.memory_space<hbm>>) target(%dma_start3A_1125 : memref<8x128xf32, #tpu.memory_space<vmem>>) target_semaphore(%arg16 : memref<!tpu.dma_semaphore, #tpu.memory_space<semaphore_mem>>)
      %dma_start3A_1128 = arith.constant 8 : i32
      %dma_start3A_1129 = arith.constant 256 : i32
      %dma_start3A_1130 = tpu.memref_slice %arg9[%dma_start3A_1128, %dma_start3A_1129] : memref<16x2048xf32, #tpu.memory_space<vmem>> -> memref<8x128xf32, #tpu.memory_space<vmem>>
      %dma_start3A_1131 = arith.constant 8 : i32
      %dma_start3A_1132 = tpu.memref_slice %arg4[%dma_start3A_1131, %multiple_of3A_1117] : memref<16x1000000xf32, #tpu.memory_space<hbm>> -> memref<8x128xf32, #tpu.memory_space<hbm>>
      %dma_start3A_1133 = arith.constant 8 : i32
      %dma_start3A_1134 = arith.constant 256 : i32
      %dma_start3A_1135 = tpu.memref_slice %arg9[%dma_start3A_1133, %dma_start3A_1134] : memref<16x2048xf32, #tpu.memory_space<vmem>> -> memref<8x128xf32, #tpu.memory_space<vmem>>
      %dma_start3A_1136 = arith.constant 8 : i32
      %dma_start3A_1137 = tpu.memref_slice %arg4[%dma_start3A_1136, %multiple_of3A_1117] : memref<16x1000000xf32, #tpu.memory_space<hbm>> -> memref<8x128xf32, #tpu.memory_space<hbm>>
      tpu.enqueue_dma source(%dma_start3A_1137 : memref<8x128xf32, #tpu.memory_space<hbm>>) target(%dma_start3A_1135 : memref<8x128xf32, #tpu.memory_space<vmem>>) target_semaphore(%arg18 : memref<!tpu.dma_semaphore, #tpu.memory_space<semaphore_mem>>)
      %slice3A_1138 = vector.extract_strided_slice %get3A_1056 {offsets = [3], sizes = [1], strides = [1]} : vector<16xi32> to vector<1xi32>
      %squeeze3A_1139 = vector.extract %slice3A_1138[0] : i32 from vector<1xi32>
      %shift_right_logical3A_1140 = arith.constant 7 : i32
      %shift_right_logical3A_1141 = arith.shrui %squeeze3A_1139, %shift_right_logical3A_1140 : i32
      %mul3A_1142 = arith.constant 128 : i32
      %mul3A_1143 = arith.muli %shift_right_logical3A_1141, %mul3A_1142 : i32
      %multiple_of3A_1144 = tpu.assume_multiple %mul3A_1143, 128 : i32
      %dma_start3A_1145 = arith.constant 0 : i32
      %dma_start3A_1146 = arith.constant 384 : i32
      %dma_start3A_1147 = tpu.memref_slice %arg9[%dma_start3A_1145, %dma_start3A_1146] : memref<16x2048xf32, #tpu.memory_space<vmem>> -> memref<8x128xf32, #tpu.memory_space<vmem>>
      %dma_start3A_1148 = arith.constant 0 : i32
      %dma_start3A_1149 = tpu.memref_slice %arg4[%dma_start3A_1148, %multiple_of3A_1144] : memref<16x1000000xf32, #tpu.memory_space<hbm>> -> memref<8x128xf32, #tpu.memory_space<hbm>>
      %dma_start3A_1150 = arith.constant 0 : i32
      %dma_start3A_1151 = arith.constant 384 : i32
      %dma_start3A_1152 = tpu.memref_slice %arg9[%dma_start3A_1150, %dma_start3A_1151] : memref<16x2048xf32, #tpu.memory_space<vmem>> -> memref<8x128xf32, #tpu.memory_space<vmem>>
      %dma_start3A_1153 = arith.constant 0 : i32
      %dma_start3A_1154 = tpu.memref_slice %arg4[%dma_start3A_1153, %multiple_of3A_1144] : memref<16x1000000xf32, #tpu.memory_space<hbm>> -> memref<8x128xf32, #tpu.memory_space<hbm>>
      tpu.enqueue_dma source(%dma_start3A_1154 : memref<8x128xf32, #tpu.memory_space<hbm>>) target(%dma_start3A_1152 : memref<8x128xf32, #tpu.memory_space<vmem>>) target_semaphore(%arg17 : memref<!tpu.dma_semaphore, #tpu.memory_space<semaphore_mem>>)
      %dma_start3A_1155 = arith.constant 8 : i32
      %dma_start3A_1156 = arith.constant 384 : i32
      %dma_start3A_1157 = tpu.memref_slice %arg9[%dma_start3A_1155, %dma_start3A_1156] : memref<16x2048xf32, #tpu.memory_space<vmem>> -> memref<8x128xf32, #tpu.memory_space<vmem>>
      %dma_start3A_1158 = arith.constant 8 : i32
      %dma_start3A_1159 = tpu.memref_slice %arg4[%dma_start3A_1158, %multiple_of3A_1144] : memref<16x1000000xf32, #tpu.memory_space<hbm>> -> memref<8x128xf32, #tpu.memory_space<hbm>>
      %dma_start3A_1160 = arith.constant 8 : i32
      %dma_start3A_1161 = arith.constant 384 : i32
      %dma_start3A_1162 = tpu.memref_slice %arg9[%dma_start3A_1160, %dma_start3A_1161] : memref<16x2048xf32, #tpu.memory_space<vmem>> -> memref<8x128xf32, #tpu.memory_space<vmem>>
      %dma_start3A_1163 = arith.constant 8 : i32
      %dma_start3A_1164 = tpu.memref_slice %arg4[%dma_start3A_1163, %multiple_of3A_1144] : memref<16x1000000xf32, #tpu.memory_space<hbm>> -> memref<8x128xf32, #tpu.memory_space<hbm>>
      tpu.enqueue_dma source(%dma_start3A_1164 : memref<8x128xf32, #tpu.memory_space<hbm>>) target(%dma_start3A_1162 : memref<8x128xf32, #tpu.memory_space<vmem>>) target_semaphore(%arg19 : memref<!tpu.dma_semaphore, #tpu.memory_space<semaphore_mem>>)
      %slice3A_1165 = vector.extract_strided_slice %get3A_1056 {offsets = [4], sizes = [1], strides = [1]} : vector<16xi32> to vector<1xi32>
      %squeeze3A_1166 = vector.extract %slice3A_1165[0] : i32 from vector<1xi32>
      %shift_right_logical3A_1167 = arith.constant 7 : i32
      %shift_right_logical3A_1168 = arith.shrui %squeeze3A_1166, %shift_right_logical3A_1167 : i32
      %mul3A_1169 = arith.constant 128 : i32
      %mul3A_1170 = arith.muli %shift_right_logical3A_1168, %mul3A_1169 : i32
      %multiple_of3A_1171 = tpu.assume_multiple %mul3A_1170, 128 : i32
      %dma_start3A_1172 = arith.constant 0 : i32
      %dma_start3A_1173 = arith.constant 512 : i32
      %dma_start3A_1174 = tpu.memref_slice %arg9[%dma_start3A_1172, %dma_start3A_1173] : memref<16x2048xf32, #tpu.memory_space<vmem>> -> memref<8x128xf32, #tpu.memory_space<vmem>>
      %dma_start3A_1175 = arith.constant 0 : i32
      %dma_start3A_1176 = tpu.memref_slice %arg4[%dma_start3A_1175, %multiple_of3A_1171] : memref<16x1000000xf32, #tpu.memory_space<hbm>> -> memref<8x128xf32, #tpu.memory_space<hbm>>
      %dma_start3A_1177 = arith.constant 0 : i32
      %dma_start3A_1178 = arith.constant 512 : i32
      %dma_start3A_1179 = tpu.memref_slice %arg9[%dma_start3A_1177, %dma_start3A_1178] : memref<16x2048xf32, #tpu.memory_space<vmem>> -> memref<8x128xf32, #tpu.memory_space<vmem>>
      %dma_start3A_1180 = arith.constant 0 : i32
      %dma_start3A_1181 = tpu.memref_slice %arg4[%dma_start3A_1180, %multiple_of3A_1171] : memref<16x1000000xf32, #tpu.memory_space<hbm>> -> memref<8x128xf32, #tpu.memory_space<hbm>>
      tpu.enqueue_dma source(%dma_start3A_1181 : memref<8x128xf32, #tpu.memory_space<hbm>>) target(%dma_start3A_1179 : memref<8x128xf32, #tpu.memory_space<vmem>>) target_semaphore(%arg16 : memref<!tpu.dma_semaphore, #tpu.memory_space<semaphore_mem>>)
      %dma_start3A_1182 = arith.constant 8 : i32
      %dma_start3A_1183 = arith.constant 512 : i32
      %dma_start3A_1184 = tpu.memref_slice %arg9[%dma_start3A_1182, %dma_start3A_1183] : memref<16x2048xf32, #tpu.memory_space<vmem>> -> memref<8x128xf32, #tpu.memory_space<vmem>>
      %dma_start3A_1185 = arith.constant 8 : i32
      %dma_start3A_1186 = tpu.memref_slice %arg4[%dma_start3A_1185, %multiple_of3A_1171] : memref<16x1000000xf32, #tpu.memory_space<hbm>> -> memref<8x128xf32, #tpu.memory_space<hbm>>
      %dma_start3A_1187 = arith.constant 8 : i32
      %dma_start3A_1188 = arith.constant 512 : i32
      %dma_start3A_1189 = tpu.memref_slice %arg9[%dma_start3A_1187, %dma_start3A_1188] : memref<16x2048xf32, #tpu.memory_space<vmem>> -> memref<8x128xf32, #tpu.memory_space<vmem>>
      %dma_start3A_1190 = arith.constant 8 : i32
      %dma_start3A_1191 = tpu.memref_slice %arg4[%dma_start3A_1190, %multiple_of3A_1171] : memref<16x1000000xf32, #tpu.memory_space<hbm>> -> memref<8x128xf32, #tpu.memory_space<hbm>>
      tpu.enqueue_dma source(%dma_start3A_1191 : memref<8x128xf32, #tpu.memory_space<hbm>>) target(%dma_start3A_1189 : memref<8x128xf32, #tpu.memory_space<vmem>>) target_semaphore(%arg18 : memref<!tpu.dma_semaphore, #tpu.memory_space<semaphore_mem>>)
      %slice3A_1192 = vector.extract_strided_slice %get3A_1056 {offsets = [5], sizes = [1], strides = [1]} : vector<16xi32> to vector<1xi32>
      %squeeze3A_1193 = vector.extract %slice3A_1192[0] : i32 from vector<1xi32>
      %shift_right_logical3A_1194 = arith.constant 7 : i32
      %shift_right_logical3A_1195 = arith.shrui %squeeze3A_1193, %shift_right_logical3A_1194 : i32
      %mul3A_1196 = arith.constant 128 : i32
      %mul3A_1197 = arith.muli %shift_right_logical3A_1195, %mul3A_1196 : i32
      %multiple_of3A_1198 = tpu.assume_multiple %mul3A_1197, 128 : i32
      %dma_start3A_1199 = arith.constant 0 : i32
      %dma_start3A_1200 = arith.constant 640 : i32
      %dma_start3A_1201 = tpu.memref_slice %arg9[%dma_start3A_1199, %dma_start3A_1200] : memref<16x2048xf32, #tpu.memory_space<vmem>> -> memref<8x128xf32, #tpu.memory_space<vmem>>
      %dma_start3A_1202 = arith.constant 0 : i32
      %dma_start3A_1203 = tpu.memref_slice %arg4[%dma_start3A_1202, %multiple_of3A_1198] : memref<16x1000000xf32, #tpu.memory_space<hbm>> -> memref<8x128xf32, #tpu.memory_space<hbm>>
      %dma_start3A_1204 = arith.constant 0 : i32
      %dma_start3A_1205 = arith.constant 640 : i32
      %dma_start3A_1206 = tpu.memref_slice %arg9[%dma_start3A_1204, %dma_start3A_1205] : memref<16x2048xf32, #tpu.memory_space<vmem>> -> memref<8x128xf32, #tpu.memory_space<vmem>>
      %dma_start3A_1207 = arith.constant 0 : i32
      %dma_start3A_1208 = tpu.memref_slice %arg4[%dma_start3A_1207, %multiple_of3A_1198] : memref<16x1000000xf32, #tpu.memory_space<hbm>> -> memref<8x128xf32, #tpu.memory_space<hbm>>
      tpu.enqueue_dma source(%dma_start3A_1208 : memref<8x128xf32, #tpu.memory_space<hbm>>) target(%dma_start3A_1206 : memref<8x128xf32, #tpu.memory_space<vmem>>) target_semaphore(%arg17 : memref<!tpu.dma_semaphore, #tpu.memory_space<semaphore_mem>>)
      %dma_start3A_1209 = arith.constant 8 : i32
      %dma_start3A_1210 = arith.constant 640 : i32
      %dma_start3A_1211 = tpu.memref_slice %arg9[%dma_start3A_1209, %dma_start3A_1210] : memref<16x2048xf32, #tpu.memory_space<vmem>> -> memref<8x128xf32, #tpu.memory_space<vmem>>
      %dma_start3A_1212 = arith.constant 8 : i32
      %dma_start3A_1213 = tpu.memref_slice %arg4[%dma_start3A_1212, %multiple_of3A_1198] : memref<16x1000000xf32, #tpu.memory_space<hbm>> -> memref<8x128xf32, #tpu.memory_space<hbm>>
      %dma_start3A_1214 = arith.constant 8 : i32
      %dma_start3A_1215 = arith.constant 640 : i32
      %dma_start3A_1216 = tpu.memref_slice %arg9[%dma_start3A_1214, %dma_start3A_1215] : memref<16x2048xf32, #tpu.memory_space<vmem>> -> memref<8x128xf32, #tpu.memory_space<vmem>>
      %dma_start3A_1217 = arith.constant 8 : i32
      %dma_start3A_1218 = tpu.memref_slice %arg4[%dma_start3A_1217, %multiple_of3A_1198] : memref<16x1000000xf32, #tpu.memory_space<hbm>> -> memref<8x128xf32, #tpu.memory_space<hbm>>
      tpu.enqueue_dma source(%dma_start3A_1218 : memref<8x128xf32, #tpu.memory_space<hbm>>) target(%dma_start3A_1216 : memref<8x128xf32, #tpu.memory_space<vmem>>) target_semaphore(%arg19 : memref<!tpu.dma_semaphore, #tpu.memory_space<semaphore_mem>>)
      %slice3A_1219 = vector.extract_strided_slice %get3A_1056 {offsets = [6], sizes = [1], strides = [1]} : vector<16xi32> to vector<1xi32>
      %squeeze3A_1220 = vector.extract %slice3A_1219[0] : i32 from vector<1xi32>
      %shift_right_logical3A_1221 = arith.constant 7 : i32
      %shift_right_logical3A_1222 = arith.shrui %squeeze3A_1220, %shift_right_logical3A_1221 : i32
      %mul3A_1223 = arith.constant 128 : i32
      %mul3A_1224 = arith.muli %shift_right_logical3A_1222, %mul3A_1223 : i32
      %multiple_of3A_1225 = tpu.assume_multiple %mul3A_1224, 128 : i32
      %dma_start3A_1226 = arith.constant 0 : i32
      %dma_start3A_1227 = arith.constant 768 : i32
      %dma_start3A_1228 = tpu.memref_slice %arg9[%dma_start3A_1226, %dma_start3A_1227] : memref<16x2048xf32, #tpu.memory_space<vmem>> -> memref<8x128xf32, #tpu.memory_space<vmem>>
      %dma_start3A_1229 = arith.constant 0 : i32
      %dma_start3A_1230 = tpu.memref_slice %arg4[%dma_start3A_1229, %multiple_of3A_1225] : memref<16x1000000xf32, #tpu.memory_space<hbm>> -> memref<8x128xf32, #tpu.memory_space<hbm>>
      %dma_start3A_1231 = arith.constant 0 : i32
      %dma_start3A_1232 = arith.constant 768 : i32
      %dma_start3A_1233 = tpu.memref_slice %arg9[%dma_start3A_1231, %dma_start3A_1232] : memref<16x2048xf32, #tpu.memory_space<vmem>> -> memref<8x128xf32, #tpu.memory_space<vmem>>
      %dma_start3A_1234 = arith.constant 0 : i32
      %dma_start3A_1235 = tpu.memref_slice %arg4[%dma_start3A_1234, %multiple_of3A_1225] : memref<16x1000000xf32, #tpu.memory_space<hbm>> -> memref<8x128xf32, #tpu.memory_space<hbm>>
      tpu.enqueue_dma source(%dma_start3A_1235 : memref<8x128xf32, #tpu.memory_space<hbm>>) target(%dma_start3A_1233 : memref<8x128xf32, #tpu.memory_space<vmem>>) target_semaphore(%arg16 : memref<!tpu.dma_semaphore, #tpu.memory_space<semaphore_mem>>)
      %dma_start3A_1236 = arith.constant 8 : i32
      %dma_start3A_1237 = arith.constant 768 : i32
      %dma_start3A_1238 = tpu.memref_slice %arg9[%dma_start3A_1236, %dma_start3A_1237] : memref<16x2048xf32, #tpu.memory_space<vmem>> -> memref<8x128xf32, #tpu.memory_space<vmem>>
      %dma_start3A_1239 = arith.constant 8 : i32
      %dma_start3A_1240 = tpu.memref_slice %arg4[%dma_start3A_1239, %multiple_of3A_1225] : memref<16x1000000xf32, #tpu.memory_space<hbm>> -> memref<8x128xf32, #tpu.memory_space<hbm>>
      %dma_start3A_1241 = arith.constant 8 : i32
      %dma_start3A_1242 = arith.constant 768 : i32
      %dma_start3A_1243 = tpu.memref_slice %arg9[%dma_start3A_1241, %dma_start3A_1242] : memref<16x2048xf32, #tpu.memory_space<vmem>> -> memref<8x128xf32, #tpu.memory_space<vmem>>
      %dma_start3A_1244 = arith.constant 8 : i32
      %dma_start3A_1245 = tpu.memref_slice %arg4[%dma_start3A_1244, %multiple_of3A_1225] : memref<16x1000000xf32, #tpu.memory_space<hbm>> -> memref<8x128xf32, #tpu.memory_space<hbm>>
      tpu.enqueue_dma source(%dma_start3A_1245 : memref<8x128xf32, #tpu.memory_space<hbm>>) target(%dma_start3A_1243 : memref<8x128xf32, #tpu.memory_space<vmem>>) target_semaphore(%arg18 : memref<!tpu.dma_semaphore, #tpu.memory_space<semaphore_mem>>)
      %slice3A_1246 = vector.extract_strided_slice %get3A_1056 {offsets = [7], sizes = [1], strides = [1]} : vector<16xi32> to vector<1xi32>
      %squeeze3A_1247 = vector.extract %slice3A_1246[0] : i32 from vector<1xi32>
      %shift_right_logical3A_1248 = arith.constant 7 : i32
      %shift_right_logical3A_1249 = arith.shrui %squeeze3A_1247, %shift_right_logical3A_1248 : i32
      %mul3A_1250 = arith.constant 128 : i32
      %mul3A_1251 = arith.muli %shift_right_logical3A_1249, %mul3A_1250 : i32
      %multiple_of3A_1252 = tpu.assume_multiple %mul3A_1251, 128 : i32
      %dma_start3A_1253 = arith.constant 0 : i32
      %dma_start3A_1254 = arith.constant 896 : i32
      %dma_start3A_1255 = tpu.memref_slice %arg9[%dma_start3A_1253, %dma_start3A_1254] : memref<16x2048xf32, #tpu.memory_space<vmem>> -> memref<8x128xf32, #tpu.memory_space<vmem>>
      %dma_start3A_1256 = arith.constant 0 : i32
      %dma_start3A_1257 = tpu.memref_slice %arg4[%dma_start3A_1256, %multiple_of3A_1252] : memref<16x1000000xf32, #tpu.memory_space<hbm>> -> memref<8x128xf32, #tpu.memory_space<hbm>>
      %dma_start3A_1258 = arith.constant 0 : i32
      %dma_start3A_1259 = arith.constant 896 : i32
      %dma_start3A_1260 = tpu.memref_slice %arg9[%dma_start3A_1258, %dma_start3A_1259] : memref<16x2048xf32, #tpu.memory_space<vmem>> -> memref<8x128xf32, #tpu.memory_space<vmem>>
      %dma_start3A_1261 = arith.constant 0 : i32
      %dma_start3A_1262 = tpu.memref_slice %arg4[%dma_start3A_1261, %multiple_of3A_1252] : memref<16x1000000xf32, #tpu.memory_space<hbm>> -> memref<8x128xf32, #tpu.memory_space<hbm>>
      tpu.enqueue_dma source(%dma_start3A_1262 : memref<8x128xf32, #tpu.memory_space<hbm>>) target(%dma_start3A_1260 : memref<8x128xf32, #tpu.memory_space<vmem>>) target_semaphore(%arg17 : memref<!tpu.dma_semaphore, #tpu.memory_space<semaphore_mem>>)
      %dma_start3A_1263 = arith.constant 8 : i32
      %dma_start3A_1264 = arith.constant 896 : i32
      %dma_start3A_1265 = tpu.memref_slice %arg9[%dma_start3A_1263, %dma_start3A_1264] : memref<16x2048xf32, #tpu.memory_space<vmem>> -> memref<8x128xf32, #tpu.memory_space<vmem>>
      %dma_start3A_1266 = arith.constant 8 : i32
      %dma_start3A_1267 = tpu.memref_slice %arg4[%dma_start3A_1266, %multiple_of3A_1252] : memref<16x1000000xf32, #tpu.memory_space<hbm>> -> memref<8x128xf32, #tpu.memory_space<hbm>>
      %dma_start3A_1268 = arith.constant 8 : i32
      %dma_start3A_1269 = arith.constant 896 : i32
      %dma_start3A_1270 = tpu.memref_slice %arg9[%dma_start3A_1268, %dma_start3A_1269] : memref<16x2048xf32, #tpu.memory_space<vmem>> -> memref<8x128xf32, #tpu.memory_space<vmem>>
      %dma_start3A_1271 = arith.constant 8 : i32
      %dma_start3A_1272 = tpu.memref_slice %arg4[%dma_start3A_1271, %multiple_of3A_1252] : memref<16x1000000xf32, #tpu.memory_space<hbm>> -> memref<8x128xf32, #tpu.memory_space<hbm>>
      tpu.enqueue_dma source(%dma_start3A_1272 : memref<8x128xf32, #tpu.memory_space<hbm>>) target(%dma_start3A_1270 : memref<8x128xf32, #tpu.memory_space<vmem>>) target_semaphore(%arg19 : memref<!tpu.dma_semaphore, #tpu.memory_space<semaphore_mem>>)
      %slice3A_1273 = vector.extract_strided_slice %get3A_1056 {offsets = [8], sizes = [1], strides = [1]} : vector<16xi32> to vector<1xi32>
      %squeeze3A_1274 = vector.extract %slice3A_1273[0] : i32 from vector<1xi32>
      %shift_right_logical3A_1275 = arith.constant 7 : i32
      %shift_right_logical3A_1276 = arith.shrui %squeeze3A_1274, %shift_right_logical3A_1275 : i32
      %mul3A_1277 = arith.constant 128 : i32
      %mul3A_1278 = arith.muli %shift_right_logical3A_1276, %mul3A_1277 : i32
      %multiple_of3A_1279 = tpu.assume_multiple %mul3A_1278, 128 : i32
      %dma_start3A_1280 = arith.constant 0 : i32
      %dma_start3A_1281 = arith.constant 1024 : i32
      %dma_start3A_1282 = tpu.memref_slice %arg9[%dma_start3A_1280, %dma_start3A_1281] : memref<16x2048xf32, #tpu.memory_space<vmem>> -> memref<8x128xf32, #tpu.memory_space<vmem>>
      %dma_start3A_1283 = arith.constant 0 : i32
      %dma_start3A_1284 = tpu.memref_slice %arg4[%dma_start3A_1283, %multiple_of3A_1279] : memref<16x1000000xf32, #tpu.memory_space<hbm>> -> memref<8x128xf32, #tpu.memory_space<hbm>>
      %dma_start3A_1285 = arith.constant 0 : i32
      %dma_start3A_1286 = arith.constant 1024 : i32
      %dma_start3A_1287 = tpu.memref_slice %arg9[%dma_start3A_1285, %dma_start3A_1286] : memref<16x2048xf32, #tpu.memory_space<vmem>> -> memref<8x128xf32, #tpu.memory_space<vmem>>
      %dma_start3A_1288 = arith.constant 0 : i32
      %dma_start3A_1289 = tpu.memref_slice %arg4[%dma_start3A_1288, %multiple_of3A_1279] : memref<16x1000000xf32, #tpu.memory_space<hbm>> -> memref<8x128xf32, #tpu.memory_space<hbm>>
      tpu.enqueue_dma source(%dma_start3A_1289 : memref<8x128xf32, #tpu.memory_space<hbm>>) target(%dma_start3A_1287 : memref<8x128xf32, #tpu.memory_space<vmem>>) target_semaphore(%arg16 : memref<!tpu.dma_semaphore, #tpu.memory_space<semaphore_mem>>)
      %dma_start3A_1290 = arith.constant 8 : i32
      %dma_start3A_1291 = arith.constant 1024 : i32
      %dma_start3A_1292 = tpu.memref_slice %arg9[%dma_start3A_1290, %dma_start3A_1291] : memref<16x2048xf32, #tpu.memory_space<vmem>> -> memref<8x128xf32, #tpu.memory_space<vmem>>
      %dma_start3A_1293 = arith.constant 8 : i32
      %dma_start3A_1294 = tpu.memref_slice %arg4[%dma_start3A_1293, %multiple_of3A_1279] : memref<16x1000000xf32, #tpu.memory_space<hbm>> -> memref<8x128xf32, #tpu.memory_space<hbm>>
      %dma_start3A_1295 = arith.constant 8 : i32
      %dma_start3A_1296 = arith.constant 1024 : i32
      %dma_start3A_1297 = tpu.memref_slice %arg9[%dma_start3A_1295, %dma_start3A_1296] : memref<16x2048xf32, #tpu.memory_space<vmem>> -> memref<8x128xf32, #tpu.memory_space<vmem>>
      %dma_start3A_1298 = arith.constant 8 : i32
      %dma_start3A_1299 = tpu.memref_slice %arg4[%dma_start3A_1298, %multiple_of3A_1279] : memref<16x1000000xf32, #tpu.memory_space<hbm>> -> memref<8x128xf32, #tpu.memory_space<hbm>>
      tpu.enqueue_dma source(%dma_start3A_1299 : memref<8x128xf32, #tpu.memory_space<hbm>>) target(%dma_start3A_1297 : memref<8x128xf32, #tpu.memory_space<vmem>>) target_semaphore(%arg18 : memref<!tpu.dma_semaphore, #tpu.memory_space<semaphore_mem>>)
      %slice3A_1300 = vector.extract_strided_slice %get3A_1056 {offsets = [9], sizes = [1], strides = [1]} : vector<16xi32> to vector<1xi32>
      %squeeze3A_1301 = vector.extract %slice3A_1300[0] : i32 from vector<1xi32>
      %shift_right_logical3A_1302 = arith.constant 7 : i32
      %shift_right_logical3A_1303 = arith.shrui %squeeze3A_1301, %shift_right_logical3A_1302 : i32
      %mul3A_1304 = arith.constant 128 : i32
      %mul3A_1305 = arith.muli %shift_right_logical3A_1303, %mul3A_1304 : i32
      %multiple_of3A_1306 = tpu.assume_multiple %mul3A_1305, 128 : i32
      %dma_start3A_1307 = arith.constant 0 : i32
      %dma_start3A_1308 = arith.constant 1152 : i32
      %dma_start3A_1309 = tpu.memref_slice %arg9[%dma_start3A_1307, %dma_start3A_1308] : memref<16x2048xf32, #tpu.memory_space<vmem>> -> memref<8x128xf32, #tpu.memory_space<vmem>>
      %dma_start3A_1310 = arith.constant 0 : i32
      %dma_start3A_1311 = tpu.memref_slice %arg4[%dma_start3A_1310, %multiple_of3A_1306] : memref<16x1000000xf32, #tpu.memory_space<hbm>> -> memref<8x128xf32, #tpu.memory_space<hbm>>
      %dma_start3A_1312 = arith.constant 0 : i32
      %dma_start3A_1313 = arith.constant 1152 : i32
      %dma_start3A_1314 = tpu.memref_slice %arg9[%dma_start3A_1312, %dma_start3A_1313] : memref<16x2048xf32, #tpu.memory_space<vmem>> -> memref<8x128xf32, #tpu.memory_space<vmem>>
      %dma_start3A_1315 = arith.constant 0 : i32
      %dma_start3A_1316 = tpu.memref_slice %arg4[%dma_start3A_1315, %multiple_of3A_1306] : memref<16x1000000xf32, #tpu.memory_space<hbm>> -> memref<8x128xf32, #tpu.memory_space<hbm>>
      tpu.enqueue_dma source(%dma_start3A_1316 : memref<8x128xf32, #tpu.memory_space<hbm>>) target(%dma_start3A_1314 : memref<8x128xf32, #tpu.memory_space<vmem>>) target_semaphore(%arg17 : memref<!tpu.dma_semaphore, #tpu.memory_space<semaphore_mem>>)
      %dma_start3A_1317 = arith.constant 8 : i32
      %dma_start3A_1318 = arith.constant 1152 : i32
      %dma_start3A_1319 = tpu.memref_slice %arg9[%dma_start3A_1317, %dma_start3A_1318] : memref<16x2048xf32, #tpu.memory_space<vmem>> -> memref<8x128xf32, #tpu.memory_space<vmem>>
      %dma_start3A_1320 = arith.constant 8 : i32
      %dma_start3A_1321 = tpu.memref_slice %arg4[%dma_start3A_1320, %multiple_of3A_1306] : memref<16x1000000xf32, #tpu.memory_space<hbm>> -> memref<8x128xf32, #tpu.memory_space<hbm>>
      %dma_start3A_1322 = arith.constant 8 : i32
      %dma_start3A_1323 = arith.constant 1152 : i32
      %dma_start3A_1324 = tpu.memref_slice %arg9[%dma_start3A_1322, %dma_start3A_1323] : memref<16x2048xf32, #tpu.memory_space<vmem>> -> memref<8x128xf32, #tpu.memory_space<vmem>>
      %dma_start3A_1325 = arith.constant 8 : i32
      %dma_start3A_1326 = tpu.memref_slice %arg4[%dma_start3A_1325, %multiple_of3A_1306] : memref<16x1000000xf32, #tpu.memory_space<hbm>> -> memref<8x128xf32, #tpu.memory_space<hbm>>
      tpu.enqueue_dma source(%dma_start3A_1326 : memref<8x128xf32, #tpu.memory_space<hbm>>) target(%dma_start3A_1324 : memref<8x128xf32, #tpu.memory_space<vmem>>) target_semaphore(%arg19 : memref<!tpu.dma_semaphore, #tpu.memory_space<semaphore_mem>>)
      %slice3A_1327 = vector.extract_strided_slice %get3A_1056 {offsets = [10], sizes = [1], strides = [1]} : vector<16xi32> to vector<1xi32>
      %squeeze3A_1328 = vector.extract %slice3A_1327[0] : i32 from vector<1xi32>
      %shift_right_logical3A_1329 = arith.constant 7 : i32
      %shift_right_logical3A_1330 = arith.shrui %squeeze3A_1328, %shift_right_logical3A_1329 : i32
      %mul3A_1331 = arith.constant 128 : i32
      %mul3A_1332 = arith.muli %shift_right_logical3A_1330, %mul3A_1331 : i32
      %multiple_of3A_1333 = tpu.assume_multiple %mul3A_1332, 128 : i32
      %dma_start3A_1334 = arith.constant 0 : i32
      %dma_start3A_1335 = arith.constant 1280 : i32
      %dma_start3A_1336 = tpu.memref_slice %arg9[%dma_start3A_1334, %dma_start3A_1335] : memref<16x2048xf32, #tpu.memory_space<vmem>> -> memref<8x128xf32, #tpu.memory_space<vmem>>
      %dma_start3A_1337 = arith.constant 0 : i32
      %dma_start3A_1338 = tpu.memref_slice %arg4[%dma_start3A_1337, %multiple_of3A_1333] : memref<16x1000000xf32, #tpu.memory_space<hbm>> -> memref<8x128xf32, #tpu.memory_space<hbm>>
      %dma_start3A_1339 = arith.constant 0 : i32
      %dma_start3A_1340 = arith.constant 1280 : i32
      %dma_start3A_1341 = tpu.memref_slice %arg9[%dma_start3A_1339, %dma_start3A_1340] : memref<16x2048xf32, #tpu.memory_space<vmem>> -> memref<8x128xf32, #tpu.memory_space<vmem>>
      %dma_start3A_1342 = arith.constant 0 : i32
      %dma_start3A_1343 = tpu.memref_slice %arg4[%dma_start3A_1342, %multiple_of3A_1333] : memref<16x1000000xf32, #tpu.memory_space<hbm>> -> memref<8x128xf32, #tpu.memory_space<hbm>>
      tpu.enqueue_dma source(%dma_start3A_1343 : memref<8x128xf32, #tpu.memory_space<hbm>>) target(%dma_start3A_1341 : memref<8x128xf32, #tpu.memory_space<vmem>>) target_semaphore(%arg16 : memref<!tpu.dma_semaphore, #tpu.memory_space<semaphore_mem>>)
      %dma_start3A_1344 = arith.constant 8 : i32
      %dma_start3A_1345 = arith.constant 1280 : i32
      %dma_start3A_1346 = tpu.memref_slice %arg9[%dma_start3A_1344, %dma_start3A_1345] : memref<16x2048xf32, #tpu.memory_space<vmem>> -> memref<8x128xf32, #tpu.memory_space<vmem>>
      %dma_start3A_1347 = arith.constant 8 : i32
      %dma_start3A_1348 = tpu.memref_slice %arg4[%dma_start3A_1347, %multiple_of3A_1333] : memref<16x1000000xf32, #tpu.memory_space<hbm>> -> memref<8x128xf32, #tpu.memory_space<hbm>>
      %dma_start3A_1349 = arith.constant 8 : i32
      %dma_start3A_1350 = arith.constant 1280 : i32
      %dma_start3A_1351 = tpu.memref_slice %arg9[%dma_start3A_1349, %dma_start3A_1350] : memref<16x2048xf32, #tpu.memory_space<vmem>> -> memref<8x128xf32, #tpu.memory_space<vmem>>
      %dma_start3A_1352 = arith.constant 8 : i32
      %dma_start3A_1353 = tpu.memref_slice %arg4[%dma_start3A_1352, %multiple_of3A_1333] : memref<16x1000000xf32, #tpu.memory_space<hbm>> -> memref<8x128xf32, #tpu.memory_space<hbm>>
      tpu.enqueue_dma source(%dma_start3A_1353 : memref<8x128xf32, #tpu.memory_space<hbm>>) target(%dma_start3A_1351 : memref<8x128xf32, #tpu.memory_space<vmem>>) target_semaphore(%arg18 : memref<!tpu.dma_semaphore, #tpu.memory_space<semaphore_mem>>)
      %slice3A_1354 = vector.extract_strided_slice %get3A_1056 {offsets = [11], sizes = [1], strides = [1]} : vector<16xi32> to vector<1xi32>
      %squeeze3A_1355 = vector.extract %slice3A_1354[0] : i32 from vector<1xi32>
      %shift_right_logical3A_1356 = arith.constant 7 : i32
      %shift_right_logical3A_1357 = arith.shrui %squeeze3A_1355, %shift_right_logical3A_1356 : i32
      %mul3A_1358 = arith.constant 128 : i32
      %mul3A_1359 = arith.muli %shift_right_logical3A_1357, %mul3A_1358 : i32
      %multiple_of3A_1360 = tpu.assume_multiple %mul3A_1359, 128 : i32
      %dma_start3A_1361 = arith.constant 0 : i32
      %dma_start3A_1362 = arith.constant 1408 : i32
      %dma_start3A_1363 = tpu.memref_slice %arg9[%dma_start3A_1361, %dma_start3A_1362] : memref<16x2048xf32, #tpu.memory_space<vmem>> -> memref<8x128xf32, #tpu.memory_space<vmem>>
      %dma_start3A_1364 = arith.constant 0 : i32
      %dma_start3A_1365 = tpu.memref_slice %arg4[%dma_start3A_1364, %multiple_of3A_1360] : memref<16x1000000xf32, #tpu.memory_space<hbm>> -> memref<8x128xf32, #tpu.memory_space<hbm>>
      %dma_start3A_1366 = arith.constant 0 : i32
      %dma_start3A_1367 = arith.constant 1408 : i32
      %dma_start3A_1368 = tpu.memref_slice %arg9[%dma_start3A_1366, %dma_start3A_1367] : memref<16x2048xf32, #tpu.memory_space<vmem>> -> memref<8x128xf32, #tpu.memory_space<vmem>>
      %dma_start3A_1369 = arith.constant 0 : i32
      %dma_start3A_1370 = tpu.memref_slice %arg4[%dma_start3A_1369, %multiple_of3A_1360] : memref<16x1000000xf32, #tpu.memory_space<hbm>> -> memref<8x128xf32, #tpu.memory_space<hbm>>
      tpu.enqueue_dma source(%dma_start3A_1370 : memref<8x128xf32, #tpu.memory_space<hbm>>) target(%dma_start3A_1368 : memref<8x128xf32, #tpu.memory_space<vmem>>) target_semaphore(%arg17 : memref<!tpu.dma_semaphore, #tpu.memory_space<semaphore_mem>>)
      %dma_start3A_1371 = arith.constant 8 : i32
      %dma_start3A_1372 = arith.constant 1408 : i32
      %dma_start3A_1373 = tpu.memref_slice %arg9[%dma_start3A_1371, %dma_start3A_1372] : memref<16x2048xf32, #tpu.memory_space<vmem>> -> memref<8x128xf32, #tpu.memory_space<vmem>>
      %dma_start3A_1374 = arith.constant 8 : i32
      %dma_start3A_1375 = tpu.memref_slice %arg4[%dma_start3A_1374, %multiple_of3A_1360] : memref<16x1000000xf32, #tpu.memory_space<hbm>> -> memref<8x128xf32, #tpu.memory_space<hbm>>
      %dma_start3A_1376 = arith.constant 8 : i32
      %dma_start3A_1377 = arith.constant 1408 : i32
      %dma_start3A_1378 = tpu.memref_slice %arg9[%dma_start3A_1376, %dma_start3A_1377] : memref<16x2048xf32, #tpu.memory_space<vmem>> -> memref<8x128xf32, #tpu.memory_space<vmem>>
      %dma_start3A_1379 = arith.constant 8 : i32
      %dma_start3A_1380 = tpu.memref_slice %arg4[%dma_start3A_1379, %multiple_of3A_1360] : memref<16x1000000xf32, #tpu.memory_space<hbm>> -> memref<8x128xf32, #tpu.memory_space<hbm>>
      tpu.enqueue_dma source(%dma_start3A_1380 : memref<8x128xf32, #tpu.memory_space<hbm>>) target(%dma_start3A_1378 : memref<8x128xf32, #tpu.memory_space<vmem>>) target_semaphore(%arg19 : memref<!tpu.dma_semaphore, #tpu.memory_space<semaphore_mem>>)
      %slice3A_1381 = vector.extract_strided_slice %get3A_1056 {offsets = [12], sizes = [1], strides = [1]} : vector<16xi32> to vector<1xi32>
      %squeeze3A_1382 = vector.extract %slice3A_1381[0] : i32 from vector<1xi32>
      %shift_right_logical3A_1383 = arith.constant 7 : i32
      %shift_right_logical3A_1384 = arith.shrui %squeeze3A_1382, %shift_right_logical3A_1383 : i32
      %mul3A_1385 = arith.constant 128 : i32
      %mul3A_1386 = arith.muli %shift_right_logical3A_1384, %mul3A_1385 : i32
      %multiple_of3A_1387 = tpu.assume_multiple %mul3A_1386, 128 : i32
      %dma_start3A_1388 = arith.constant 0 : i32
      %dma_start3A_1389 = arith.constant 1536 : i32
      %dma_start3A_1390 = tpu.memref_slice %arg9[%dma_start3A_1388, %dma_start3A_1389] : memref<16x2048xf32, #tpu.memory_space<vmem>> -> memref<8x128xf32, #tpu.memory_space<vmem>>
      %dma_start3A_1391 = arith.constant 0 : i32
      %dma_start3A_1392 = tpu.memref_slice %arg4[%dma_start3A_1391, %multiple_of3A_1387] : memref<16x1000000xf32, #tpu.memory_space<hbm>> -> memref<8x128xf32, #tpu.memory_space<hbm>>
      %dma_start3A_1393 = arith.constant 0 : i32
      %dma_start3A_1394 = arith.constant 1536 : i32
      %dma_start3A_1395 = tpu.memref_slice %arg9[%dma_start3A_1393, %dma_start3A_1394] : memref<16x2048xf32, #tpu.memory_space<vmem>> -> memref<8x128xf32, #tpu.memory_space<vmem>>
      %dma_start3A_1396 = arith.constant 0 : i32
      %dma_start3A_1397 = tpu.memref_slice %arg4[%dma_start3A_1396, %multiple_of3A_1387] : memref<16x1000000xf32, #tpu.memory_space<hbm>> -> memref<8x128xf32, #tpu.memory_space<hbm>>
      tpu.enqueue_dma source(%dma_start3A_1397 : memref<8x128xf32, #tpu.memory_space<hbm>>) target(%dma_start3A_1395 : memref<8x128xf32, #tpu.memory_space<vmem>>) target_semaphore(%arg16 : memref<!tpu.dma_semaphore, #tpu.memory_space<semaphore_mem>>)
      %dma_start3A_1398 = arith.constant 8 : i32
      %dma_start3A_1399 = arith.constant 1536 : i32
      %dma_start3A_1400 = tpu.memref_slice %arg9[%dma_start3A_1398, %dma_start3A_1399] : memref<16x2048xf32, #tpu.memory_space<vmem>> -> memref<8x128xf32, #tpu.memory_space<vmem>>
      %dma_start3A_1401 = arith.constant 8 : i32
      %dma_start3A_1402 = tpu.memref_slice %arg4[%dma_start3A_1401, %multiple_of3A_1387] : memref<16x1000000xf32, #tpu.memory_space<hbm>> -> memref<8x128xf32, #tpu.memory_space<hbm>>
      %dma_start3A_1403 = arith.constant 8 : i32
      %dma_start3A_1404 = arith.constant 1536 : i32
      %dma_start3A_1405 = tpu.memref_slice %arg9[%dma_start3A_1403, %dma_start3A_1404] : memref<16x2048xf32, #tpu.memory_space<vmem>> -> memref<8x128xf32, #tpu.memory_space<vmem>>
      %dma_start3A_1406 = arith.constant 8 : i32
      %dma_start3A_1407 = tpu.memref_slice %arg4[%dma_start3A_1406, %multiple_of3A_1387] : memref<16x1000000xf32, #tpu.memory_space<hbm>> -> memref<8x128xf32, #tpu.memory_space<hbm>>
      tpu.enqueue_dma source(%dma_start3A_1407 : memref<8x128xf32, #tpu.memory_space<hbm>>) target(%dma_start3A_1405 : memref<8x128xf32, #tpu.memory_space<vmem>>) target_semaphore(%arg18 : memref<!tpu.dma_semaphore, #tpu.memory_space<semaphore_mem>>)
      %slice3A_1408 = vector.extract_strided_slice %get3A_1056 {offsets = [13], sizes = [1], strides = [1]} : vector<16xi32> to vector<1xi32>
      %squeeze3A_1409 = vector.extract %slice3A_1408[0] : i32 from vector<1xi32>
      %shift_right_logical3A_1410 = arith.constant 7 : i32
      %shift_right_logical3A_1411 = arith.shrui %squeeze3A_1409, %shift_right_logical3A_1410 : i32
      %mul3A_1412 = arith.constant 128 : i32
      %mul3A_1413 = arith.muli %shift_right_logical3A_1411, %mul3A_1412 : i32
      %multiple_of3A_1414 = tpu.assume_multiple %mul3A_1413, 128 : i32
      %dma_start3A_1415 = arith.constant 0 : i32
      %dma_start3A_1416 = arith.constant 1664 : i32
      %dma_start3A_1417 = tpu.memref_slice %arg9[%dma_start3A_1415, %dma_start3A_1416] : memref<16x2048xf32, #tpu.memory_space<vmem>> -> memref<8x128xf32, #tpu.memory_space<vmem>>
      %dma_start3A_1418 = arith.constant 0 : i32
      %dma_start3A_1419 = tpu.memref_slice %arg4[%dma_start3A_1418, %multiple_of3A_1414] : memref<16x1000000xf32, #tpu.memory_space<hbm>> -> memref<8x128xf32, #tpu.memory_space<hbm>>
      %dma_start3A_1420 = arith.constant 0 : i32
      %dma_start3A_1421 = arith.constant 1664 : i32
      %dma_start3A_1422 = tpu.memref_slice %arg9[%dma_start3A_1420, %dma_start3A_1421] : memref<16x2048xf32, #tpu.memory_space<vmem>> -> memref<8x128xf32, #tpu.memory_space<vmem>>
      %dma_start3A_1423 = arith.constant 0 : i32
      %dma_start3A_1424 = tpu.memref_slice %arg4[%dma_start3A_1423, %multiple_of3A_1414] : memref<16x1000000xf32, #tpu.memory_space<hbm>> -> memref<8x128xf32, #tpu.memory_space<hbm>>
      tpu.enqueue_dma source(%dma_start3A_1424 : memref<8x128xf32, #tpu.memory_space<hbm>>) target(%dma_start3A_1422 : memref<8x128xf32, #tpu.memory_space<vmem>>) target_semaphore(%arg17 : memref<!tpu.dma_semaphore, #tpu.memory_space<semaphore_mem>>)
      %dma_start3A_1425 = arith.constant 8 : i32
      %dma_start3A_1426 = arith.constant 1664 : i32
      %dma_start3A_1427 = tpu.memref_slice %arg9[%dma_start3A_1425, %dma_start3A_1426] : memref<16x2048xf32, #tpu.memory_space<vmem>> -> memref<8x128xf32, #tpu.memory_space<vmem>>
      %dma_start3A_1428 = arith.constant 8 : i32
      %dma_start3A_1429 = tpu.memref_slice %arg4[%dma_start3A_1428, %multiple_of3A_1414] : memref<16x1000000xf32, #tpu.memory_space<hbm>> -> memref<8x128xf32, #tpu.memory_space<hbm>>
      %dma_start3A_1430 = arith.constant 8 : i32
      %dma_start3A_1431 = arith.constant 1664 : i32
      %dma_start3A_1432 = tpu.memref_slice %arg9[%dma_start3A_1430, %dma_start3A_1431] : memref<16x2048xf32, #tpu.memory_space<vmem>> -> memref<8x128xf32, #tpu.memory_space<vmem>>
      %dma_start3A_1433 = arith.constant 8 : i32
      %dma_start3A_1434 = tpu.memref_slice %arg4[%dma_start3A_1433, %multiple_of3A_1414] : memref<16x1000000xf32, #tpu.memory_space<hbm>> -> memref<8x128xf32, #tpu.memory_space<hbm>>
      tpu.enqueue_dma source(%dma_start3A_1434 : memref<8x128xf32, #tpu.memory_space<hbm>>) target(%dma_start3A_1432 : memref<8x128xf32, #tpu.memory_space<vmem>>) target_semaphore(%arg19 : memref<!tpu.dma_semaphore, #tpu.memory_space<semaphore_mem>>)
      %slice3A_1435 = vector.extract_strided_slice %get3A_1056 {offsets = [14], sizes = [1], strides = [1]} : vector<16xi32> to vector<1xi32>
      %squeeze3A_1436 = vector.extract %slice3A_1435[0] : i32 from vector<1xi32>
      %shift_right_logical3A_1437 = arith.constant 7 : i32
      %shift_right_logical3A_1438 = arith.shrui %squeeze3A_1436, %shift_right_logical3A_1437 : i32
      %mul3A_1439 = arith.constant 128 : i32
      %mul3A_1440 = arith.muli %shift_right_logical3A_1438, %mul3A_1439 : i32
      %multiple_of3A_1441 = tpu.assume_multiple %mul3A_1440, 128 : i32
      %dma_start3A_1442 = arith.constant 0 : i32
      %dma_start3A_1443 = arith.constant 1792 : i32
      %dma_start3A_1444 = tpu.memref_slice %arg9[%dma_start3A_1442, %dma_start3A_1443] : memref<16x2048xf32, #tpu.memory_space<vmem>> -> memref<8x128xf32, #tpu.memory_space<vmem>>
      %dma_start3A_1445 = arith.constant 0 : i32
      %dma_start3A_1446 = tpu.memref_slice %arg4[%dma_start3A_1445, %multiple_of3A_1441] : memref<16x1000000xf32, #tpu.memory_space<hbm>> -> memref<8x128xf32, #tpu.memory_space<hbm>>
      %dma_start3A_1447 = arith.constant 0 : i32
      %dma_start3A_1448 = arith.constant 1792 : i32
      %dma_start3A_1449 = tpu.memref_slice %arg9[%dma_start3A_1447, %dma_start3A_1448] : memref<16x2048xf32, #tpu.memory_space<vmem>> -> memref<8x128xf32, #tpu.memory_space<vmem>>
      %dma_start3A_1450 = arith.constant 0 : i32
      %dma_start3A_1451 = tpu.memref_slice %arg4[%dma_start3A_1450, %multiple_of3A_1441] : memref<16x1000000xf32, #tpu.memory_space<hbm>> -> memref<8x128xf32, #tpu.memory_space<hbm>>
      tpu.enqueue_dma source(%dma_start3A_1451 : memref<8x128xf32, #tpu.memory_space<hbm>>) target(%dma_start3A_1449 : memref<8x128xf32, #tpu.memory_space<vmem>>) target_semaphore(%arg16 : memref<!tpu.dma_semaphore, #tpu.memory_space<semaphore_mem>>)
      %dma_start3A_1452 = arith.constant 8 : i32
      %dma_start3A_1453 = arith.constant 1792 : i32
      %dma_start3A_1454 = tpu.memref_slice %arg9[%dma_start3A_1452, %dma_start3A_1453] : memref<16x2048xf32, #tpu.memory_space<vmem>> -> memref<8x128xf32, #tpu.memory_space<vmem>>
      %dma_start3A_1455 = arith.constant 8 : i32
      %dma_start3A_1456 = tpu.memref_slice %arg4[%dma_start3A_1455, %multiple_of3A_1441] : memref<16x1000000xf32, #tpu.memory_space<hbm>> -> memref<8x128xf32, #tpu.memory_space<hbm>>
      %dma_start3A_1457 = arith.constant 8 : i32
      %dma_start3A_1458 = arith.constant 1792 : i32
      %dma_start3A_1459 = tpu.memref_slice %arg9[%dma_start3A_1457, %dma_start3A_1458] : memref<16x2048xf32, #tpu.memory_space<vmem>> -> memref<8x128xf32, #tpu.memory_space<vmem>>
      %dma_start3A_1460 = arith.constant 8 : i32
      %dma_start3A_1461 = tpu.memref_slice %arg4[%dma_start3A_1460, %multiple_of3A_1441] : memref<16x1000000xf32, #tpu.memory_space<hbm>> -> memref<8x128xf32, #tpu.memory_space<hbm>>
      tpu.enqueue_dma source(%dma_start3A_1461 : memref<8x128xf32, #tpu.memory_space<hbm>>) target(%dma_start3A_1459 : memref<8x128xf32, #tpu.memory_space<vmem>>) target_semaphore(%arg18 : memref<!tpu.dma_semaphore, #tpu.memory_space<semaphore_mem>>)
      %slice3A_1462 = vector.extract_strided_slice %get3A_1056 {offsets = [15], sizes = [1], strides = [1]} : vector<16xi32> to vector<1xi32>
      %squeeze3A_1463 = vector.extract %slice3A_1462[0] : i32 from vector<1xi32>
      %shift_right_logical3A_1464 = arith.constant 7 : i32
      %shift_right_logical3A_1465 = arith.shrui %squeeze3A_1463, %shift_right_logical3A_1464 : i32
      %mul3A_1466 = arith.constant 128 : i32
      %mul3A_1467 = arith.muli %shift_right_logical3A_1465, %mul3A_1466 : i32
      %multiple_of3A_1468 = tpu.assume_multiple %mul3A_1467, 128 : i32
      %dma_start3A_1469 = arith.constant 0 : i32
      %dma_start3A_1470 = arith.constant 1920 : i32
      %dma_start3A_1471 = tpu.memref_slice %arg9[%dma_start3A_1469, %dma_start3A_1470] : memref<16x2048xf32, #tpu.memory_space<vmem>> -> memref<8x128xf32, #tpu.memory_space<vmem>>
      %dma_start3A_1472 = arith.constant 0 : i32
      %dma_start3A_1473 = tpu.memref_slice %arg4[%dma_start3A_1472, %multiple_of3A_1468] : memref<16x1000000xf32, #tpu.memory_space<hbm>> -> memref<8x128xf32, #tpu.memory_space<hbm>>
      %dma_start3A_1474 = arith.constant 0 : i32
      %dma_start3A_1475 = arith.constant 1920 : i32
      %dma_start3A_1476 = tpu.memref_slice %arg9[%dma_start3A_1474, %dma_start3A_1475] : memref<16x2048xf32, #tpu.memory_space<vmem>> -> memref<8x128xf32, #tpu.memory_space<vmem>>
      %dma_start3A_1477 = arith.constant 0 : i32
      %dma_start3A_1478 = tpu.memref_slice %arg4[%dma_start3A_1477, %multiple_of3A_1468] : memref<16x1000000xf32, #tpu.memory_space<hbm>> -> memref<8x128xf32, #tpu.memory_space<hbm>>
      tpu.enqueue_dma source(%dma_start3A_1478 : memref<8x128xf32, #tpu.memory_space<hbm>>) target(%dma_start3A_1476 : memref<8x128xf32, #tpu.memory_space<vmem>>) target_semaphore(%arg17 : memref<!tpu.dma_semaphore, #tpu.memory_space<semaphore_mem>>)
      %dma_start3A_1479 = arith.constant 8 : i32
      %dma_start3A_1480 = arith.constant 1920 : i32
      %dma_start3A_1481 = tpu.memref_slice %arg9[%dma_start3A_1479, %dma_start3A_1480] : memref<16x2048xf32, #tpu.memory_space<vmem>> -> memref<8x128xf32, #tpu.memory_space<vmem>>
      %dma_start3A_1482 = arith.constant 8 : i32
      %dma_start3A_1483 = tpu.memref_slice %arg4[%dma_start3A_1482, %multiple_of3A_1468] : memref<16x1000000xf32, #tpu.memory_space<hbm>> -> memref<8x128xf32, #tpu.memory_space<hbm>>
      %dma_start3A_1484 = arith.constant 8 : i32
      %dma_start3A_1485 = arith.constant 1920 : i32
      %dma_start3A_1486 = tpu.memref_slice %arg9[%dma_start3A_1484, %dma_start3A_1485] : memref<16x2048xf32, #tpu.memory_space<vmem>> -> memref<8x128xf32, #tpu.memory_space<vmem>>
      %dma_start3A_1487 = arith.constant 8 : i32
      %dma_start3A_1488 = tpu.memref_slice %arg4[%dma_start3A_1487, %multiple_of3A_1468] : memref<16x1000000xf32, #tpu.memory_space<hbm>> -> memref<8x128xf32, #tpu.memory_space<hbm>>
      tpu.enqueue_dma source(%dma_start3A_1488 : memref<8x128xf32, #tpu.memory_space<hbm>>) target(%dma_start3A_1486 : memref<8x128xf32, #tpu.memory_space<vmem>>) target_semaphore(%arg19 : memref<!tpu.dma_semaphore, #tpu.memory_space<semaphore_mem>>)
      %dma_wait3A_1489 = arith.constant 0 : i32
      %dma_wait3A_1490 = arith.constant 0 : i32
      %dma_wait3A_1491 = tpu.memref_slice %arg8[%dma_wait3A_1489, %dma_wait3A_1490] : memref<16x2048xf32, #tpu.memory_space<vmem>> -> memref<8x1024xf32, #tpu.memory_space<vmem>>
      %dma_wait3A_1492 = arith.constant 0 : i32
      %dma_wait3A_1493 = arith.constant 0 : i32
      %dma_wait3A_1494 = tpu.memref_slice %arg3[%dma_wait3A_1492, %dma_wait3A_1493] : memref<16x1000000xf32, #tpu.memory_space<hbm>> -> memref<8x1024xf32, #tpu.memory_space<hbm>>
      %dma_wait3A_1495 = arith.constant 0 : i32
      %dma_wait3A_1496 = arith.constant 0 : i32
      %dma_wait3A_1497 = tpu.memref_slice %arg8[%dma_wait3A_1495, %dma_wait3A_1496] : memref<16x2048xf32, #tpu.memory_space<vmem>> -> memref<8x1024xf32, #tpu.memory_space<vmem>>
      %dma_wait3A_1498 = arith.constant 0 : i32
      %dma_wait3A_1499 = arith.constant 0 : i32
      %dma_wait3A_1500 = tpu.memref_slice %arg3[%dma_wait3A_1498, %dma_wait3A_1499] : memref<16x1000000xf32, #tpu.memory_space<hbm>> -> memref<8x1024xf32, #tpu.memory_space<hbm>>
      tpu.wait_dma2 semaphore(%arg12 : memref<!tpu.dma_semaphore, #tpu.memory_space<semaphore_mem>>) src(%dma_wait3A_1500 : memref<8x1024xf32, #tpu.memory_space<hbm>>) dst(%dma_wait3A_1497 : memref<8x1024xf32, #tpu.memory_space<vmem>>)
      %dma_wait3A_1501 = arith.constant 0 : i32
      %dma_wait3A_1502 = arith.constant 0 : i32
      %dma_wait3A_1503 = tpu.memref_slice %arg8[%dma_wait3A_1501, %dma_wait3A_1502] : memref<16x2048xf32, #tpu.memory_space<vmem>> -> memref<8x1024xf32, #tpu.memory_space<vmem>>
      %dma_wait3A_1504 = arith.constant 0 : i32
      %dma_wait3A_1505 = arith.constant 0 : i32
      %dma_wait3A_1506 = tpu.memref_slice %arg3[%dma_wait3A_1504, %dma_wait3A_1505] : memref<16x1000000xf32, #tpu.memory_space<hbm>> -> memref<8x1024xf32, #tpu.memory_space<hbm>>
      %dma_wait3A_1507 = arith.constant 0 : i32
      %dma_wait3A_1508 = arith.constant 0 : i32
      %dma_wait3A_1509 = tpu.memref_slice %arg8[%dma_wait3A_1507, %dma_wait3A_1508] : memref<16x2048xf32, #tpu.memory_space<vmem>> -> memref<8x1024xf32, #tpu.memory_space<vmem>>
      %dma_wait3A_1510 = arith.constant 0 : i32
      %dma_wait3A_1511 = arith.constant 0 : i32
      %dma_wait3A_1512 = tpu.memref_slice %arg3[%dma_wait3A_1510, %dma_wait3A_1511] : memref<16x1000000xf32, #tpu.memory_space<hbm>> -> memref<8x1024xf32, #tpu.memory_space<hbm>>
      tpu.wait_dma2 semaphore(%arg13 : memref<!tpu.dma_semaphore, #tpu.memory_space<semaphore_mem>>) src(%dma_wait3A_1512 : memref<8x1024xf32, #tpu.memory_space<hbm>>) dst(%dma_wait3A_1509 : memref<8x1024xf32, #tpu.memory_space<vmem>>)
      %dma_wait3A_1513 = arith.constant 0 : i32
      %dma_wait3A_1514 = arith.constant 0 : i32
      %dma_wait3A_1515 = tpu.memref_slice %arg8[%dma_wait3A_1513, %dma_wait3A_1514] : memref<16x2048xf32, #tpu.memory_space<vmem>> -> memref<8x1024xf32, #tpu.memory_space<vmem>>
      %dma_wait3A_1516 = arith.constant 0 : i32
      %dma_wait3A_1517 = arith.constant 0 : i32
      %dma_wait3A_1518 = tpu.memref_slice %arg3[%dma_wait3A_1516, %dma_wait3A_1517] : memref<16x1000000xf32, #tpu.memory_space<hbm>> -> memref<8x1024xf32, #tpu.memory_space<hbm>>
      %dma_wait3A_1519 = arith.constant 0 : i32
      %dma_wait3A_1520 = arith.constant 0 : i32
      %dma_wait3A_1521 = tpu.memref_slice %arg8[%dma_wait3A_1519, %dma_wait3A_1520] : memref<16x2048xf32, #tpu.memory_space<vmem>> -> memref<8x1024xf32, #tpu.memory_space<vmem>>
      %dma_wait3A_1522 = arith.constant 0 : i32
      %dma_wait3A_1523 = arith.constant 0 : i32
      %dma_wait3A_1524 = tpu.memref_slice %arg3[%dma_wait3A_1522, %dma_wait3A_1523] : memref<16x1000000xf32, #tpu.memory_space<hbm>> -> memref<8x1024xf32, #tpu.memory_space<hbm>>
      tpu.wait_dma2 semaphore(%arg14 : memref<!tpu.dma_semaphore, #tpu.memory_space<semaphore_mem>>) src(%dma_wait3A_1524 : memref<8x1024xf32, #tpu.memory_space<hbm>>) dst(%dma_wait3A_1521 : memref<8x1024xf32, #tpu.memory_space<vmem>>)
      %dma_wait3A_1525 = arith.constant 0 : i32
      %dma_wait3A_1526 = arith.constant 0 : i32
      %dma_wait3A_1527 = tpu.memref_slice %arg8[%dma_wait3A_1525, %dma_wait3A_1526] : memref<16x2048xf32, #tpu.memory_space<vmem>> -> memref<8x1024xf32, #tpu.memory_space<vmem>>
      %dma_wait3A_1528 = arith.constant 0 : i32
      %dma_wait3A_1529 = arith.constant 0 : i32
      %dma_wait3A_1530 = tpu.memref_slice %arg3[%dma_wait3A_1528, %dma_wait3A_1529] : memref<16x1000000xf32, #tpu.memory_space<hbm>> -> memref<8x1024xf32, #tpu.memory_space<hbm>>
      %dma_wait3A_1531 = arith.constant 0 : i32
      %dma_wait3A_1532 = arith.constant 0 : i32
      %dma_wait3A_1533 = tpu.memref_slice %arg8[%dma_wait3A_1531, %dma_wait3A_1532] : memref<16x2048xf32, #tpu.memory_space<vmem>> -> memref<8x1024xf32, #tpu.memory_space<vmem>>
      %dma_wait3A_1534 = arith.constant 0 : i32
      %dma_wait3A_1535 = arith.constant 0 : i32
      %dma_wait3A_1536 = tpu.memref_slice %arg3[%dma_wait3A_1534, %dma_wait3A_1535] : memref<16x1000000xf32, #tpu.memory_space<hbm>> -> memref<8x1024xf32, #tpu.memory_space<hbm>>
      tpu.wait_dma2 semaphore(%arg15 : memref<!tpu.dma_semaphore, #tpu.memory_space<semaphore_mem>>) src(%dma_wait3A_1536 : memref<8x1024xf32, #tpu.memory_space<hbm>>) dst(%dma_wait3A_1533 : memref<8x1024xf32, #tpu.memory_space<vmem>>)
      %mul3A_1537 = arith.constant 16 : i32
      %mul3A_1538 = arith.muli %scan3A_1044, %mul3A_1537 : i32
      %div3A_1539 = arith.constant 128 : i32
      %div3A_1540 = arith.divsi %mul3A_1538, %div3A_1539 : i32
      %add3A_1541 = arith.constant 0 : i32
      %add3A_1542 = arith.addi %add3A_1541, %div3A_1540 : i32
      %rem3A_1543 = arith.constant 128 : i32
      %rem3A_1544 = arith.remsi %mul3A_1538, %rem3A_1543 : i32
      %get3A_1545 = arith.index_cast %add3A_1542 : i32 to index
      %get3A_1546 = arith.index_cast %rem3A_1544 : i32 to index
      %get3A_1547 = tpu.vector_load %arg7[%get3A_1545, %get3A_1546] {strides = array<i32>} : memref<8x128xi32, #tpu.memory_space<vmem>>, vector<16xi32>,
      %and3A_1548 = arith.constant 127 : i32
      %and3A_1549 = vector.broadcast %and3A_1548 : i32 to vector<16xi32>
      %and3A_1550 = arith.andi %get3A_1547, %and3A_1549 : vector<16xi32>
      %iota3A_1551 = tpu.iota {dimensions = array<i32: 0>} : vector<16xi32>
      %mul3A_1552 = arith.constant 128 : i32
      %mul3A_1553 = vector.broadcast %mul3A_1552 : i32 to vector<16xi32>
      %mul3A_1554 = arith.muli %iota3A_1551, %mul3A_1553 : vector<16xi32>
      %add3A_1555 = arith.addi %mul3A_1554, %and3A_1550 : vector<16xi32>
      %iota3A_1556 = tpu.iota {dimensions = array<i32: 0>} : vector<16xi32>
      %add3A_1557 = vector.broadcast %mul3A_1538 : i32 to vector<16xi32>
      %add3A_1558 = arith.addi %iota3A_1556, %add3A_1557 : vector<16xi32>
      %scan3A_1559 = arith.constant 0 : i32
      %scan3A_1560 = arith.constant 0 : i32
      %scan3A_1561 = arith.constant 16 : i32
      %scan3A_1562 = arith.addi %scan3A_1560, %scan3A_1561 : i32
      %scan3A_1563 = arith.constant 1 : i32
      %scan3A_1564 = scf.for %scan3A_2089 = %scan3A_1560 to %scan3A_1562 step %scan3A_1563 iter_args(%scan3A_2090 = %scan3A_1559) -> (i32)  : i32 {
        %broadcast_in_dim3A = arith.constant 0 : i32
        %broadcast_in_dim3A_2091 = vector.broadcast %broadcast_in_dim3A : i32 to vector<16xi32>
        %add3A_2092 = vector.broadcast %scan3A_2089 : i32 to vector<16xi32>
        %add3A_2093 = arith.addi %broadcast_in_dim3A_2091, %add3A_2092 : vector<16xi32>
        %gather3A = tpu.vector_load_idx %arg8[%add3A_2093, %add3A_1555] : memref<16x2048xf32, #tpu.memory_space<vmem>>[vector<16xi32>, vector<16xi32>], vector<16xf32>,
        tpu.vector_store_idx %arg10[%add3A_2093, %add3A_1558], %gather3A : memref<16x512xf32, #tpu.memory_space<vmem>>[vector<16xi32>, vector<16xi32>], vector<16xf32>,
        %scan3A_2094 = arith.constant 0 : i32
        scf.yield %scan3A_2094 : i32
      }
      %scan3A_1565 = arith.constant 16 : i32
      %add3A_1566 = arith.constant 1 : i32
      %add3A_1567 = arith.addi %scan3A_1044, %add3A_1566 : i32
      %mul3A_1568 = arith.constant 16 : i32
      %mul3A_1569 = arith.muli %add3A_1567, %mul3A_1568 : i32
      %div3A_1570 = arith.constant 128 : i32
      %div3A_1571 = arith.divsi %mul3A_1569, %div3A_1570 : i32
      %add3A_1572 = arith.constant 0 : i32
      %add3A_1573 = arith.addi %add3A_1572, %div3A_1571 : i32
      %rem3A_1574 = arith.constant 128 : i32
      %rem3A_1575 = arith.remsi %mul3A_1569, %rem3A_1574 : i32
      %get3A_1576 = arith.index_cast %add3A_1573 : i32 to index
      %get3A_1577 = arith.index_cast %rem3A_1575 : i32 to index
      %get3A_1578 = tpu.vector_load %arg7[%get3A_1576, %get3A_1577] {strides = array<i32>} : memref<8x128xi32, #tpu.memory_space<vmem>>, vector<16xi32>,
      %slice3A_1579 = vector.extract_strided_slice %get3A_1578 {offsets = [0], sizes = [1], strides = [1]} : vector<16xi32> to vector<1xi32>
      %squeeze3A_1580 = vector.extract %slice3A_1579[0] : i32 from vector<1xi32>
      %shift_right_logical3A_1581 = arith.constant 7 : i32
      %shift_right_logical3A_1582 = arith.shrui %squeeze3A_1580, %shift_right_logical3A_1581 : i32
      %mul3A_1583 = arith.constant 128 : i32
      %mul3A_1584 = arith.muli %shift_right_logical3A_1582, %mul3A_1583 : i32
      %multiple_of3A_1585 = tpu.assume_multiple %mul3A_1584, 128 : i32
      %dma_start3A_1586 = arith.constant 0 : i32
      %dma_start3A_1587 = arith.constant 0 : i32
      %dma_start3A_1588 = tpu.memref_slice %arg8[%dma_start3A_1586, %dma_start3A_1587] : memref<16x2048xf32, #tpu.memory_space<vmem>> -> memref<8x128xf32, #tpu.memory_space<vmem>>
      %dma_start3A_1589 = arith.constant 0 : i32
      %dma_start3A_1590 = tpu.memref_slice %arg3[%dma_start3A_1589, %multiple_of3A_1585] : memref<16x1000000xf32, #tpu.memory_space<hbm>> -> memref<8x128xf32, #tpu.memory_space<hbm>>
      %dma_start3A_1591 = arith.constant 0 : i32
      %dma_start3A_1592 = arith.constant 0 : i32
      %dma_start3A_1593 = tpu.memref_slice %arg8[%dma_start3A_1591, %dma_start3A_1592] : memref<16x2048xf32, #tpu.memory_space<vmem>> -> memref<8x128xf32, #tpu.memory_space<vmem>>
      %dma_start3A_1594 = arith.constant 0 : i32
      %dma_start3A_1595 = tpu.memref_slice %arg3[%dma_start3A_1594, %multiple_of3A_1585] : memref<16x1000000xf32, #tpu.memory_space<hbm>> -> memref<8x128xf32, #tpu.memory_space<hbm>>
      tpu.enqueue_dma source(%dma_start3A_1595 : memref<8x128xf32, #tpu.memory_space<hbm>>) target(%dma_start3A_1593 : memref<8x128xf32, #tpu.memory_space<vmem>>) target_semaphore(%arg12 : memref<!tpu.dma_semaphore, #tpu.memory_space<semaphore_mem>>)
      %dma_start3A_1596 = arith.constant 8 : i32
      %dma_start3A_1597 = arith.constant 0 : i32
      %dma_start3A_1598 = tpu.memref_slice %arg8[%dma_start3A_1596, %dma_start3A_1597] : memref<16x2048xf32, #tpu.memory_space<vmem>> -> memref<8x128xf32, #tpu.memory_space<vmem>>
      %dma_start3A_1599 = arith.constant 8 : i32
      %dma_start3A_1600 = tpu.memref_slice %arg3[%dma_start3A_1599, %multiple_of3A_1585] : memref<16x1000000xf32, #tpu.memory_space<hbm>> -> memref<8x128xf32, #tpu.memory_space<hbm>>
      %dma_start3A_1601 = arith.constant 8 : i32
      %dma_start3A_1602 = arith.constant 0 : i32
      %dma_start3A_1603 = tpu.memref_slice %arg8[%dma_start3A_1601, %dma_start3A_1602] : memref<16x2048xf32, #tpu.memory_space<vmem>> -> memref<8x128xf32, #tpu.memory_space<vmem>>
      %dma_start3A_1604 = arith.constant 8 : i32
      %dma_start3A_1605 = tpu.memref_slice %arg3[%dma_start3A_1604, %multiple_of3A_1585] : memref<16x1000000xf32, #tpu.memory_space<hbm>> -> memref<8x128xf32, #tpu.memory_space<hbm>>
      tpu.enqueue_dma source(%dma_start3A_1605 : memref<8x128xf32, #tpu.memory_space<hbm>>) target(%dma_start3A_1603 : memref<8x128xf32, #tpu.memory_space<vmem>>) target_semaphore(%arg14 : memref<!tpu.dma_semaphore, #tpu.memory_space<semaphore_mem>>)
      %slice3A_1606 = vector.extract_strided_slice %get3A_1578 {offsets = [1], sizes = [1], strides = [1]} : vector<16xi32> to vector<1xi32>
      %squeeze3A_1607 = vector.extract %slice3A_1606[0] : i32 from vector<1xi32>
      %shift_right_logical3A_1608 = arith.constant 7 : i32
      %shift_right_logical3A_1609 = arith.shrui %squeeze3A_1607, %shift_right_logical3A_1608 : i32
      %mul3A_1610 = arith.constant 128 : i32
      %mul3A_1611 = arith.muli %shift_right_logical3A_1609, %mul3A_1610 : i32
      %multiple_of3A_1612 = tpu.assume_multiple %mul3A_1611, 128 : i32
      %dma_start3A_1613 = arith.constant 0 : i32
      %dma_start3A_1614 = arith.constant 128 : i32
      %dma_start3A_1615 = tpu.memref_slice %arg8[%dma_start3A_1613, %dma_start3A_1614] : memref<16x2048xf32, #tpu.memory_space<vmem>> -> memref<8x128xf32, #tpu.memory_space<vmem>>
      %dma_start3A_1616 = arith.constant 0 : i32
      %dma_start3A_1617 = tpu.memref_slice %arg3[%dma_start3A_1616, %multiple_of3A_1612] : memref<16x1000000xf32, #tpu.memory_space<hbm>> -> memref<8x128xf32, #tpu.memory_space<hbm>>
      %dma_start3A_1618 = arith.constant 0 : i32
      %dma_start3A_1619 = arith.constant 128 : i32
      %dma_start3A_1620 = tpu.memref_slice %arg8[%dma_start3A_1618, %dma_start3A_1619] : memref<16x2048xf32, #tpu.memory_space<vmem>> -> memref<8x128xf32, #tpu.memory_space<vmem>>
      %dma_start3A_1621 = arith.constant 0 : i32
      %dma_start3A_1622 = tpu.memref_slice %arg3[%dma_start3A_1621, %multiple_of3A_1612] : memref<16x1000000xf32, #tpu.memory_space<hbm>> -> memref<8x128xf32, #tpu.memory_space<hbm>>
      tpu.enqueue_dma source(%dma_start3A_1622 : memref<8x128xf32, #tpu.memory_space<hbm>>) target(%dma_start3A_1620 : memref<8x128xf32, #tpu.memory_space<vmem>>) target_semaphore(%arg13 : memref<!tpu.dma_semaphore, #tpu.memory_space<semaphore_mem>>)
      %dma_start3A_1623 = arith.constant 8 : i32
      %dma_start3A_1624 = arith.constant 128 : i32
      %dma_start3A_1625 = tpu.memref_slice %arg8[%dma_start3A_1623, %dma_start3A_1624] : memref<16x2048xf32, #tpu.memory_space<vmem>> -> memref<8x128xf32, #tpu.memory_space<vmem>>
      %dma_start3A_1626 = arith.constant 8 : i32
      %dma_start3A_1627 = tpu.memref_slice %arg3[%dma_start3A_1626, %multiple_of3A_1612] : memref<16x1000000xf32, #tpu.memory_space<hbm>> -> memref<8x128xf32, #tpu.memory_space<hbm>>
      %dma_start3A_1628 = arith.constant 8 : i32
      %dma_start3A_1629 = arith.constant 128 : i32
      %dma_start3A_1630 = tpu.memref_slice %arg8[%dma_start3A_1628, %dma_start3A_1629] : memref<16x2048xf32, #tpu.memory_space<vmem>> -> memref<8x128xf32, #tpu.memory_space<vmem>>
      %dma_start3A_1631 = arith.constant 8 : i32
      %dma_start3A_1632 = tpu.memref_slice %arg3[%dma_start3A_1631, %multiple_of3A_1612] : memref<16x1000000xf32, #tpu.memory_space<hbm>> -> memref<8x128xf32, #tpu.memory_space<hbm>>
      tpu.enqueue_dma source(%dma_start3A_1632 : memref<8x128xf32, #tpu.memory_space<hbm>>) target(%dma_start3A_1630 : memref<8x128xf32, #tpu.memory_space<vmem>>) target_semaphore(%arg15 : memref<!tpu.dma_semaphore, #tpu.memory_space<semaphore_mem>>)
      %slice3A_1633 = vector.extract_strided_slice %get3A_1578 {offsets = [2], sizes = [1], strides = [1]} : vector<16xi32> to vector<1xi32>
      %squeeze3A_1634 = vector.extract %slice3A_1633[0] : i32 from vector<1xi32>
      %shift_right_logical3A_1635 = arith.constant 7 : i32
      %shift_right_logical3A_1636 = arith.shrui %squeeze3A_1634, %shift_right_logical3A_1635 : i32
      %mul3A_1637 = arith.constant 128 : i32
      %mul3A_1638 = arith.muli %shift_right_logical3A_1636, %mul3A_1637 : i32
      %multiple_of3A_1639 = tpu.assume_multiple %mul3A_1638, 128 : i32
      %dma_start3A_1640 = arith.constant 0 : i32
      %dma_start3A_1641 = arith.constant 256 : i32
      %dma_start3A_1642 = tpu.memref_slice %arg8[%dma_start3A_1640, %dma_start3A_1641] : memref<16x2048xf32, #tpu.memory_space<vmem>> -> memref<8x128xf32, #tpu.memory_space<vmem>>
      %dma_start3A_1643 = arith.constant 0 : i32
      %dma_start3A_1644 = tpu.memref_slice %arg3[%dma_start3A_1643, %multiple_of3A_1639] : memref<16x1000000xf32, #tpu.memory_space<hbm>> -> memref<8x128xf32, #tpu.memory_space<hbm>>
      %dma_start3A_1645 = arith.constant 0 : i32
      %dma_start3A_1646 = arith.constant 256 : i32
      %dma_start3A_1647 = tpu.memref_slice %arg8[%dma_start3A_1645, %dma_start3A_1646] : memref<16x2048xf32, #tpu.memory_space<vmem>> -> memref<8x128xf32, #tpu.memory_space<vmem>>
      %dma_start3A_1648 = arith.constant 0 : i32
      %dma_start3A_1649 = tpu.memref_slice %arg3[%dma_start3A_1648, %multiple_of3A_1639] : memref<16x1000000xf32, #tpu.memory_space<hbm>> -> memref<8x128xf32, #tpu.memory_space<hbm>>
      tpu.enqueue_dma source(%dma_start3A_1649 : memref<8x128xf32, #tpu.memory_space<hbm>>) target(%dma_start3A_1647 : memref<8x128xf32, #tpu.memory_space<vmem>>) target_semaphore(%arg12 : memref<!tpu.dma_semaphore, #tpu.memory_space<semaphore_mem>>)
      %dma_start3A_1650 = arith.constant 8 : i32
      %dma_start3A_1651 = arith.constant 256 : i32
      %dma_start3A_1652 = tpu.memref_slice %arg8[%dma_start3A_1650, %dma_start3A_1651] : memref<16x2048xf32, #tpu.memory_space<vmem>> -> memref<8x128xf32, #tpu.memory_space<vmem>>
      %dma_start3A_1653 = arith.constant 8 : i32
      %dma_start3A_1654 = tpu.memref_slice %arg3[%dma_start3A_1653, %multiple_of3A_1639] : memref<16x1000000xf32, #tpu.memory_space<hbm>> -> memref<8x128xf32, #tpu.memory_space<hbm>>
      %dma_start3A_1655 = arith.constant 8 : i32
      %dma_start3A_1656 = arith.constant 256 : i32
      %dma_start3A_1657 = tpu.memref_slice %arg8[%dma_start3A_1655, %dma_start3A_1656] : memref<16x2048xf32, #tpu.memory_space<vmem>> -> memref<8x128xf32, #tpu.memory_space<vmem>>
      %dma_start3A_1658 = arith.constant 8 : i32
      %dma_start3A_1659 = tpu.memref_slice %arg3[%dma_start3A_1658, %multiple_of3A_1639] : memref<16x1000000xf32, #tpu.memory_space<hbm>> -> memref<8x128xf32, #tpu.memory_space<hbm>>
      tpu.enqueue_dma source(%dma_start3A_1659 : memref<8x128xf32, #tpu.memory_space<hbm>>) target(%dma_start3A_1657 : memref<8x128xf32, #tpu.memory_space<vmem>>) target_semaphore(%arg14 : memref<!tpu.dma_semaphore, #tpu.memory_space<semaphore_mem>>)
      %slice3A_1660 = vector.extract_strided_slice %get3A_1578 {offsets = [3], sizes = [1], strides = [1]} : vector<16xi32> to vector<1xi32>
      %squeeze3A_1661 = vector.extract %slice3A_1660[0] : i32 from vector<1xi32>
      %shift_right_logical3A_1662 = arith.constant 7 : i32
      %shift_right_logical3A_1663 = arith.shrui %squeeze3A_1661, %shift_right_logical3A_1662 : i32
      %mul3A_1664 = arith.constant 128 : i32
      %mul3A_1665 = arith.muli %shift_right_logical3A_1663, %mul3A_1664 : i32
      %multiple_of3A_1666 = tpu.assume_multiple %mul3A_1665, 128 : i32
      %dma_start3A_1667 = arith.constant 0 : i32
      %dma_start3A_1668 = arith.constant 384 : i32
      %dma_start3A_1669 = tpu.memref_slice %arg8[%dma_start3A_1667, %dma_start3A_1668] : memref<16x2048xf32, #tpu.memory_space<vmem>> -> memref<8x128xf32, #tpu.memory_space<vmem>>
      %dma_start3A_1670 = arith.constant 0 : i32
      %dma_start3A_1671 = tpu.memref_slice %arg3[%dma_start3A_1670, %multiple_of3A_1666] : memref<16x1000000xf32, #tpu.memory_space<hbm>> -> memref<8x128xf32, #tpu.memory_space<hbm>>
      %dma_start3A_1672 = arith.constant 0 : i32
      %dma_start3A_1673 = arith.constant 384 : i32
      %dma_start3A_1674 = tpu.memref_slice %arg8[%dma_start3A_1672, %dma_start3A_1673] : memref<16x2048xf32, #tpu.memory_space<vmem>> -> memref<8x128xf32, #tpu.memory_space<vmem>>
      %dma_start3A_1675 = arith.constant 0 : i32
      %dma_start3A_1676 = tpu.memref_slice %arg3[%dma_start3A_1675, %multiple_of3A_1666] : memref<16x1000000xf32, #tpu.memory_space<hbm>> -> memref<8x128xf32, #tpu.memory_space<hbm>>
      tpu.enqueue_dma source(%dma_start3A_1676 : memref<8x128xf32, #tpu.memory_space<hbm>>) target(%dma_start3A_1674 : memref<8x128xf32, #tpu.memory_space<vmem>>) target_semaphore(%arg13 : memref<!tpu.dma_semaphore, #tpu.memory_space<semaphore_mem>>)
      %dma_start3A_1677 = arith.constant 8 : i32
      %dma_start3A_1678 = arith.constant 384 : i32
      %dma_start3A_1679 = tpu.memref_slice %arg8[%dma_start3A_1677, %dma_start3A_1678] : memref<16x2048xf32, #tpu.memory_space<vmem>> -> memref<8x128xf32, #tpu.memory_space<vmem>>
      %dma_start3A_1680 = arith.constant 8 : i32
      %dma_start3A_1681 = tpu.memref_slice %arg3[%dma_start3A_1680, %multiple_of3A_1666] : memref<16x1000000xf32, #tpu.memory_space<hbm>> -> memref<8x128xf32, #tpu.memory_space<hbm>>
      %dma_start3A_1682 = arith.constant 8 : i32
      %dma_start3A_1683 = arith.constant 384 : i32
      %dma_start3A_1684 = tpu.memref_slice %arg8[%dma_start3A_1682, %dma_start3A_1683] : memref<16x2048xf32, #tpu.memory_space<vmem>> -> memref<8x128xf32, #tpu.memory_space<vmem>>
      %dma_start3A_1685 = arith.constant 8 : i32
      %dma_start3A_1686 = tpu.memref_slice %arg3[%dma_start3A_1685, %multiple_of3A_1666] : memref<16x1000000xf32, #tpu.memory_space<hbm>> -> memref<8x128xf32, #tpu.memory_space<hbm>>
      tpu.enqueue_dma source(%dma_start3A_1686 : memref<8x128xf32, #tpu.memory_space<hbm>>) target(%dma_start3A_1684 : memref<8x128xf32, #tpu.memory_space<vmem>>) target_semaphore(%arg15 : memref<!tpu.dma_semaphore, #tpu.memory_space<semaphore_mem>>)
      %slice3A_1687 = vector.extract_strided_slice %get3A_1578 {offsets = [4], sizes = [1], strides = [1]} : vector<16xi32> to vector<1xi32>
      %squeeze3A_1688 = vector.extract %slice3A_1687[0] : i32 from vector<1xi32>
      %shift_right_logical3A_1689 = arith.constant 7 : i32
      %shift_right_logical3A_1690 = arith.shrui %squeeze3A_1688, %shift_right_logical3A_1689 : i32
      %mul3A_1691 = arith.constant 128 : i32
      %mul3A_1692 = arith.muli %shift_right_logical3A_1690, %mul3A_1691 : i32
      %multiple_of3A_1693 = tpu.assume_multiple %mul3A_1692, 128 : i32
      %dma_start3A_1694 = arith.constant 0 : i32
      %dma_start3A_1695 = arith.constant 512 : i32
      %dma_start3A_1696 = tpu.memref_slice %arg8[%dma_start3A_1694, %dma_start3A_1695] : memref<16x2048xf32, #tpu.memory_space<vmem>> -> memref<8x128xf32, #tpu.memory_space<vmem>>
      %dma_start3A_1697 = arith.constant 0 : i32
      %dma_start3A_1698 = tpu.memref_slice %arg3[%dma_start3A_1697, %multiple_of3A_1693] : memref<16x1000000xf32, #tpu.memory_space<hbm>> -> memref<8x128xf32, #tpu.memory_space<hbm>>
      %dma_start3A_1699 = arith.constant 0 : i32
      %dma_start3A_1700 = arith.constant 512 : i32
      %dma_start3A_1701 = tpu.memref_slice %arg8[%dma_start3A_1699, %dma_start3A_1700] : memref<16x2048xf32, #tpu.memory_space<vmem>> -> memref<8x128xf32, #tpu.memory_space<vmem>>
      %dma_start3A_1702 = arith.constant 0 : i32
      %dma_start3A_1703 = tpu.memref_slice %arg3[%dma_start3A_1702, %multiple_of3A_1693] : memref<16x1000000xf32, #tpu.memory_space<hbm>> -> memref<8x128xf32, #tpu.memory_space<hbm>>
      tpu.enqueue_dma source(%dma_start3A_1703 : memref<8x128xf32, #tpu.memory_space<hbm>>) target(%dma_start3A_1701 : memref<8x128xf32, #tpu.memory_space<vmem>>) target_semaphore(%arg12 : memref<!tpu.dma_semaphore, #tpu.memory_space<semaphore_mem>>)
      %dma_start3A_1704 = arith.constant 8 : i32
      %dma_start3A_1705 = arith.constant 512 : i32
      %dma_start3A_1706 = tpu.memref_slice %arg8[%dma_start3A_1704, %dma_start3A_1705] : memref<16x2048xf32, #tpu.memory_space<vmem>> -> memref<8x128xf32, #tpu.memory_space<vmem>>
      %dma_start3A_1707 = arith.constant 8 : i32
      %dma_start3A_1708 = tpu.memref_slice %arg3[%dma_start3A_1707, %multiple_of3A_1693] : memref<16x1000000xf32, #tpu.memory_space<hbm>> -> memref<8x128xf32, #tpu.memory_space<hbm>>
      %dma_start3A_1709 = arith.constant 8 : i32
      %dma_start3A_1710 = arith.constant 512 : i32
      %dma_start3A_1711 = tpu.memref_slice %arg8[%dma_start3A_1709, %dma_start3A_1710] : memref<16x2048xf32, #tpu.memory_space<vmem>> -> memref<8x128xf32, #tpu.memory_space<vmem>>
      %dma_start3A_1712 = arith.constant 8 : i32
      %dma_start3A_1713 = tpu.memref_slice %arg3[%dma_start3A_1712, %multiple_of3A_1693] : memref<16x1000000xf32, #tpu.memory_space<hbm>> -> memref<8x128xf32, #tpu.memory_space<hbm>>
      tpu.enqueue_dma source(%dma_start3A_1713 : memref<8x128xf32, #tpu.memory_space<hbm>>) target(%dma_start3A_1711 : memref<8x128xf32, #tpu.memory_space<vmem>>) target_semaphore(%arg14 : memref<!tpu.dma_semaphore, #tpu.memory_space<semaphore_mem>>)
      %slice3A_1714 = vector.extract_strided_slice %get3A_1578 {offsets = [5], sizes = [1], strides = [1]} : vector<16xi32> to vector<1xi32>
      %squeeze3A_1715 = vector.extract %slice3A_1714[0] : i32 from vector<1xi32>
      %shift_right_logical3A_1716 = arith.constant 7 : i32
      %shift_right_logical3A_1717 = arith.shrui %squeeze3A_1715, %shift_right_logical3A_1716 : i32
      %mul3A_1718 = arith.constant 128 : i32
      %mul3A_1719 = arith.muli %shift_right_logical3A_1717, %mul3A_1718 : i32
      %multiple_of3A_1720 = tpu.assume_multiple %mul3A_1719, 128 : i32
      %dma_start3A_1721 = arith.constant 0 : i32
      %dma_start3A_1722 = arith.constant 640 : i32
      %dma_start3A_1723 = tpu.memref_slice %arg8[%dma_start3A_1721, %dma_start3A_1722] : memref<16x2048xf32, #tpu.memory_space<vmem>> -> memref<8x128xf32, #tpu.memory_space<vmem>>
      %dma_start3A_1724 = arith.constant 0 : i32
      %dma_start3A_1725 = tpu.memref_slice %arg3[%dma_start3A_1724, %multiple_of3A_1720] : memref<16x1000000xf32, #tpu.memory_space<hbm>> -> memref<8x128xf32, #tpu.memory_space<hbm>>
      %dma_start3A_1726 = arith.constant 0 : i32
      %dma_start3A_1727 = arith.constant 640 : i32
      %dma_start3A_1728 = tpu.memref_slice %arg8[%dma_start3A_1726, %dma_start3A_1727] : memref<16x2048xf32, #tpu.memory_space<vmem>> -> memref<8x128xf32, #tpu.memory_space<vmem>>
      %dma_start3A_1729 = arith.constant 0 : i32
      %dma_start3A_1730 = tpu.memref_slice %arg3[%dma_start3A_1729, %multiple_of3A_1720] : memref<16x1000000xf32, #tpu.memory_space<hbm>> -> memref<8x128xf32, #tpu.memory_space<hbm>>
      tpu.enqueue_dma source(%dma_start3A_1730 : memref<8x128xf32, #tpu.memory_space<hbm>>) target(%dma_start3A_1728 : memref<8x128xf32, #tpu.memory_space<vmem>>) target_semaphore(%arg13 : memref<!tpu.dma_semaphore, #tpu.memory_space<semaphore_mem>>)
      %dma_start3A_1731 = arith.constant 8 : i32
      %dma_start3A_1732 = arith.constant 640 : i32
      %dma_start3A_1733 = tpu.memref_slice %arg8[%dma_start3A_1731, %dma_start3A_1732] : memref<16x2048xf32, #tpu.memory_space<vmem>> -> memref<8x128xf32, #tpu.memory_space<vmem>>
      %dma_start3A_1734 = arith.constant 8 : i32
      %dma_start3A_1735 = tpu.memref_slice %arg3[%dma_start3A_1734, %multiple_of3A_1720] : memref<16x1000000xf32, #tpu.memory_space<hbm>> -> memref<8x128xf32, #tpu.memory_space<hbm>>
      %dma_start3A_1736 = arith.constant 8 : i32
      %dma_start3A_1737 = arith.constant 640 : i32
      %dma_start3A_1738 = tpu.memref_slice %arg8[%dma_start3A_1736, %dma_start3A_1737] : memref<16x2048xf32, #tpu.memory_space<vmem>> -> memref<8x128xf32, #tpu.memory_space<vmem>>
      %dma_start3A_1739 = arith.constant 8 : i32
      %dma_start3A_1740 = tpu.memref_slice %arg3[%dma_start3A_1739, %multiple_of3A_1720] : memref<16x1000000xf32, #tpu.memory_space<hbm>> -> memref<8x128xf32, #tpu.memory_space<hbm>>
      tpu.enqueue_dma source(%dma_start3A_1740 : memref<8x128xf32, #tpu.memory_space<hbm>>) target(%dma_start3A_1738 : memref<8x128xf32, #tpu.memory_space<vmem>>) target_semaphore(%arg15 : memref<!tpu.dma_semaphore, #tpu.memory_space<semaphore_mem>>)
      %slice3A_1741 = vector.extract_strided_slice %get3A_1578 {offsets = [6], sizes = [1], strides = [1]} : vector<16xi32> to vector<1xi32>
      %squeeze3A_1742 = vector.extract %slice3A_1741[0] : i32 from vector<1xi32>
      %shift_right_logical3A_1743 = arith.constant 7 : i32
      %shift_right_logical3A_1744 = arith.shrui %squeeze3A_1742, %shift_right_logical3A_1743 : i32
      %mul3A_1745 = arith.constant 128 : i32
      %mul3A_1746 = arith.muli %shift_right_logical3A_1744, %mul3A_1745 : i32
      %multiple_of3A_1747 = tpu.assume_multiple %mul3A_1746, 128 : i32
      %dma_start3A_1748 = arith.constant 0 : i32
      %dma_start3A_1749 = arith.constant 768 : i32
      %dma_start3A_1750 = tpu.memref_slice %arg8[%dma_start3A_1748, %dma_start3A_1749] : memref<16x2048xf32, #tpu.memory_space<vmem>> -> memref<8x128xf32, #tpu.memory_space<vmem>>
      %dma_start3A_1751 = arith.constant 0 : i32
      %dma_start3A_1752 = tpu.memref_slice %arg3[%dma_start3A_1751, %multiple_of3A_1747] : memref<16x1000000xf32, #tpu.memory_space<hbm>> -> memref<8x128xf32, #tpu.memory_space<hbm>>
      %dma_start3A_1753 = arith.constant 0 : i32
      %dma_start3A_1754 = arith.constant 768 : i32
      %dma_start3A_1755 = tpu.memref_slice %arg8[%dma_start3A_1753, %dma_start3A_1754] : memref<16x2048xf32, #tpu.memory_space<vmem>> -> memref<8x128xf32, #tpu.memory_space<vmem>>
      %dma_start3A_1756 = arith.constant 0 : i32
      %dma_start3A_1757 = tpu.memref_slice %arg3[%dma_start3A_1756, %multiple_of3A_1747] : memref<16x1000000xf32, #tpu.memory_space<hbm>> -> memref<8x128xf32, #tpu.memory_space<hbm>>
      tpu.enqueue_dma source(%dma_start3A_1757 : memref<8x128xf32, #tpu.memory_space<hbm>>) target(%dma_start3A_1755 : memref<8x128xf32, #tpu.memory_space<vmem>>) target_semaphore(%arg12 : memref<!tpu.dma_semaphore, #tpu.memory_space<semaphore_mem>>)
      %dma_start3A_1758 = arith.constant 8 : i32
      %dma_start3A_1759 = arith.constant 768 : i32
      %dma_start3A_1760 = tpu.memref_slice %arg8[%dma_start3A_1758, %dma_start3A_1759] : memref<16x2048xf32, #tpu.memory_space<vmem>> -> memref<8x128xf32, #tpu.memory_space<vmem>>
      %dma_start3A_1761 = arith.constant 8 : i32
      %dma_start3A_1762 = tpu.memref_slice %arg3[%dma_start3A_1761, %multiple_of3A_1747] : memref<16x1000000xf32, #tpu.memory_space<hbm>> -> memref<8x128xf32, #tpu.memory_space<hbm>>
      %dma_start3A_1763 = arith.constant 8 : i32
      %dma_start3A_1764 = arith.constant 768 : i32
      %dma_start3A_1765 = tpu.memref_slice %arg8[%dma_start3A_1763, %dma_start3A_1764] : memref<16x2048xf32, #tpu.memory_space<vmem>> -> memref<8x128xf32, #tpu.memory_space<vmem>>
      %dma_start3A_1766 = arith.constant 8 : i32
      %dma_start3A_1767 = tpu.memref_slice %arg3[%dma_start3A_1766, %multiple_of3A_1747] : memref<16x1000000xf32, #tpu.memory_space<hbm>> -> memref<8x128xf32, #tpu.memory_space<hbm>>
      tpu.enqueue_dma source(%dma_start3A_1767 : memref<8x128xf32, #tpu.memory_space<hbm>>) target(%dma_start3A_1765 : memref<8x128xf32, #tpu.memory_space<vmem>>) target_semaphore(%arg14 : memref<!tpu.dma_semaphore, #tpu.memory_space<semaphore_mem>>)
      %slice3A_1768 = vector.extract_strided_slice %get3A_1578 {offsets = [7], sizes = [1], strides = [1]} : vector<16xi32> to vector<1xi32>
      %squeeze3A_1769 = vector.extract %slice3A_1768[0] : i32 from vector<1xi32>
      %shift_right_logical3A_1770 = arith.constant 7 : i32
      %shift_right_logical3A_1771 = arith.shrui %squeeze3A_1769, %shift_right_logical3A_1770 : i32
      %mul3A_1772 = arith.constant 128 : i32
      %mul3A_1773 = arith.muli %shift_right_logical3A_1771, %mul3A_1772 : i32
      %multiple_of3A_1774 = tpu.assume_multiple %mul3A_1773, 128 : i32
      %dma_start3A_1775 = arith.constant 0 : i32
      %dma_start3A_1776 = arith.constant 896 : i32
      %dma_start3A_1777 = tpu.memref_slice %arg8[%dma_start3A_1775, %dma_start3A_1776] : memref<16x2048xf32, #tpu.memory_space<vmem>> -> memref<8x128xf32, #tpu.memory_space<vmem>>
      %dma_start3A_1778 = arith.constant 0 : i32
      %dma_start3A_1779 = tpu.memref_slice %arg3[%dma_start3A_1778, %multiple_of3A_1774] : memref<16x1000000xf32, #tpu.memory_space<hbm>> -> memref<8x128xf32, #tpu.memory_space<hbm>>
      %dma_start3A_1780 = arith.constant 0 : i32
      %dma_start3A_1781 = arith.constant 896 : i32
      %dma_start3A_1782 = tpu.memref_slice %arg8[%dma_start3A_1780, %dma_start3A_1781] : memref<16x2048xf32, #tpu.memory_space<vmem>> -> memref<8x128xf32, #tpu.memory_space<vmem>>
      %dma_start3A_1783 = arith.constant 0 : i32
      %dma_start3A_1784 = tpu.memref_slice %arg3[%dma_start3A_1783, %multiple_of3A_1774] : memref<16x1000000xf32, #tpu.memory_space<hbm>> -> memref<8x128xf32, #tpu.memory_space<hbm>>
      tpu.enqueue_dma source(%dma_start3A_1784 : memref<8x128xf32, #tpu.memory_space<hbm>>) target(%dma_start3A_1782 : memref<8x128xf32, #tpu.memory_space<vmem>>) target_semaphore(%arg13 : memref<!tpu.dma_semaphore, #tpu.memory_space<semaphore_mem>>)
      %dma_start3A_1785 = arith.constant 8 : i32
      %dma_start3A_1786 = arith.constant 896 : i32
      %dma_start3A_1787 = tpu.memref_slice %arg8[%dma_start3A_1785, %dma_start3A_1786] : memref<16x2048xf32, #tpu.memory_space<vmem>> -> memref<8x128xf32, #tpu.memory_space<vmem>>
      %dma_start3A_1788 = arith.constant 8 : i32
      %dma_start3A_1789 = tpu.memref_slice %arg3[%dma_start3A_1788, %multiple_of3A_1774] : memref<16x1000000xf32, #tpu.memory_space<hbm>> -> memref<8x128xf32, #tpu.memory_space<hbm>>
      %dma_start3A_1790 = arith.constant 8 : i32
      %dma_start3A_1791 = arith.constant 896 : i32
      %dma_start3A_1792 = tpu.memref_slice %arg8[%dma_start3A_1790, %dma_start3A_1791] : memref<16x2048xf32, #tpu.memory_space<vmem>> -> memref<8x128xf32, #tpu.memory_space<vmem>>
      %dma_start3A_1793 = arith.constant 8 : i32
      %dma_start3A_1794 = tpu.memref_slice %arg3[%dma_start3A_1793, %multiple_of3A_1774] : memref<16x1000000xf32, #tpu.memory_space<hbm>> -> memref<8x128xf32, #tpu.memory_space<hbm>>
      tpu.enqueue_dma source(%dma_start3A_1794 : memref<8x128xf32, #tpu.memory_space<hbm>>) target(%dma_start3A_1792 : memref<8x128xf32, #tpu.memory_space<vmem>>) target_semaphore(%arg15 : memref<!tpu.dma_semaphore, #tpu.memory_space<semaphore_mem>>)
      %slice3A_1795 = vector.extract_strided_slice %get3A_1578 {offsets = [8], sizes = [1], strides = [1]} : vector<16xi32> to vector<1xi32>
      %squeeze3A_1796 = vector.extract %slice3A_1795[0] : i32 from vector<1xi32>
      %shift_right_logical3A_1797 = arith.constant 7 : i32
      %shift_right_logical3A_1798 = arith.shrui %squeeze3A_1796, %shift_right_logical3A_1797 : i32
      %mul3A_1799 = arith.constant 128 : i32
      %mul3A_1800 = arith.muli %shift_right_logical3A_1798, %mul3A_1799 : i32
      %multiple_of3A_1801 = tpu.assume_multiple %mul3A_1800, 128 : i32
      %dma_start3A_1802 = arith.constant 0 : i32
      %dma_start3A_1803 = arith.constant 1024 : i32
      %dma_start3A_1804 = tpu.memref_slice %arg8[%dma_start3A_1802, %dma_start3A_1803] : memref<16x2048xf32, #tpu.memory_space<vmem>> -> memref<8x128xf32, #tpu.memory_space<vmem>>
      %dma_start3A_1805 = arith.constant 0 : i32
      %dma_start3A_1806 = tpu.memref_slice %arg3[%dma_start3A_1805, %multiple_of3A_1801] : memref<16x1000000xf32, #tpu.memory_space<hbm>> -> memref<8x128xf32, #tpu.memory_space<hbm>>
      %dma_start3A_1807 = arith.constant 0 : i32
      %dma_start3A_1808 = arith.constant 1024 : i32
      %dma_start3A_1809 = tpu.memref_slice %arg8[%dma_start3A_1807, %dma_start3A_1808] : memref<16x2048xf32, #tpu.memory_space<vmem>> -> memref<8x128xf32, #tpu.memory_space<vmem>>
      %dma_start3A_1810 = arith.constant 0 : i32
      %dma_start3A_1811 = tpu.memref_slice %arg3[%dma_start3A_1810, %multiple_of3A_1801] : memref<16x1000000xf32, #tpu.memory_space<hbm>> -> memref<8x128xf32, #tpu.memory_space<hbm>>
      tpu.enqueue_dma source(%dma_start3A_1811 : memref<8x128xf32, #tpu.memory_space<hbm>>) target(%dma_start3A_1809 : memref<8x128xf32, #tpu.memory_space<vmem>>) target_semaphore(%arg12 : memref<!tpu.dma_semaphore, #tpu.memory_space<semaphore_mem>>)
      %dma_start3A_1812 = arith.constant 8 : i32
      %dma_start3A_1813 = arith.constant 1024 : i32
      %dma_start3A_1814 = tpu.memref_slice %arg8[%dma_start3A_1812, %dma_start3A_1813] : memref<16x2048xf32, #tpu.memory_space<vmem>> -> memref<8x128xf32, #tpu.memory_space<vmem>>
      %dma_start3A_1815 = arith.constant 8 : i32
      %dma_start3A_1816 = tpu.memref_slice %arg3[%dma_start3A_1815, %multiple_of3A_1801] : memref<16x1000000xf32, #tpu.memory_space<hbm>> -> memref<8x128xf32, #tpu.memory_space<hbm>>
      %dma_start3A_1817 = arith.constant 8 : i32
      %dma_start3A_1818 = arith.constant 1024 : i32
      %dma_start3A_1819 = tpu.memref_slice %arg8[%dma_start3A_1817, %dma_start3A_1818] : memref<16x2048xf32, #tpu.memory_space<vmem>> -> memref<8x128xf32, #tpu.memory_space<vmem>>
      %dma_start3A_1820 = arith.constant 8 : i32
      %dma_start3A_1821 = tpu.memref_slice %arg3[%dma_start3A_1820, %multiple_of3A_1801] : memref<16x1000000xf32, #tpu.memory_space<hbm>> -> memref<8x128xf32, #tpu.memory_space<hbm>>
      tpu.enqueue_dma source(%dma_start3A_1821 : memref<8x128xf32, #tpu.memory_space<hbm>>) target(%dma_start3A_1819 : memref<8x128xf32, #tpu.memory_space<vmem>>) target_semaphore(%arg14 : memref<!tpu.dma_semaphore, #tpu.memory_space<semaphore_mem>>)
      %slice3A_1822 = vector.extract_strided_slice %get3A_1578 {offsets = [9], sizes = [1], strides = [1]} : vector<16xi32> to vector<1xi32>
      %squeeze3A_1823 = vector.extract %slice3A_1822[0] : i32 from vector<1xi32>
      %shift_right_logical3A_1824 = arith.constant 7 : i32
      %shift_right_logical3A_1825 = arith.shrui %squeeze3A_1823, %shift_right_logical3A_1824 : i32
      %mul3A_1826 = arith.constant 128 : i32
      %mul3A_1827 = arith.muli %shift_right_logical3A_1825, %mul3A_1826 : i32
      %multiple_of3A_1828 = tpu.assume_multiple %mul3A_1827, 128 : i32
      %dma_start3A_1829 = arith.constant 0 : i32
      %dma_start3A_1830 = arith.constant 1152 : i32
      %dma_start3A_1831 = tpu.memref_slice %arg8[%dma_start3A_1829, %dma_start3A_1830] : memref<16x2048xf32, #tpu.memory_space<vmem>> -> memref<8x128xf32, #tpu.memory_space<vmem>>
      %dma_start3A_1832 = arith.constant 0 : i32
      %dma_start3A_1833 = tpu.memref_slice %arg3[%dma_start3A_1832, %multiple_of3A_1828] : memref<16x1000000xf32, #tpu.memory_space<hbm>> -> memref<8x128xf32, #tpu.memory_space<hbm>>
      %dma_start3A_1834 = arith.constant 0 : i32
      %dma_start3A_1835 = arith.constant 1152 : i32
      %dma_start3A_1836 = tpu.memref_slice %arg8[%dma_start3A_1834, %dma_start3A_1835] : memref<16x2048xf32, #tpu.memory_space<vmem>> -> memref<8x128xf32, #tpu.memory_space<vmem>>
      %dma_start3A_1837 = arith.constant 0 : i32
      %dma_start3A_1838 = tpu.memref_slice %arg3[%dma_start3A_1837, %multiple_of3A_1828] : memref<16x1000000xf32, #tpu.memory_space<hbm>> -> memref<8x128xf32, #tpu.memory_space<hbm>>
      tpu.enqueue_dma source(%dma_start3A_1838 : memref<8x128xf32, #tpu.memory_space<hbm>>) target(%dma_start3A_1836 : memref<8x128xf32, #tpu.memory_space<vmem>>) target_semaphore(%arg13 : memref<!tpu.dma_semaphore, #tpu.memory_space<semaphore_mem>>)
      %dma_start3A_1839 = arith.constant 8 : i32
      %dma_start3A_1840 = arith.constant 1152 : i32
      %dma_start3A_1841 = tpu.memref_slice %arg8[%dma_start3A_1839, %dma_start3A_1840] : memref<16x2048xf32, #tpu.memory_space<vmem>> -> memref<8x128xf32, #tpu.memory_space<vmem>>
      %dma_start3A_1842 = arith.constant 8 : i32
      %dma_start3A_1843 = tpu.memref_slice %arg3[%dma_start3A_1842, %multiple_of3A_1828] : memref<16x1000000xf32, #tpu.memory_space<hbm>> -> memref<8x128xf32, #tpu.memory_space<hbm>>
      %dma_start3A_1844 = arith.constant 8 : i32
      %dma_start3A_1845 = arith.constant 1152 : i32
      %dma_start3A_1846 = tpu.memref_slice %arg8[%dma_start3A_1844, %dma_start3A_1845] : memref<16x2048xf32, #tpu.memory_space<vmem>> -> memref<8x128xf32, #tpu.memory_space<vmem>>
      %dma_start3A_1847 = arith.constant 8 : i32
      %dma_start3A_1848 = tpu.memref_slice %arg3[%dma_start3A_1847, %multiple_of3A_1828] : memref<16x1000000xf32, #tpu.memory_space<hbm>> -> memref<8x128xf32, #tpu.memory_space<hbm>>
      tpu.enqueue_dma source(%dma_start3A_1848 : memref<8x128xf32, #tpu.memory_space<hbm>>) target(%dma_start3A_1846 : memref<8x128xf32, #tpu.memory_space<vmem>>) target_semaphore(%arg15 : memref<!tpu.dma_semaphore, #tpu.memory_space<semaphore_mem>>)
      %slice3A_1849 = vector.extract_strided_slice %get3A_1578 {offsets = [10], sizes = [1], strides = [1]} : vector<16xi32> to vector<1xi32>
      %squeeze3A_1850 = vector.extract %slice3A_1849[0] : i32 from vector<1xi32>
      %shift_right_logical3A_1851 = arith.constant 7 : i32
      %shift_right_logical3A_1852 = arith.shrui %squeeze3A_1850, %shift_right_logical3A_1851 : i32
      %mul3A_1853 = arith.constant 128 : i32
      %mul3A_1854 = arith.muli %shift_right_logical3A_1852, %mul3A_1853 : i32
      %multiple_of3A_1855 = tpu.assume_multiple %mul3A_1854, 128 : i32
      %dma_start3A_1856 = arith.constant 0 : i32
      %dma_start3A_1857 = arith.constant 1280 : i32
      %dma_start3A_1858 = tpu.memref_slice %arg8[%dma_start3A_1856, %dma_start3A_1857] : memref<16x2048xf32, #tpu.memory_space<vmem>> -> memref<8x128xf32, #tpu.memory_space<vmem>>
      %dma_start3A_1859 = arith.constant 0 : i32
      %dma_start3A_1860 = tpu.memref_slice %arg3[%dma_start3A_1859, %multiple_of3A_1855] : memref<16x1000000xf32, #tpu.memory_space<hbm>> -> memref<8x128xf32, #tpu.memory_space<hbm>>
      %dma_start3A_1861 = arith.constant 0 : i32
      %dma_start3A_1862 = arith.constant 1280 : i32
      %dma_start3A_1863 = tpu.memref_slice %arg8[%dma_start3A_1861, %dma_start3A_1862] : memref<16x2048xf32, #tpu.memory_space<vmem>> -> memref<8x128xf32, #tpu.memory_space<vmem>>
      %dma_start3A_1864 = arith.constant 0 : i32
      %dma_start3A_1865 = tpu.memref_slice %arg3[%dma_start3A_1864, %multiple_of3A_1855] : memref<16x1000000xf32, #tpu.memory_space<hbm>> -> memref<8x128xf32, #tpu.memory_space<hbm>>
      tpu.enqueue_dma source(%dma_start3A_1865 : memref<8x128xf32, #tpu.memory_space<hbm>>) target(%dma_start3A_1863 : memref<8x128xf32, #tpu.memory_space<vmem>>) target_semaphore(%arg12 : memref<!tpu.dma_semaphore, #tpu.memory_space<semaphore_mem>>)
      %dma_start3A_1866 = arith.constant 8 : i32
      %dma_start3A_1867 = arith.constant 1280 : i32
      %dma_start3A_1868 = tpu.memref_slice %arg8[%dma_start3A_1866, %dma_start3A_1867] : memref<16x2048xf32, #tpu.memory_space<vmem>> -> memref<8x128xf32, #tpu.memory_space<vmem>>
      %dma_start3A_1869 = arith.constant 8 : i32
      %dma_start3A_1870 = tpu.memref_slice %arg3[%dma_start3A_1869, %multiple_of3A_1855] : memref<16x1000000xf32, #tpu.memory_space<hbm>> -> memref<8x128xf32, #tpu.memory_space<hbm>>
      %dma_start3A_1871 = arith.constant 8 : i32
      %dma_start3A_1872 = arith.constant 1280 : i32
      %dma_start3A_1873 = tpu.memref_slice %arg8[%dma_start3A_1871, %dma_start3A_1872] : memref<16x2048xf32, #tpu.memory_space<vmem>> -> memref<8x128xf32, #tpu.memory_space<vmem>>
      %dma_start3A_1874 = arith.constant 8 : i32
      %dma_start3A_1875 = tpu.memref_slice %arg3[%dma_start3A_1874, %multiple_of3A_1855] : memref<16x1000000xf32, #tpu.memory_space<hbm>> -> memref<8x128xf32, #tpu.memory_space<hbm>>
      tpu.enqueue_dma source(%dma_start3A_1875 : memref<8x128xf32, #tpu.memory_space<hbm>>) target(%dma_start3A_1873 : memref<8x128xf32, #tpu.memory_space<vmem>>) target_semaphore(%arg14 : memref<!tpu.dma_semaphore, #tpu.memory_space<semaphore_mem>>)
      %slice3A_1876 = vector.extract_strided_slice %get3A_1578 {offsets = [11], sizes = [1], strides = [1]} : vector<16xi32> to vector<1xi32>
      %squeeze3A_1877 = vector.extract %slice3A_1876[0] : i32 from vector<1xi32>
      %shift_right_logical3A_1878 = arith.constant 7 : i32
      %shift_right_logical3A_1879 = arith.shrui %squeeze3A_1877, %shift_right_logical3A_1878 : i32
      %mul3A_1880 = arith.constant 128 : i32
      %mul3A_1881 = arith.muli %shift_right_logical3A_1879, %mul3A_1880 : i32
      %multiple_of3A_1882 = tpu.assume_multiple %mul3A_1881, 128 : i32
      %dma_start3A_1883 = arith.constant 0 : i32
      %dma_start3A_1884 = arith.constant 1408 : i32
      %dma_start3A_1885 = tpu.memref_slice %arg8[%dma_start3A_1883, %dma_start3A_1884] : memref<16x2048xf32, #tpu.memory_space<vmem>> -> memref<8x128xf32, #tpu.memory_space<vmem>>
      %dma_start3A_1886 = arith.constant 0 : i32
      %dma_start3A_1887 = tpu.memref_slice %arg3[%dma_start3A_1886, %multiple_of3A_1882] : memref<16x1000000xf32, #tpu.memory_space<hbm>> -> memref<8x128xf32, #tpu.memory_space<hbm>>
      %dma_start3A_1888 = arith.constant 0 : i32
      %dma_start3A_1889 = arith.constant 1408 : i32
      %dma_start3A_1890 = tpu.memref_slice %arg8[%dma_start3A_1888, %dma_start3A_1889] : memref<16x2048xf32, #tpu.memory_space<vmem>> -> memref<8x128xf32, #tpu.memory_space<vmem>>
      %dma_start3A_1891 = arith.constant 0 : i32
      %dma_start3A_1892 = tpu.memref_slice %arg3[%dma_start3A_1891, %multiple_of3A_1882] : memref<16x1000000xf32, #tpu.memory_space<hbm>> -> memref<8x128xf32, #tpu.memory_space<hbm>>
      tpu.enqueue_dma source(%dma_start3A_1892 : memref<8x128xf32, #tpu.memory_space<hbm>>) target(%dma_start3A_1890 : memref<8x128xf32, #tpu.memory_space<vmem>>) target_semaphore(%arg13 : memref<!tpu.dma_semaphore, #tpu.memory_space<semaphore_mem>>)
      %dma_start3A_1893 = arith.constant 8 : i32
      %dma_start3A_1894 = arith.constant 1408 : i32
      %dma_start3A_1895 = tpu.memref_slice %arg8[%dma_start3A_1893, %dma_start3A_1894] : memref<16x2048xf32, #tpu.memory_space<vmem>> -> memref<8x128xf32, #tpu.memory_space<vmem>>
      %dma_start3A_1896 = arith.constant 8 : i32
      %dma_start3A_1897 = tpu.memref_slice %arg3[%dma_start3A_1896, %multiple_of3A_1882] : memref<16x1000000xf32, #tpu.memory_space<hbm>> -> memref<8x128xf32, #tpu.memory_space<hbm>>
      %dma_start3A_1898 = arith.constant 8 : i32
      %dma_start3A_1899 = arith.constant 1408 : i32
      %dma_start3A_1900 = tpu.memref_slice %arg8[%dma_start3A_1898, %dma_start3A_1899] : memref<16x2048xf32, #tpu.memory_space<vmem>> -> memref<8x128xf32, #tpu.memory_space<vmem>>
      %dma_start3A_1901 = arith.constant 8 : i32
      %dma_start3A_1902 = tpu.memref_slice %arg3[%dma_start3A_1901, %multiple_of3A_1882] : memref<16x1000000xf32, #tpu.memory_space<hbm>> -> memref<8x128xf32, #tpu.memory_space<hbm>>
      tpu.enqueue_dma source(%dma_start3A_1902 : memref<8x128xf32, #tpu.memory_space<hbm>>) target(%dma_start3A_1900 : memref<8x128xf32, #tpu.memory_space<vmem>>) target_semaphore(%arg15 : memref<!tpu.dma_semaphore, #tpu.memory_space<semaphore_mem>>)
      %slice3A_1903 = vector.extract_strided_slice %get3A_1578 {offsets = [12], sizes = [1], strides = [1]} : vector<16xi32> to vector<1xi32>
      %squeeze3A_1904 = vector.extract %slice3A_1903[0] : i32 from vector<1xi32>
      %shift_right_logical3A_1905 = arith.constant 7 : i32
      %shift_right_logical3A_1906 = arith.shrui %squeeze3A_1904, %shift_right_logical3A_1905 : i32
      %mul3A_1907 = arith.constant 128 : i32
      %mul3A_1908 = arith.muli %shift_right_logical3A_1906, %mul3A_1907 : i32
      %multiple_of3A_1909 = tpu.assume_multiple %mul3A_1908, 128 : i32
      %dma_start3A_1910 = arith.constant 0 : i32
      %dma_start3A_1911 = arith.constant 1536 : i32
      %dma_start3A_1912 = tpu.memref_slice %arg8[%dma_start3A_1910, %dma_start3A_1911] : memref<16x2048xf32, #tpu.memory_space<vmem>> -> memref<8x128xf32, #tpu.memory_space<vmem>>
      %dma_start3A_1913 = arith.constant 0 : i32
      %dma_start3A_1914 = tpu.memref_slice %arg3[%dma_start3A_1913, %multiple_of3A_1909] : memref<16x1000000xf32, #tpu.memory_space<hbm>> -> memref<8x128xf32, #tpu.memory_space<hbm>>
      %dma_start3A_1915 = arith.constant 0 : i32
      %dma_start3A_1916 = arith.constant 1536 : i32
      %dma_start3A_1917 = tpu.memref_slice %arg8[%dma_start3A_1915, %dma_start3A_1916] : memref<16x2048xf32, #tpu.memory_space<vmem>> -> memref<8x128xf32, #tpu.memory_space<vmem>>
      %dma_start3A_1918 = arith.constant 0 : i32
      %dma_start3A_1919 = tpu.memref_slice %arg3[%dma_start3A_1918, %multiple_of3A_1909] : memref<16x1000000xf32, #tpu.memory_space<hbm>> -> memref<8x128xf32, #tpu.memory_space<hbm>>
      tpu.enqueue_dma source(%dma_start3A_1919 : memref<8x128xf32, #tpu.memory_space<hbm>>) target(%dma_start3A_1917 : memref<8x128xf32, #tpu.memory_space<vmem>>) target_semaphore(%arg12 : memref<!tpu.dma_semaphore, #tpu.memory_space<semaphore_mem>>)
      %dma_start3A_1920 = arith.constant 8 : i32
      %dma_start3A_1921 = arith.constant 1536 : i32
      %dma_start3A_1922 = tpu.memref_slice %arg8[%dma_start3A_1920, %dma_start3A_1921] : memref<16x2048xf32, #tpu.memory_space<vmem>> -> memref<8x128xf32, #tpu.memory_space<vmem>>
      %dma_start3A_1923 = arith.constant 8 : i32
      %dma_start3A_1924 = tpu.memref_slice %arg3[%dma_start3A_1923, %multiple_of3A_1909] : memref<16x1000000xf32, #tpu.memory_space<hbm>> -> memref<8x128xf32, #tpu.memory_space<hbm>>
      %dma_start3A_1925 = arith.constant 8 : i32
      %dma_start3A_1926 = arith.constant 1536 : i32
      %dma_start3A_1927 = tpu.memref_slice %arg8[%dma_start3A_1925, %dma_start3A_1926] : memref<16x2048xf32, #tpu.memory_space<vmem>> -> memref<8x128xf32, #tpu.memory_space<vmem>>
      %dma_start3A_1928 = arith.constant 8 : i32
      %dma_start3A_1929 = tpu.memref_slice %arg3[%dma_start3A_1928, %multiple_of3A_1909] : memref<16x1000000xf32, #tpu.memory_space<hbm>> -> memref<8x128xf32, #tpu.memory_space<hbm>>
      tpu.enqueue_dma source(%dma_start3A_1929 : memref<8x128xf32, #tpu.memory_space<hbm>>) target(%dma_start3A_1927 : memref<8x128xf32, #tpu.memory_space<vmem>>) target_semaphore(%arg14 : memref<!tpu.dma_semaphore, #tpu.memory_space<semaphore_mem>>)
      %slice3A_1930 = vector.extract_strided_slice %get3A_1578 {offsets = [13], sizes = [1], strides = [1]} : vector<16xi32> to vector<1xi32>
      %squeeze3A_1931 = vector.extract %slice3A_1930[0] : i32 from vector<1xi32>
      %shift_right_logical3A_1932 = arith.constant 7 : i32
      %shift_right_logical3A_1933 = arith.shrui %squeeze3A_1931, %shift_right_logical3A_1932 : i32
      %mul3A_1934 = arith.constant 128 : i32
      %mul3A_1935 = arith.muli %shift_right_logical3A_1933, %mul3A_1934 : i32
      %multiple_of3A_1936 = tpu.assume_multiple %mul3A_1935, 128 : i32
      %dma_start3A_1937 = arith.constant 0 : i32
      %dma_start3A_1938 = arith.constant 1664 : i32
      %dma_start3A_1939 = tpu.memref_slice %arg8[%dma_start3A_1937, %dma_start3A_1938] : memref<16x2048xf32, #tpu.memory_space<vmem>> -> memref<8x128xf32, #tpu.memory_space<vmem>>
      %dma_start3A_1940 = arith.constant 0 : i32
      %dma_start3A_1941 = tpu.memref_slice %arg3[%dma_start3A_1940, %multiple_of3A_1936] : memref<16x1000000xf32, #tpu.memory_space<hbm>> -> memref<8x128xf32, #tpu.memory_space<hbm>>
      %dma_start3A_1942 = arith.constant 0 : i32
      %dma_start3A_1943 = arith.constant 1664 : i32
      %dma_start3A_1944 = tpu.memref_slice %arg8[%dma_start3A_1942, %dma_start3A_1943] : memref<16x2048xf32, #tpu.memory_space<vmem>> -> memref<8x128xf32, #tpu.memory_space<vmem>>
      %dma_start3A_1945 = arith.constant 0 : i32
      %dma_start3A_1946 = tpu.memref_slice %arg3[%dma_start3A_1945, %multiple_of3A_1936] : memref<16x1000000xf32, #tpu.memory_space<hbm>> -> memref<8x128xf32, #tpu.memory_space<hbm>>
      tpu.enqueue_dma source(%dma_start3A_1946 : memref<8x128xf32, #tpu.memory_space<hbm>>) target(%dma_start3A_1944 : memref<8x128xf32, #tpu.memory_space<vmem>>) target_semaphore(%arg13 : memref<!tpu.dma_semaphore, #tpu.memory_space<semaphore_mem>>)
      %dma_start3A_1947 = arith.constant 8 : i32
      %dma_start3A_1948 = arith.constant 1664 : i32
      %dma_start3A_1949 = tpu.memref_slice %arg8[%dma_start3A_1947, %dma_start3A_1948] : memref<16x2048xf32, #tpu.memory_space<vmem>> -> memref<8x128xf32, #tpu.memory_space<vmem>>
      %dma_start3A_1950 = arith.constant 8 : i32
      %dma_start3A_1951 = tpu.memref_slice %arg3[%dma_start3A_1950, %multiple_of3A_1936] : memref<16x1000000xf32, #tpu.memory_space<hbm>> -> memref<8x128xf32, #tpu.memory_space<hbm>>
      %dma_start3A_1952 = arith.constant 8 : i32
      %dma_start3A_1953 = arith.constant 1664 : i32
      %dma_start3A_1954 = tpu.memref_slice %arg8[%dma_start3A_1952, %dma_start3A_1953] : memref<16x2048xf32, #tpu.memory_space<vmem>> -> memref<8x128xf32, #tpu.memory_space<vmem>>
      %dma_start3A_1955 = arith.constant 8 : i32
      %dma_start3A_1956 = tpu.memref_slice %arg3[%dma_start3A_1955, %multiple_of3A_1936] : memref<16x1000000xf32, #tpu.memory_space<hbm>> -> memref<8x128xf32, #tpu.memory_space<hbm>>
      tpu.enqueue_dma source(%dma_start3A_1956 : memref<8x128xf32, #tpu.memory_space<hbm>>) target(%dma_start3A_1954 : memref<8x128xf32, #tpu.memory_space<vmem>>) target_semaphore(%arg15 : memref<!tpu.dma_semaphore, #tpu.memory_space<semaphore_mem>>)
      %slice3A_1957 = vector.extract_strided_slice %get3A_1578 {offsets = [14], sizes = [1], strides = [1]} : vector<16xi32> to vector<1xi32>
      %squeeze3A_1958 = vector.extract %slice3A_1957[0] : i32 from vector<1xi32>
      %shift_right_logical3A_1959 = arith.constant 7 : i32
      %shift_right_logical3A_1960 = arith.shrui %squeeze3A_1958, %shift_right_logical3A_1959 : i32
      %mul3A_1961 = arith.constant 128 : i32
      %mul3A_1962 = arith.muli %shift_right_logical3A_1960, %mul3A_1961 : i32
      %multiple_of3A_1963 = tpu.assume_multiple %mul3A_1962, 128 : i32
      %dma_start3A_1964 = arith.constant 0 : i32
      %dma_start3A_1965 = arith.constant 1792 : i32
      %dma_start3A_1966 = tpu.memref_slice %arg8[%dma_start3A_1964, %dma_start3A_1965] : memref<16x2048xf32, #tpu.memory_space<vmem>> -> memref<8x128xf32, #tpu.memory_space<vmem>>
      %dma_start3A_1967 = arith.constant 0 : i32
      %dma_start3A_1968 = tpu.memref_slice %arg3[%dma_start3A_1967, %multiple_of3A_1963] : memref<16x1000000xf32, #tpu.memory_space<hbm>> -> memref<8x128xf32, #tpu.memory_space<hbm>>
      %dma_start3A_1969 = arith.constant 0 : i32
      %dma_start3A_1970 = arith.constant 1792 : i32
      %dma_start3A_1971 = tpu.memref_slice %arg8[%dma_start3A_1969, %dma_start3A_1970] : memref<16x2048xf32, #tpu.memory_space<vmem>> -> memref<8x128xf32, #tpu.memory_space<vmem>>
      %dma_start3A_1972 = arith.constant 0 : i32
      %dma_start3A_1973 = tpu.memref_slice %arg3[%dma_start3A_1972, %multiple_of3A_1963] : memref<16x1000000xf32, #tpu.memory_space<hbm>> -> memref<8x128xf32, #tpu.memory_space<hbm>>
      tpu.enqueue_dma source(%dma_start3A_1973 : memref<8x128xf32, #tpu.memory_space<hbm>>) target(%dma_start3A_1971 : memref<8x128xf32, #tpu.memory_space<vmem>>) target_semaphore(%arg12 : memref<!tpu.dma_semaphore, #tpu.memory_space<semaphore_mem>>)
      %dma_start3A_1974 = arith.constant 8 : i32
      %dma_start3A_1975 = arith.constant 1792 : i32
      %dma_start3A_1976 = tpu.memref_slice %arg8[%dma_start3A_1974, %dma_start3A_1975] : memref<16x2048xf32, #tpu.memory_space<vmem>> -> memref<8x128xf32, #tpu.memory_space<vmem>>
      %dma_start3A_1977 = arith.constant 8 : i32
      %dma_start3A_1978 = tpu.memref_slice %arg3[%dma_start3A_1977, %multiple_of3A_1963] : memref<16x1000000xf32, #tpu.memory_space<hbm>> -> memref<8x128xf32, #tpu.memory_space<hbm>>
      %dma_start3A_1979 = arith.constant 8 : i32
      %dma_start3A_1980 = arith.constant 1792 : i32
      %dma_start3A_1981 = tpu.memref_slice %arg8[%dma_start3A_1979, %dma_start3A_1980] : memref<16x2048xf32, #tpu.memory_space<vmem>> -> memref<8x128xf32, #tpu.memory_space<vmem>>
      %dma_start3A_1982 = arith.constant 8 : i32
      %dma_start3A_1983 = tpu.memref_slice %arg3[%dma_start3A_1982, %multiple_of3A_1963] : memref<16x1000000xf32, #tpu.memory_space<hbm>> -> memref<8x128xf32, #tpu.memory_space<hbm>>
      tpu.enqueue_dma source(%dma_start3A_1983 : memref<8x128xf32, #tpu.memory_space<hbm>>) target(%dma_start3A_1981 : memref<8x128xf32, #tpu.memory_space<vmem>>) target_semaphore(%arg14 : memref<!tpu.dma_semaphore, #tpu.memory_space<semaphore_mem>>)
      %slice3A_1984 = vector.extract_strided_slice %get3A_1578 {offsets = [15], sizes = [1], strides = [1]} : vector<16xi32> to vector<1xi32>
      %squeeze3A_1985 = vector.extract %slice3A_1984[0] : i32 from vector<1xi32>
      %shift_right_logical3A_1986 = arith.constant 7 : i32
      %shift_right_logical3A_1987 = arith.shrui %squeeze3A_1985, %shift_right_logical3A_1986 : i32
      %mul3A_1988 = arith.constant 128 : i32
      %mul3A_1989 = arith.muli %shift_right_logical3A_1987, %mul3A_1988 : i32
      %multiple_of3A_1990 = tpu.assume_multiple %mul3A_1989, 128 : i32
      %dma_start3A_1991 = arith.constant 0 : i32
      %dma_start3A_1992 = arith.constant 1920 : i32
      %dma_start3A_1993 = tpu.memref_slice %arg8[%dma_start3A_1991, %dma_start3A_1992] : memref<16x2048xf32, #tpu.memory_space<vmem>> -> memref<8x128xf32, #tpu.memory_space<vmem>>
      %dma_start3A_1994 = arith.constant 0 : i32
      %dma_start3A_1995 = tpu.memref_slice %arg3[%dma_start3A_1994, %multiple_of3A_1990] : memref<16x1000000xf32, #tpu.memory_space<hbm>> -> memref<8x128xf32, #tpu.memory_space<hbm>>
      %dma_start3A_1996 = arith.constant 0 : i32
      %dma_start3A_1997 = arith.constant 1920 : i32
      %dma_start3A_1998 = tpu.memref_slice %arg8[%dma_start3A_1996, %dma_start3A_1997] : memref<16x2048xf32, #tpu.memory_space<vmem>> -> memref<8x128xf32, #tpu.memory_space<vmem>>
      %dma_start3A_1999 = arith.constant 0 : i32
      %dma_start3A_2000 = tpu.memref_slice %arg3[%dma_start3A_1999, %multiple_of3A_1990] : memref<16x1000000xf32, #tpu.memory_space<hbm>> -> memref<8x128xf32, #tpu.memory_space<hbm>>
      tpu.enqueue_dma source(%dma_start3A_2000 : memref<8x128xf32, #tpu.memory_space<hbm>>) target(%dma_start3A_1998 : memref<8x128xf32, #tpu.memory_space<vmem>>) target_semaphore(%arg13 : memref<!tpu.dma_semaphore, #tpu.memory_space<semaphore_mem>>)
      %dma_start3A_2001 = arith.constant 8 : i32
      %dma_start3A_2002 = arith.constant 1920 : i32
      %dma_start3A_2003 = tpu.memref_slice %arg8[%dma_start3A_2001, %dma_start3A_2002] : memref<16x2048xf32, #tpu.memory_space<vmem>> -> memref<8x128xf32, #tpu.memory_space<vmem>>
      %dma_start3A_2004 = arith.constant 8 : i32
      %dma_start3A_2005 = tpu.memref_slice %arg3[%dma_start3A_2004, %multiple_of3A_1990] : memref<16x1000000xf32, #tpu.memory_space<hbm>> -> memref<8x128xf32, #tpu.memory_space<hbm>>
      %dma_start3A_2006 = arith.constant 8 : i32
      %dma_start3A_2007 = arith.constant 1920 : i32
      %dma_start3A_2008 = tpu.memref_slice %arg8[%dma_start3A_2006, %dma_start3A_2007] : memref<16x2048xf32, #tpu.memory_space<vmem>> -> memref<8x128xf32, #tpu.memory_space<vmem>>
      %dma_start3A_2009 = arith.constant 8 : i32
      %dma_start3A_2010 = tpu.memref_slice %arg3[%dma_start3A_2009, %multiple_of3A_1990] : memref<16x1000000xf32, #tpu.memory_space<hbm>> -> memref<8x128xf32, #tpu.memory_space<hbm>>
      tpu.enqueue_dma source(%dma_start3A_2010 : memref<8x128xf32, #tpu.memory_space<hbm>>) target(%dma_start3A_2008 : memref<8x128xf32, #tpu.memory_space<vmem>>) target_semaphore(%arg15 : memref<!tpu.dma_semaphore, #tpu.memory_space<semaphore_mem>>)
      %dma_wait3A_2011 = arith.constant 0 : i32
      %dma_wait3A_2012 = arith.constant 0 : i32
      %dma_wait3A_2013 = tpu.memref_slice %arg9[%dma_wait3A_2011, %dma_wait3A_2012] : memref<16x2048xf32, #tpu.memory_space<vmem>> -> memref<8x1024xf32, #tpu.memory_space<vmem>>
      %dma_wait3A_2014 = arith.constant 0 : i32
      %dma_wait3A_2015 = arith.constant 0 : i32
      %dma_wait3A_2016 = tpu.memref_slice %arg4[%dma_wait3A_2014, %dma_wait3A_2015] : memref<16x1000000xf32, #tpu.memory_space<hbm>> -> memref<8x1024xf32, #tpu.memory_space<hbm>>
      %dma_wait3A_2017 = arith.constant 0 : i32
      %dma_wait3A_2018 = arith.constant 0 : i32
      %dma_wait3A_2019 = tpu.memref_slice %arg9[%dma_wait3A_2017, %dma_wait3A_2018] : memref<16x2048xf32, #tpu.memory_space<vmem>> -> memref<8x1024xf32, #tpu.memory_space<vmem>>
      %dma_wait3A_2020 = arith.constant 0 : i32
      %dma_wait3A_2021 = arith.constant 0 : i32
      %dma_wait3A_2022 = tpu.memref_slice %arg4[%dma_wait3A_2020, %dma_wait3A_2021] : memref<16x1000000xf32, #tpu.memory_space<hbm>> -> memref<8x1024xf32, #tpu.memory_space<hbm>>
      tpu.wait_dma2 semaphore(%arg16 : memref<!tpu.dma_semaphore, #tpu.memory_space<semaphore_mem>>) src(%dma_wait3A_2022 : memref<8x1024xf32, #tpu.memory_space<hbm>>) dst(%dma_wait3A_2019 : memref<8x1024xf32, #tpu.memory_space<vmem>>)
      %dma_wait3A_2023 = arith.constant 0 : i32
      %dma_wait3A_2024 = arith.constant 0 : i32
      %dma_wait3A_2025 = tpu.memref_slice %arg9[%dma_wait3A_2023, %dma_wait3A_2024] : memref<16x2048xf32, #tpu.memory_space<vmem>> -> memref<8x1024xf32, #tpu.memory_space<vmem>>
      %dma_wait3A_2026 = arith.constant 0 : i32
      %dma_wait3A_2027 = arith.constant 0 : i32
      %dma_wait3A_2028 = tpu.memref_slice %arg4[%dma_wait3A_2026, %dma_wait3A_2027] : memref<16x1000000xf32, #tpu.memory_space<hbm>> -> memref<8x1024xf32, #tpu.memory_space<hbm>>
      %dma_wait3A_2029 = arith.constant 0 : i32
      %dma_wait3A_2030 = arith.constant 0 : i32
      %dma_wait3A_2031 = tpu.memref_slice %arg9[%dma_wait3A_2029, %dma_wait3A_2030] : memref<16x2048xf32, #tpu.memory_space<vmem>> -> memref<8x1024xf32, #tpu.memory_space<vmem>>
      %dma_wait3A_2032 = arith.constant 0 : i32
      %dma_wait3A_2033 = arith.constant 0 : i32
      %dma_wait3A_2034 = tpu.memref_slice %arg4[%dma_wait3A_2032, %dma_wait3A_2033] : memref<16x1000000xf32, #tpu.memory_space<hbm>> -> memref<8x1024xf32, #tpu.memory_space<hbm>>
      tpu.wait_dma2 semaphore(%arg17 : memref<!tpu.dma_semaphore, #tpu.memory_space<semaphore_mem>>) src(%dma_wait3A_2034 : memref<8x1024xf32, #tpu.memory_space<hbm>>) dst(%dma_wait3A_2031 : memref<8x1024xf32, #tpu.memory_space<vmem>>)
      %dma_wait3A_2035 = arith.constant 0 : i32
      %dma_wait3A_2036 = arith.constant 0 : i32
      %dma_wait3A_2037 = tpu.memref_slice %arg9[%dma_wait3A_2035, %dma_wait3A_2036] : memref<16x2048xf32, #tpu.memory_space<vmem>> -> memref<8x1024xf32, #tpu.memory_space<vmem>>
      %dma_wait3A_2038 = arith.constant 0 : i32
      %dma_wait3A_2039 = arith.constant 0 : i32
      %dma_wait3A_2040 = tpu.memref_slice %arg4[%dma_wait3A_2038, %dma_wait3A_2039] : memref<16x1000000xf32, #tpu.memory_space<hbm>> -> memref<8x1024xf32, #tpu.memory_space<hbm>>
      %dma_wait3A_2041 = arith.constant 0 : i32
      %dma_wait3A_2042 = arith.constant 0 : i32
      %dma_wait3A_2043 = tpu.memref_slice %arg9[%dma_wait3A_2041, %dma_wait3A_2042] : memref<16x2048xf32, #tpu.memory_space<vmem>> -> memref<8x1024xf32, #tpu.memory_space<vmem>>
      %dma_wait3A_2044 = arith.constant 0 : i32
      %dma_wait3A_2045 = arith.constant 0 : i32
      %dma_wait3A_2046 = tpu.memref_slice %arg4[%dma_wait3A_2044, %dma_wait3A_2045] : memref<16x1000000xf32, #tpu.memory_space<hbm>> -> memref<8x1024xf32, #tpu.memory_space<hbm>>
      tpu.wait_dma2 semaphore(%arg18 : memref<!tpu.dma_semaphore, #tpu.memory_space<semaphore_mem>>) src(%dma_wait3A_2046 : memref<8x1024xf32, #tpu.memory_space<hbm>>) dst(%dma_wait3A_2043 : memref<8x1024xf32, #tpu.memory_space<vmem>>)
      %dma_wait3A_2047 = arith.constant 0 : i32
      %dma_wait3A_2048 = arith.constant 0 : i32
      %dma_wait3A_2049 = tpu.memref_slice %arg9[%dma_wait3A_2047, %dma_wait3A_2048] : memref<16x2048xf32, #tpu.memory_space<vmem>> -> memref<8x1024xf32, #tpu.memory_space<vmem>>
      %dma_wait3A_2050 = arith.constant 0 : i32
      %dma_wait3A_2051 = arith.constant 0 : i32
      %dma_wait3A_2052 = tpu.memref_slice %arg4[%dma_wait3A_2050, %dma_wait3A_2051] : memref<16x1000000xf32, #tpu.memory_space<hbm>> -> memref<8x1024xf32, #tpu.memory_space<hbm>>
      %dma_wait3A_2053 = arith.constant 0 : i32
      %dma_wait3A_2054 = arith.constant 0 : i32
      %dma_wait3A_2055 = tpu.memref_slice %arg9[%dma_wait3A_2053, %dma_wait3A_2054] : memref<16x2048xf32, #tpu.memory_space<vmem>> -> memref<8x1024xf32, #tpu.memory_space<vmem>>
      %dma_wait3A_2056 = arith.constant 0 : i32
      %dma_wait3A_2057 = arith.constant 0 : i32
      %dma_wait3A_2058 = tpu.memref_slice %arg4[%dma_wait3A_2056, %dma_wait3A_2057] : memref<16x1000000xf32, #tpu.memory_space<hbm>> -> memref<8x1024xf32, #tpu.memory_space<hbm>>
      tpu.wait_dma2 semaphore(%arg19 : memref<!tpu.dma_semaphore, #tpu.memory_space<semaphore_mem>>) src(%dma_wait3A_2058 : memref<8x1024xf32, #tpu.memory_space<hbm>>) dst(%dma_wait3A_2055 : memref<8x1024xf32, #tpu.memory_space<vmem>>)
      %mul3A_2059 = arith.constant 16 : i32
      %mul3A_2060 = arith.muli %scan3A_1044, %mul3A_2059 : i32
      %div3A_2061 = arith.constant 128 : i32
      %div3A_2062 = arith.divsi %mul3A_2060, %div3A_2061 : i32
      %add3A_2063 = arith.constant 4 : i32
      %add3A_2064 = arith.addi %add3A_2063, %div3A_2062 : i32
      %rem3A_2065 = arith.constant 128 : i32
      %rem3A_2066 = arith.remsi %mul3A_2060, %rem3A_2065 : i32
      %get3A_2067 = arith.index_cast %add3A_2064 : i32 to index
      %get3A_2068 = arith.index_cast %rem3A_2066 : i32 to index
      %get3A_2069 = tpu.vector_load %arg7[%get3A_2067, %get3A_2068] {strides = array<i32>} : memref<8x128xi32, #tpu.memory_space<vmem>>, vector<16xi32>,
      %and3A_2070 = arith.constant 127 : i32
      %and3A_2071 = vector.broadcast %and3A_2070 : i32 to vector<16xi32>
      %and3A_2072 = arith.andi %get3A_2069, %and3A_2071 : vector<16xi32>
      %iota3A_2073 = tpu.iota {dimensions = array<i32: 0>} : vector<16xi32>
      %mul3A_2074 = arith.constant 128 : i32
      %mul3A_2075 = vector.broadcast %mul3A_2074 : i32 to vector<16xi32>
      %mul3A_2076 = arith.muli %iota3A_2073, %mul3A_2075 : vector<16xi32>
      %add3A_2077 = arith.addi %mul3A_2076, %and3A_2072 : vector<16xi32>
      %iota3A_2078 = tpu.iota {dimensions = array<i32: 0>} : vector<16xi32>
      %add3A_2079 = vector.broadcast %mul3A_2060 : i32 to vector<16xi32>
      %add3A_2080 = arith.addi %iota3A_2078, %add3A_2079 : vector<16xi32>
      %scan3A_2081 = arith.constant 0 : i32
      %scan3A_2082 = arith.constant 0 : i32
      %scan3A_2083 = arith.constant 16 : i32
      %scan3A_2084 = arith.addi %scan3A_2082, %scan3A_2083 : i32
      %scan3A_2085 = arith.constant 1 : i32
      %scan3A_2086 = scf.for %scan3A_2089 = %scan3A_2082 to %scan3A_2084 step %scan3A_2085 iter_args(%scan3A_2090 = %scan3A_2081) -> (i32)  : i32 {
        %broadcast_in_dim3A = arith.constant 0 : i32
        %broadcast_in_dim3A_2091 = vector.broadcast %broadcast_in_dim3A : i32 to vector<16xi32>
        %add3A_2092 = vector.broadcast %scan3A_2089 : i32 to vector<16xi32>
        %add3A_2093 = arith.addi %broadcast_in_dim3A_2091, %add3A_2092 : vector<16xi32>
        %gather3A = tpu.vector_load_idx %arg9[%add3A_2093, %add3A_2077] : memref<16x2048xf32, #tpu.memory_space<vmem>>[vector<16xi32>, vector<16xi32>], vector<16xf32>,
        tpu.vector_store_idx %arg11[%add3A_2093, %add3A_2080], %gather3A : memref<16x512xf32, #tpu.memory_space<vmem>>[vector<16xi32>, vector<16xi32>], vector<16xf32>,
        %scan3A_2094 = arith.constant 0 : i32
        scf.yield %scan3A_2094 : i32
      }
      %scan3A_2087 = arith.constant 16 : i32
      %scan3A_2088 = arith.constant 0 : i32
      scf.yield %scan3A_2088 : i32
    }
    %scan3A_444 = arith.constant 31 : i32
    %div3A_445 = arith.constant 496 : i32
    %div3A_446 = arith.constant 128 : i32
    %div3A_447 = arith.divsi %div3A_445, %div3A_446 : i32
    %add3A_448 = arith.constant 4 : i32
    %add3A_449 = arith.addi %add3A_448, %div3A_447 : i32
    %rem3A_450 = arith.constant 496 : i32
    %rem3A_451 = arith.constant 128 : i32
    %rem3A_452 = arith.remsi %rem3A_450, %rem3A_451 : i32
    %get3A_453 = arith.index_cast %add3A_449 : i32 to index
    %get3A_454 = arith.index_cast %rem3A_452 : i32 to index
    %get3A_455 = tpu.vector_load %arg7[%get3A_453, %get3A_454] {strides = array<i32>} : memref<8x128xi32, #tpu.memory_space<vmem>>, vector<16xi32>,
    %slice3A_456 = vector.extract_strided_slice %get3A_455 {offsets = [0], sizes = [1], strides = [1]} : vector<16xi32> to vector<1xi32>
    %squeeze3A_457 = vector.extract %slice3A_456[0] : i32 from vector<1xi32>
    %shift_right_logical3A_458 = arith.constant 7 : i32
    %shift_right_logical3A_459 = arith.shrui %squeeze3A_457, %shift_right_logical3A_458 : i32
    %mul3A_460 = arith.constant 128 : i32
    %mul3A_461 = arith.muli %shift_right_logical3A_459, %mul3A_460 : i32
    %multiple_of3A_462 = tpu.assume_multiple %mul3A_461, 128 : i32
    %dma_start3A_463 = arith.constant 0 : i32
    %dma_start3A_464 = arith.constant 0 : i32
    %dma_start3A_465 = tpu.memref_slice %arg9[%dma_start3A_463, %dma_start3A_464] : memref<16x2048xf32, #tpu.memory_space<vmem>> -> memref<8x128xf32, #tpu.memory_space<vmem>>
    %dma_start3A_466 = arith.constant 0 : i32
    %dma_start3A_467 = tpu.memref_slice %arg4[%dma_start3A_466, %multiple_of3A_462] : memref<16x1000000xf32, #tpu.memory_space<hbm>> -> memref<8x128xf32, #tpu.memory_space<hbm>>
    %dma_start3A_468 = arith.constant 0 : i32
    %dma_start3A_469 = arith.constant 0 : i32
    %dma_start3A_470 = tpu.memref_slice %arg9[%dma_start3A_468, %dma_start3A_469] : memref<16x2048xf32, #tpu.memory_space<vmem>> -> memref<8x128xf32, #tpu.memory_space<vmem>>
    %dma_start3A_471 = arith.constant 0 : i32
    %dma_start3A_472 = tpu.memref_slice %arg4[%dma_start3A_471, %multiple_of3A_462] : memref<16x1000000xf32, #tpu.memory_space<hbm>> -> memref<8x128xf32, #tpu.memory_space<hbm>>
    tpu.enqueue_dma source(%dma_start3A_472 : memref<8x128xf32, #tpu.memory_space<hbm>>) target(%dma_start3A_470 : memref<8x128xf32, #tpu.memory_space<vmem>>) target_semaphore(%arg16 : memref<!tpu.dma_semaphore, #tpu.memory_space<semaphore_mem>>)
    %dma_start3A_473 = arith.constant 8 : i32
    %dma_start3A_474 = arith.constant 0 : i32
    %dma_start3A_475 = tpu.memref_slice %arg9[%dma_start3A_473, %dma_start3A_474] : memref<16x2048xf32, #tpu.memory_space<vmem>> -> memref<8x128xf32, #tpu.memory_space<vmem>>
    %dma_start3A_476 = arith.constant 8 : i32
    %dma_start3A_477 = tpu.memref_slice %arg4[%dma_start3A_476, %multiple_of3A_462] : memref<16x1000000xf32, #tpu.memory_space<hbm>> -> memref<8x128xf32, #tpu.memory_space<hbm>>
    %dma_start3A_478 = arith.constant 8 : i32
    %dma_start3A_479 = arith.constant 0 : i32
    %dma_start3A_480 = tpu.memref_slice %arg9[%dma_start3A_478, %dma_start3A_479] : memref<16x2048xf32, #tpu.memory_space<vmem>> -> memref<8x128xf32, #tpu.memory_space<vmem>>
    %dma_start3A_481 = arith.constant 8 : i32
    %dma_start3A_482 = tpu.memref_slice %arg4[%dma_start3A_481, %multiple_of3A_462] : memref<16x1000000xf32, #tpu.memory_space<hbm>> -> memref<8x128xf32, #tpu.memory_space<hbm>>
    tpu.enqueue_dma source(%dma_start3A_482 : memref<8x128xf32, #tpu.memory_space<hbm>>) target(%dma_start3A_480 : memref<8x128xf32, #tpu.memory_space<vmem>>) target_semaphore(%arg18 : memref<!tpu.dma_semaphore, #tpu.memory_space<semaphore_mem>>)
    %slice3A_483 = vector.extract_strided_slice %get3A_455 {offsets = [1], sizes = [1], strides = [1]} : vector<16xi32> to vector<1xi32>
    %squeeze3A_484 = vector.extract %slice3A_483[0] : i32 from vector<1xi32>
    %shift_right_logical3A_485 = arith.constant 7 : i32
    %shift_right_logical3A_486 = arith.shrui %squeeze3A_484, %shift_right_logical3A_485 : i32
    %mul3A_487 = arith.constant 128 : i32
    %mul3A_488 = arith.muli %shift_right_logical3A_486, %mul3A_487 : i32
    %multiple_of3A_489 = tpu.assume_multiple %mul3A_488, 128 : i32
    %dma_start3A_490 = arith.constant 0 : i32
    %dma_start3A_491 = arith.constant 128 : i32
    %dma_start3A_492 = tpu.memref_slice %arg9[%dma_start3A_490, %dma_start3A_491] : memref<16x2048xf32, #tpu.memory_space<vmem>> -> memref<8x128xf32, #tpu.memory_space<vmem>>
    %dma_start3A_493 = arith.constant 0 : i32
    %dma_start3A_494 = tpu.memref_slice %arg4[%dma_start3A_493, %multiple_of3A_489] : memref<16x1000000xf32, #tpu.memory_space<hbm>> -> memref<8x128xf32, #tpu.memory_space<hbm>>
    %dma_start3A_495 = arith.constant 0 : i32
    %dma_start3A_496 = arith.constant 128 : i32
    %dma_start3A_497 = tpu.memref_slice %arg9[%dma_start3A_495, %dma_start3A_496] : memref<16x2048xf32, #tpu.memory_space<vmem>> -> memref<8x128xf32, #tpu.memory_space<vmem>>
    %dma_start3A_498 = arith.constant 0 : i32
    %dma_start3A_499 = tpu.memref_slice %arg4[%dma_start3A_498, %multiple_of3A_489] : memref<16x1000000xf32, #tpu.memory_space<hbm>> -> memref<8x128xf32, #tpu.memory_space<hbm>>
    tpu.enqueue_dma source(%dma_start3A_499 : memref<8x128xf32, #tpu.memory_space<hbm>>) target(%dma_start3A_497 : memref<8x128xf32, #tpu.memory_space<vmem>>) target_semaphore(%arg17 : memref<!tpu.dma_semaphore, #tpu.memory_space<semaphore_mem>>)
    %dma_start3A_500 = arith.constant 8 : i32
    %dma_start3A_501 = arith.constant 128 : i32
    %dma_start3A_502 = tpu.memref_slice %arg9[%dma_start3A_500, %dma_start3A_501] : memref<16x2048xf32, #tpu.memory_space<vmem>> -> memref<8x128xf32, #tpu.memory_space<vmem>>
    %dma_start3A_503 = arith.constant 8 : i32
    %dma_start3A_504 = tpu.memref_slice %arg4[%dma_start3A_503, %multiple_of3A_489] : memref<16x1000000xf32, #tpu.memory_space<hbm>> -> memref<8x128xf32, #tpu.memory_space<hbm>>
    %dma_start3A_505 = arith.constant 8 : i32
    %dma_start3A_506 = arith.constant 128 : i32
    %dma_start3A_507 = tpu.memref_slice %arg9[%dma_start3A_505, %dma_start3A_506] : memref<16x2048xf32, #tpu.memory_space<vmem>> -> memref<8x128xf32, #tpu.memory_space<vmem>>
    %dma_start3A_508 = arith.constant 8 : i32
    %dma_start3A_509 = tpu.memref_slice %arg4[%dma_start3A_508, %multiple_of3A_489] : memref<16x1000000xf32, #tpu.memory_space<hbm>> -> memref<8x128xf32, #tpu.memory_space<hbm>>
    tpu.enqueue_dma source(%dma_start3A_509 : memref<8x128xf32, #tpu.memory_space<hbm>>) target(%dma_start3A_507 : memref<8x128xf32, #tpu.memory_space<vmem>>) target_semaphore(%arg19 : memref<!tpu.dma_semaphore, #tpu.memory_space<semaphore_mem>>)
    %slice3A_510 = vector.extract_strided_slice %get3A_455 {offsets = [2], sizes = [1], strides = [1]} : vector<16xi32> to vector<1xi32>
    %squeeze3A_511 = vector.extract %slice3A_510[0] : i32 from vector<1xi32>
    %shift_right_logical3A_512 = arith.constant 7 : i32
    %shift_right_logical3A_513 = arith.shrui %squeeze3A_511, %shift_right_logical3A_512 : i32
    %mul3A_514 = arith.constant 128 : i32
    %mul3A_515 = arith.muli %shift_right_logical3A_513, %mul3A_514 : i32
    %multiple_of3A_516 = tpu.assume_multiple %mul3A_515, 128 : i32
    %dma_start3A_517 = arith.constant 0 : i32
    %dma_start3A_518 = arith.constant 256 : i32
    %dma_start3A_519 = tpu.memref_slice %arg9[%dma_start3A_517, %dma_start3A_518] : memref<16x2048xf32, #tpu.memory_space<vmem>> -> memref<8x128xf32, #tpu.memory_space<vmem>>
    %dma_start3A_520 = arith.constant 0 : i32
    %dma_start3A_521 = tpu.memref_slice %arg4[%dma_start3A_520, %multiple_of3A_516] : memref<16x1000000xf32, #tpu.memory_space<hbm>> -> memref<8x128xf32, #tpu.memory_space<hbm>>
    %dma_start3A_522 = arith.constant 0 : i32
    %dma_start3A_523 = arith.constant 256 : i32
    %dma_start3A_524 = tpu.memref_slice %arg9[%dma_start3A_522, %dma_start3A_523] : memref<16x2048xf32, #tpu.memory_space<vmem>> -> memref<8x128xf32, #tpu.memory_space<vmem>>
    %dma_start3A_525 = arith.constant 0 : i32
    %dma_start3A_526 = tpu.memref_slice %arg4[%dma_start3A_525, %multiple_of3A_516] : memref<16x1000000xf32, #tpu.memory_space<hbm>> -> memref<8x128xf32, #tpu.memory_space<hbm>>
    tpu.enqueue_dma source(%dma_start3A_526 : memref<8x128xf32, #tpu.memory_space<hbm>>) target(%dma_start3A_524 : memref<8x128xf32, #tpu.memory_space<vmem>>) target_semaphore(%arg16 : memref<!tpu.dma_semaphore, #tpu.memory_space<semaphore_mem>>)
    %dma_start3A_527 = arith.constant 8 : i32
    %dma_start3A_528 = arith.constant 256 : i32
    %dma_start3A_529 = tpu.memref_slice %arg9[%dma_start3A_527, %dma_start3A_528] : memref<16x2048xf32, #tpu.memory_space<vmem>> -> memref<8x128xf32, #tpu.memory_space<vmem>>
    %dma_start3A_530 = arith.constant 8 : i32
    %dma_start3A_531 = tpu.memref_slice %arg4[%dma_start3A_530, %multiple_of3A_516] : memref<16x1000000xf32, #tpu.memory_space<hbm>> -> memref<8x128xf32, #tpu.memory_space<hbm>>
    %dma_start3A_532 = arith.constant 8 : i32
    %dma_start3A_533 = arith.constant 256 : i32
    %dma_start3A_534 = tpu.memref_slice %arg9[%dma_start3A_532, %dma_start3A_533] : memref<16x2048xf32, #tpu.memory_space<vmem>> -> memref<8x128xf32, #tpu.memory_space<vmem>>
    %dma_start3A_535 = arith.constant 8 : i32
    %dma_start3A_536 = tpu.memref_slice %arg4[%dma_start3A_535, %multiple_of3A_516] : memref<16x1000000xf32, #tpu.memory_space<hbm>> -> memref<8x128xf32, #tpu.memory_space<hbm>>
    tpu.enqueue_dma source(%dma_start3A_536 : memref<8x128xf32, #tpu.memory_space<hbm>>) target(%dma_start3A_534 : memref<8x128xf32, #tpu.memory_space<vmem>>) target_semaphore(%arg18 : memref<!tpu.dma_semaphore, #tpu.memory_space<semaphore_mem>>)
    %slice3A_537 = vector.extract_strided_slice %get3A_455 {offsets = [3], sizes = [1], strides = [1]} : vector<16xi32> to vector<1xi32>
    %squeeze3A_538 = vector.extract %slice3A_537[0] : i32 from vector<1xi32>
    %shift_right_logical3A_539 = arith.constant 7 : i32
    %shift_right_logical3A_540 = arith.shrui %squeeze3A_538, %shift_right_logical3A_539 : i32
    %mul3A_541 = arith.constant 128 : i32
    %mul3A_542 = arith.muli %shift_right_logical3A_540, %mul3A_541 : i32
    %multiple_of3A_543 = tpu.assume_multiple %mul3A_542, 128 : i32
    %dma_start3A_544 = arith.constant 0 : i32
    %dma_start3A_545 = arith.constant 384 : i32
    %dma_start3A_546 = tpu.memref_slice %arg9[%dma_start3A_544, %dma_start3A_545] : memref<16x2048xf32, #tpu.memory_space<vmem>> -> memref<8x128xf32, #tpu.memory_space<vmem>>
    %dma_start3A_547 = arith.constant 0 : i32
    %dma_start3A_548 = tpu.memref_slice %arg4[%dma_start3A_547, %multiple_of3A_543] : memref<16x1000000xf32, #tpu.memory_space<hbm>> -> memref<8x128xf32, #tpu.memory_space<hbm>>
    %dma_start3A_549 = arith.constant 0 : i32
    %dma_start3A_550 = arith.constant 384 : i32
    %dma_start3A_551 = tpu.memref_slice %arg9[%dma_start3A_549, %dma_start3A_550] : memref<16x2048xf32, #tpu.memory_space<vmem>> -> memref<8x128xf32, #tpu.memory_space<vmem>>
    %dma_start3A_552 = arith.constant 0 : i32
    %dma_start3A_553 = tpu.memref_slice %arg4[%dma_start3A_552, %multiple_of3A_543] : memref<16x1000000xf32, #tpu.memory_space<hbm>> -> memref<8x128xf32, #tpu.memory_space<hbm>>
    tpu.enqueue_dma source(%dma_start3A_553 : memref<8x128xf32, #tpu.memory_space<hbm>>) target(%dma_start3A_551 : memref<8x128xf32, #tpu.memory_space<vmem>>) target_semaphore(%arg17 : memref<!tpu.dma_semaphore, #tpu.memory_space<semaphore_mem>>)
    %dma_start3A_554 = arith.constant 8 : i32
    %dma_start3A_555 = arith.constant 384 : i32
    %dma_start3A_556 = tpu.memref_slice %arg9[%dma_start3A_554, %dma_start3A_555] : memref<16x2048xf32, #tpu.memory_space<vmem>> -> memref<8x128xf32, #tpu.memory_space<vmem>>
    %dma_start3A_557 = arith.constant 8 : i32
    %dma_start3A_558 = tpu.memref_slice %arg4[%dma_start3A_557, %multiple_of3A_543] : memref<16x1000000xf32, #tpu.memory_space<hbm>> -> memref<8x128xf32, #tpu.memory_space<hbm>>
    %dma_start3A_559 = arith.constant 8 : i32
    %dma_start3A_560 = arith.constant 384 : i32
    %dma_start3A_561 = tpu.memref_slice %arg9[%dma_start3A_559, %dma_start3A_560] : memref<16x2048xf32, #tpu.memory_space<vmem>> -> memref<8x128xf32, #tpu.memory_space<vmem>>
    %dma_start3A_562 = arith.constant 8 : i32
    %dma_start3A_563 = tpu.memref_slice %arg4[%dma_start3A_562, %multiple_of3A_543] : memref<16x1000000xf32, #tpu.memory_space<hbm>> -> memref<8x128xf32, #tpu.memory_space<hbm>>
    tpu.enqueue_dma source(%dma_start3A_563 : memref<8x128xf32, #tpu.memory_space<hbm>>) target(%dma_start3A_561 : memref<8x128xf32, #tpu.memory_space<vmem>>) target_semaphore(%arg19 : memref<!tpu.dma_semaphore, #tpu.memory_space<semaphore_mem>>)
    %slice3A_564 = vector.extract_strided_slice %get3A_455 {offsets = [4], sizes = [1], strides = [1]} : vector<16xi32> to vector<1xi32>
    %squeeze3A_565 = vector.extract %slice3A_564[0] : i32 from vector<1xi32>
    %shift_right_logical3A_566 = arith.constant 7 : i32
    %shift_right_logical3A_567 = arith.shrui %squeeze3A_565, %shift_right_logical3A_566 : i32
    %mul3A_568 = arith.constant 128 : i32
    %mul3A_569 = arith.muli %shift_right_logical3A_567, %mul3A_568 : i32
    %multiple_of3A_570 = tpu.assume_multiple %mul3A_569, 128 : i32
    %dma_start3A_571 = arith.constant 0 : i32
    %dma_start3A_572 = arith.constant 512 : i32
    %dma_start3A_573 = tpu.memref_slice %arg9[%dma_start3A_571, %dma_start3A_572] : memref<16x2048xf32, #tpu.memory_space<vmem>> -> memref<8x128xf32, #tpu.memory_space<vmem>>
    %dma_start3A_574 = arith.constant 0 : i32
    %dma_start3A_575 = tpu.memref_slice %arg4[%dma_start3A_574, %multiple_of3A_570] : memref<16x1000000xf32, #tpu.memory_space<hbm>> -> memref<8x128xf32, #tpu.memory_space<hbm>>
    %dma_start3A_576 = arith.constant 0 : i32
    %dma_start3A_577 = arith.constant 512 : i32
    %dma_start3A_578 = tpu.memref_slice %arg9[%dma_start3A_576, %dma_start3A_577] : memref<16x2048xf32, #tpu.memory_space<vmem>> -> memref<8x128xf32, #tpu.memory_space<vmem>>
    %dma_start3A_579 = arith.constant 0 : i32
    %dma_start3A_580 = tpu.memref_slice %arg4[%dma_start3A_579, %multiple_of3A_570] : memref<16x1000000xf32, #tpu.memory_space<hbm>> -> memref<8x128xf32, #tpu.memory_space<hbm>>
    tpu.enqueue_dma source(%dma_start3A_580 : memref<8x128xf32, #tpu.memory_space<hbm>>) target(%dma_start3A_578 : memref<8x128xf32, #tpu.memory_space<vmem>>) target_semaphore(%arg16 : memref<!tpu.dma_semaphore, #tpu.memory_space<semaphore_mem>>)
    %dma_start3A_581 = arith.constant 8 : i32
    %dma_start3A_582 = arith.constant 512 : i32
    %dma_start3A_583 = tpu.memref_slice %arg9[%dma_start3A_581, %dma_start3A_582] : memref<16x2048xf32, #tpu.memory_space<vmem>> -> memref<8x128xf32, #tpu.memory_space<vmem>>
    %dma_start3A_584 = arith.constant 8 : i32
    %dma_start3A_585 = tpu.memref_slice %arg4[%dma_start3A_584, %multiple_of3A_570] : memref<16x1000000xf32, #tpu.memory_space<hbm>> -> memref<8x128xf32, #tpu.memory_space<hbm>>
    %dma_start3A_586 = arith.constant 8 : i32
    %dma_start3A_587 = arith.constant 512 : i32
    %dma_start3A_588 = tpu.memref_slice %arg9[%dma_start3A_586, %dma_start3A_587] : memref<16x2048xf32, #tpu.memory_space<vmem>> -> memref<8x128xf32, #tpu.memory_space<vmem>>
    %dma_start3A_589 = arith.constant 8 : i32
    %dma_start3A_590 = tpu.memref_slice %arg4[%dma_start3A_589, %multiple_of3A_570] : memref<16x1000000xf32, #tpu.memory_space<hbm>> -> memref<8x128xf32, #tpu.memory_space<hbm>>
    tpu.enqueue_dma source(%dma_start3A_590 : memref<8x128xf32, #tpu.memory_space<hbm>>) target(%dma_start3A_588 : memref<8x128xf32, #tpu.memory_space<vmem>>) target_semaphore(%arg18 : memref<!tpu.dma_semaphore, #tpu.memory_space<semaphore_mem>>)
    %slice3A_591 = vector.extract_strided_slice %get3A_455 {offsets = [5], sizes = [1], strides = [1]} : vector<16xi32> to vector<1xi32>
    %squeeze3A_592 = vector.extract %slice3A_591[0] : i32 from vector<1xi32>
    %shift_right_logical3A_593 = arith.constant 7 : i32
    %shift_right_logical3A_594 = arith.shrui %squeeze3A_592, %shift_right_logical3A_593 : i32
    %mul3A_595 = arith.constant 128 : i32
    %mul3A_596 = arith.muli %shift_right_logical3A_594, %mul3A_595 : i32
    %multiple_of3A_597 = tpu.assume_multiple %mul3A_596, 128 : i32
    %dma_start3A_598 = arith.constant 0 : i32
    %dma_start3A_599 = arith.constant 640 : i32
    %dma_start3A_600 = tpu.memref_slice %arg9[%dma_start3A_598, %dma_start3A_599] : memref<16x2048xf32, #tpu.memory_space<vmem>> -> memref<8x128xf32, #tpu.memory_space<vmem>>
    %dma_start3A_601 = arith.constant 0 : i32
    %dma_start3A_602 = tpu.memref_slice %arg4[%dma_start3A_601, %multiple_of3A_597] : memref<16x1000000xf32, #tpu.memory_space<hbm>> -> memref<8x128xf32, #tpu.memory_space<hbm>>
    %dma_start3A_603 = arith.constant 0 : i32
    %dma_start3A_604 = arith.constant 640 : i32
    %dma_start3A_605 = tpu.memref_slice %arg9[%dma_start3A_603, %dma_start3A_604] : memref<16x2048xf32, #tpu.memory_space<vmem>> -> memref<8x128xf32, #tpu.memory_space<vmem>>
    %dma_start3A_606 = arith.constant 0 : i32
    %dma_start3A_607 = tpu.memref_slice %arg4[%dma_start3A_606, %multiple_of3A_597] : memref<16x1000000xf32, #tpu.memory_space<hbm>> -> memref<8x128xf32, #tpu.memory_space<hbm>>
    tpu.enqueue_dma source(%dma_start3A_607 : memref<8x128xf32, #tpu.memory_space<hbm>>) target(%dma_start3A_605 : memref<8x128xf32, #tpu.memory_space<vmem>>) target_semaphore(%arg17 : memref<!tpu.dma_semaphore, #tpu.memory_space<semaphore_mem>>)
    %dma_start3A_608 = arith.constant 8 : i32
    %dma_start3A_609 = arith.constant 640 : i32
    %dma_start3A_610 = tpu.memref_slice %arg9[%dma_start3A_608, %dma_start3A_609] : memref<16x2048xf32, #tpu.memory_space<vmem>> -> memref<8x128xf32, #tpu.memory_space<vmem>>
    %dma_start3A_611 = arith.constant 8 : i32
    %dma_start3A_612 = tpu.memref_slice %arg4[%dma_start3A_611, %multiple_of3A_597] : memref<16x1000000xf32, #tpu.memory_space<hbm>> -> memref<8x128xf32, #tpu.memory_space<hbm>>
    %dma_start3A_613 = arith.constant 8 : i32
    %dma_start3A_614 = arith.constant 640 : i32
    %dma_start3A_615 = tpu.memref_slice %arg9[%dma_start3A_613, %dma_start3A_614] : memref<16x2048xf32, #tpu.memory_space<vmem>> -> memref<8x128xf32, #tpu.memory_space<vmem>>
    %dma_start3A_616 = arith.constant 8 : i32
    %dma_start3A_617 = tpu.memref_slice %arg4[%dma_start3A_616, %multiple_of3A_597] : memref<16x1000000xf32, #tpu.memory_space<hbm>> -> memref<8x128xf32, #tpu.memory_space<hbm>>
    tpu.enqueue_dma source(%dma_start3A_617 : memref<8x128xf32, #tpu.memory_space<hbm>>) target(%dma_start3A_615 : memref<8x128xf32, #tpu.memory_space<vmem>>) target_semaphore(%arg19 : memref<!tpu.dma_semaphore, #tpu.memory_space<semaphore_mem>>)
    %slice3A_618 = vector.extract_strided_slice %get3A_455 {offsets = [6], sizes = [1], strides = [1]} : vector<16xi32> to vector<1xi32>
    %squeeze3A_619 = vector.extract %slice3A_618[0] : i32 from vector<1xi32>
    %shift_right_logical3A_620 = arith.constant 7 : i32
    %shift_right_logical3A_621 = arith.shrui %squeeze3A_619, %shift_right_logical3A_620 : i32
    %mul3A_622 = arith.constant 128 : i32
    %mul3A_623 = arith.muli %shift_right_logical3A_621, %mul3A_622 : i32
    %multiple_of3A_624 = tpu.assume_multiple %mul3A_623, 128 : i32
    %dma_start3A_625 = arith.constant 0 : i32
    %dma_start3A_626 = arith.constant 768 : i32
    %dma_start3A_627 = tpu.memref_slice %arg9[%dma_start3A_625, %dma_start3A_626] : memref<16x2048xf32, #tpu.memory_space<vmem>> -> memref<8x128xf32, #tpu.memory_space<vmem>>
    %dma_start3A_628 = arith.constant 0 : i32
    %dma_start3A_629 = tpu.memref_slice %arg4[%dma_start3A_628, %multiple_of3A_624] : memref<16x1000000xf32, #tpu.memory_space<hbm>> -> memref<8x128xf32, #tpu.memory_space<hbm>>
    %dma_start3A_630 = arith.constant 0 : i32
    %dma_start3A_631 = arith.constant 768 : i32
    %dma_start3A_632 = tpu.memref_slice %arg9[%dma_start3A_630, %dma_start3A_631] : memref<16x2048xf32, #tpu.memory_space<vmem>> -> memref<8x128xf32, #tpu.memory_space<vmem>>
    %dma_start3A_633 = arith.constant 0 : i32
    %dma_start3A_634 = tpu.memref_slice %arg4[%dma_start3A_633, %multiple_of3A_624] : memref<16x1000000xf32, #tpu.memory_space<hbm>> -> memref<8x128xf32, #tpu.memory_space<hbm>>
    tpu.enqueue_dma source(%dma_start3A_634 : memref<8x128xf32, #tpu.memory_space<hbm>>) target(%dma_start3A_632 : memref<8x128xf32, #tpu.memory_space<vmem>>) target_semaphore(%arg16 : memref<!tpu.dma_semaphore, #tpu.memory_space<semaphore_mem>>)
    %dma_start3A_635 = arith.constant 8 : i32
    %dma_start3A_636 = arith.constant 768 : i32
    %dma_start3A_637 = tpu.memref_slice %arg9[%dma_start3A_635, %dma_start3A_636] : memref<16x2048xf32, #tpu.memory_space<vmem>> -> memref<8x128xf32, #tpu.memory_space<vmem>>
    %dma_start3A_638 = arith.constant 8 : i32
    %dma_start3A_639 = tpu.memref_slice %arg4[%dma_start3A_638, %multiple_of3A_624] : memref<16x1000000xf32, #tpu.memory_space<hbm>> -> memref<8x128xf32, #tpu.memory_space<hbm>>
    %dma_start3A_640 = arith.constant 8 : i32
    %dma_start3A_641 = arith.constant 768 : i32
    %dma_start3A_642 = tpu.memref_slice %arg9[%dma_start3A_640, %dma_start3A_641] : memref<16x2048xf32, #tpu.memory_space<vmem>> -> memref<8x128xf32, #tpu.memory_space<vmem>>
    %dma_start3A_643 = arith.constant 8 : i32
    %dma_start3A_644 = tpu.memref_slice %arg4[%dma_start3A_643, %multiple_of3A_624] : memref<16x1000000xf32, #tpu.memory_space<hbm>> -> memref<8x128xf32, #tpu.memory_space<hbm>>
    tpu.enqueue_dma source(%dma_start3A_644 : memref<8x128xf32, #tpu.memory_space<hbm>>) target(%dma_start3A_642 : memref<8x128xf32, #tpu.memory_space<vmem>>) target_semaphore(%arg18 : memref<!tpu.dma_semaphore, #tpu.memory_space<semaphore_mem>>)
    %slice3A_645 = vector.extract_strided_slice %get3A_455 {offsets = [7], sizes = [1], strides = [1]} : vector<16xi32> to vector<1xi32>
    %squeeze3A_646 = vector.extract %slice3A_645[0] : i32 from vector<1xi32>
    %shift_right_logical3A_647 = arith.constant 7 : i32
    %shift_right_logical3A_648 = arith.shrui %squeeze3A_646, %shift_right_logical3A_647 : i32
    %mul3A_649 = arith.constant 128 : i32
    %mul3A_650 = arith.muli %shift_right_logical3A_648, %mul3A_649 : i32
    %multiple_of3A_651 = tpu.assume_multiple %mul3A_650, 128 : i32
    %dma_start3A_652 = arith.constant 0 : i32
    %dma_start3A_653 = arith.constant 896 : i32
    %dma_start3A_654 = tpu.memref_slice %arg9[%dma_start3A_652, %dma_start3A_653] : memref<16x2048xf32, #tpu.memory_space<vmem>> -> memref<8x128xf32, #tpu.memory_space<vmem>>
    %dma_start3A_655 = arith.constant 0 : i32
    %dma_start3A_656 = tpu.memref_slice %arg4[%dma_start3A_655, %multiple_of3A_651] : memref<16x1000000xf32, #tpu.memory_space<hbm>> -> memref<8x128xf32, #tpu.memory_space<hbm>>
    %dma_start3A_657 = arith.constant 0 : i32
    %dma_start3A_658 = arith.constant 896 : i32
    %dma_start3A_659 = tpu.memref_slice %arg9[%dma_start3A_657, %dma_start3A_658] : memref<16x2048xf32, #tpu.memory_space<vmem>> -> memref<8x128xf32, #tpu.memory_space<vmem>>
    %dma_start3A_660 = arith.constant 0 : i32
    %dma_start3A_661 = tpu.memref_slice %arg4[%dma_start3A_660, %multiple_of3A_651] : memref<16x1000000xf32, #tpu.memory_space<hbm>> -> memref<8x128xf32, #tpu.memory_space<hbm>>
    tpu.enqueue_dma source(%dma_start3A_661 : memref<8x128xf32, #tpu.memory_space<hbm>>) target(%dma_start3A_659 : memref<8x128xf32, #tpu.memory_space<vmem>>) target_semaphore(%arg17 : memref<!tpu.dma_semaphore, #tpu.memory_space<semaphore_mem>>)
    %dma_start3A_662 = arith.constant 8 : i32
    %dma_start3A_663 = arith.constant 896 : i32
    %dma_start3A_664 = tpu.memref_slice %arg9[%dma_start3A_662, %dma_start3A_663] : memref<16x2048xf32, #tpu.memory_space<vmem>> -> memref<8x128xf32, #tpu.memory_space<vmem>>
    %dma_start3A_665 = arith.constant 8 : i32
    %dma_start3A_666 = tpu.memref_slice %arg4[%dma_start3A_665, %multiple_of3A_651] : memref<16x1000000xf32, #tpu.memory_space<hbm>> -> memref<8x128xf32, #tpu.memory_space<hbm>>
    %dma_start3A_667 = arith.constant 8 : i32
    %dma_start3A_668 = arith.constant 896 : i32
    %dma_start3A_669 = tpu.memref_slice %arg9[%dma_start3A_667, %dma_start3A_668] : memref<16x2048xf32, #tpu.memory_space<vmem>> -> memref<8x128xf32, #tpu.memory_space<vmem>>
    %dma_start3A_670 = arith.constant 8 : i32
    %dma_start3A_671 = tpu.memref_slice %arg4[%dma_start3A_670, %multiple_of3A_651] : memref<16x1000000xf32, #tpu.memory_space<hbm>> -> memref<8x128xf32, #tpu.memory_space<hbm>>
    tpu.enqueue_dma source(%dma_start3A_671 : memref<8x128xf32, #tpu.memory_space<hbm>>) target(%dma_start3A_669 : memref<8x128xf32, #tpu.memory_space<vmem>>) target_semaphore(%arg19 : memref<!tpu.dma_semaphore, #tpu.memory_space<semaphore_mem>>)
    %slice3A_672 = vector.extract_strided_slice %get3A_455 {offsets = [8], sizes = [1], strides = [1]} : vector<16xi32> to vector<1xi32>
    %squeeze3A_673 = vector.extract %slice3A_672[0] : i32 from vector<1xi32>
    %shift_right_logical3A_674 = arith.constant 7 : i32
    %shift_right_logical3A_675 = arith.shrui %squeeze3A_673, %shift_right_logical3A_674 : i32
    %mul3A_676 = arith.constant 128 : i32
    %mul3A_677 = arith.muli %shift_right_logical3A_675, %mul3A_676 : i32
    %multiple_of3A_678 = tpu.assume_multiple %mul3A_677, 128 : i32
    %dma_start3A_679 = arith.constant 0 : i32
    %dma_start3A_680 = arith.constant 1024 : i32
    %dma_start3A_681 = tpu.memref_slice %arg9[%dma_start3A_679, %dma_start3A_680] : memref<16x2048xf32, #tpu.memory_space<vmem>> -> memref<8x128xf32, #tpu.memory_space<vmem>>
    %dma_start3A_682 = arith.constant 0 : i32
    %dma_start3A_683 = tpu.memref_slice %arg4[%dma_start3A_682, %multiple_of3A_678] : memref<16x1000000xf32, #tpu.memory_space<hbm>> -> memref<8x128xf32, #tpu.memory_space<hbm>>
    %dma_start3A_684 = arith.constant 0 : i32
    %dma_start3A_685 = arith.constant 1024 : i32
    %dma_start3A_686 = tpu.memref_slice %arg9[%dma_start3A_684, %dma_start3A_685] : memref<16x2048xf32, #tpu.memory_space<vmem>> -> memref<8x128xf32, #tpu.memory_space<vmem>>
    %dma_start3A_687 = arith.constant 0 : i32
    %dma_start3A_688 = tpu.memref_slice %arg4[%dma_start3A_687, %multiple_of3A_678] : memref<16x1000000xf32, #tpu.memory_space<hbm>> -> memref<8x128xf32, #tpu.memory_space<hbm>>
    tpu.enqueue_dma source(%dma_start3A_688 : memref<8x128xf32, #tpu.memory_space<hbm>>) target(%dma_start3A_686 : memref<8x128xf32, #tpu.memory_space<vmem>>) target_semaphore(%arg16 : memref<!tpu.dma_semaphore, #tpu.memory_space<semaphore_mem>>)
    %dma_start3A_689 = arith.constant 8 : i32
    %dma_start3A_690 = arith.constant 1024 : i32
    %dma_start3A_691 = tpu.memref_slice %arg9[%dma_start3A_689, %dma_start3A_690] : memref<16x2048xf32, #tpu.memory_space<vmem>> -> memref<8x128xf32, #tpu.memory_space<vmem>>
    %dma_start3A_692 = arith.constant 8 : i32
    %dma_start3A_693 = tpu.memref_slice %arg4[%dma_start3A_692, %multiple_of3A_678] : memref<16x1000000xf32, #tpu.memory_space<hbm>> -> memref<8x128xf32, #tpu.memory_space<hbm>>
    %dma_start3A_694 = arith.constant 8 : i32
    %dma_start3A_695 = arith.constant 1024 : i32
    %dma_start3A_696 = tpu.memref_slice %arg9[%dma_start3A_694, %dma_start3A_695] : memref<16x2048xf32, #tpu.memory_space<vmem>> -> memref<8x128xf32, #tpu.memory_space<vmem>>
    %dma_start3A_697 = arith.constant 8 : i32
    %dma_start3A_698 = tpu.memref_slice %arg4[%dma_start3A_697, %multiple_of3A_678] : memref<16x1000000xf32, #tpu.memory_space<hbm>> -> memref<8x128xf32, #tpu.memory_space<hbm>>
    tpu.enqueue_dma source(%dma_start3A_698 : memref<8x128xf32, #tpu.memory_space<hbm>>) target(%dma_start3A_696 : memref<8x128xf32, #tpu.memory_space<vmem>>) target_semaphore(%arg18 : memref<!tpu.dma_semaphore, #tpu.memory_space<semaphore_mem>>)
    %slice3A_699 = vector.extract_strided_slice %get3A_455 {offsets = [9], sizes = [1], strides = [1]} : vector<16xi32> to vector<1xi32>
    %squeeze3A_700 = vector.extract %slice3A_699[0] : i32 from vector<1xi32>
    %shift_right_logical3A_701 = arith.constant 7 : i32
    %shift_right_logical3A_702 = arith.shrui %squeeze3A_700, %shift_right_logical3A_701 : i32
    %mul3A_703 = arith.constant 128 : i32
    %mul3A_704 = arith.muli %shift_right_logical3A_702, %mul3A_703 : i32
    %multiple_of3A_705 = tpu.assume_multiple %mul3A_704, 128 : i32
    %dma_start3A_706 = arith.constant 0 : i32
    %dma_start3A_707 = arith.constant 1152 : i32
    %dma_start3A_708 = tpu.memref_slice %arg9[%dma_start3A_706, %dma_start3A_707] : memref<16x2048xf32, #tpu.memory_space<vmem>> -> memref<8x128xf32, #tpu.memory_space<vmem>>
    %dma_start3A_709 = arith.constant 0 : i32
    %dma_start3A_710 = tpu.memref_slice %arg4[%dma_start3A_709, %multiple_of3A_705] : memref<16x1000000xf32, #tpu.memory_space<hbm>> -> memref<8x128xf32, #tpu.memory_space<hbm>>
    %dma_start3A_711 = arith.constant 0 : i32
    %dma_start3A_712 = arith.constant 1152 : i32
    %dma_start3A_713 = tpu.memref_slice %arg9[%dma_start3A_711, %dma_start3A_712] : memref<16x2048xf32, #tpu.memory_space<vmem>> -> memref<8x128xf32, #tpu.memory_space<vmem>>
    %dma_start3A_714 = arith.constant 0 : i32
    %dma_start3A_715 = tpu.memref_slice %arg4[%dma_start3A_714, %multiple_of3A_705] : memref<16x1000000xf32, #tpu.memory_space<hbm>> -> memref<8x128xf32, #tpu.memory_space<hbm>>
    tpu.enqueue_dma source(%dma_start3A_715 : memref<8x128xf32, #tpu.memory_space<hbm>>) target(%dma_start3A_713 : memref<8x128xf32, #tpu.memory_space<vmem>>) target_semaphore(%arg17 : memref<!tpu.dma_semaphore, #tpu.memory_space<semaphore_mem>>)
    %dma_start3A_716 = arith.constant 8 : i32
    %dma_start3A_717 = arith.constant 1152 : i32
    %dma_start3A_718 = tpu.memref_slice %arg9[%dma_start3A_716, %dma_start3A_717] : memref<16x2048xf32, #tpu.memory_space<vmem>> -> memref<8x128xf32, #tpu.memory_space<vmem>>
    %dma_start3A_719 = arith.constant 8 : i32
    %dma_start3A_720 = tpu.memref_slice %arg4[%dma_start3A_719, %multiple_of3A_705] : memref<16x1000000xf32, #tpu.memory_space<hbm>> -> memref<8x128xf32, #tpu.memory_space<hbm>>
    %dma_start3A_721 = arith.constant 8 : i32
    %dma_start3A_722 = arith.constant 1152 : i32
    %dma_start3A_723 = tpu.memref_slice %arg9[%dma_start3A_721, %dma_start3A_722] : memref<16x2048xf32, #tpu.memory_space<vmem>> -> memref<8x128xf32, #tpu.memory_space<vmem>>
    %dma_start3A_724 = arith.constant 8 : i32
    %dma_start3A_725 = tpu.memref_slice %arg4[%dma_start3A_724, %multiple_of3A_705] : memref<16x1000000xf32, #tpu.memory_space<hbm>> -> memref<8x128xf32, #tpu.memory_space<hbm>>
    tpu.enqueue_dma source(%dma_start3A_725 : memref<8x128xf32, #tpu.memory_space<hbm>>) target(%dma_start3A_723 : memref<8x128xf32, #tpu.memory_space<vmem>>) target_semaphore(%arg19 : memref<!tpu.dma_semaphore, #tpu.memory_space<semaphore_mem>>)
    %slice3A_726 = vector.extract_strided_slice %get3A_455 {offsets = [10], sizes = [1], strides = [1]} : vector<16xi32> to vector<1xi32>
    %squeeze3A_727 = vector.extract %slice3A_726[0] : i32 from vector<1xi32>
    %shift_right_logical3A_728 = arith.constant 7 : i32
    %shift_right_logical3A_729 = arith.shrui %squeeze3A_727, %shift_right_logical3A_728 : i32
    %mul3A_730 = arith.constant 128 : i32
    %mul3A_731 = arith.muli %shift_right_logical3A_729, %mul3A_730 : i32
    %multiple_of3A_732 = tpu.assume_multiple %mul3A_731, 128 : i32
    %dma_start3A_733 = arith.constant 0 : i32
    %dma_start3A_734 = arith.constant 1280 : i32
    %dma_start3A_735 = tpu.memref_slice %arg9[%dma_start3A_733, %dma_start3A_734] : memref<16x2048xf32, #tpu.memory_space<vmem>> -> memref<8x128xf32, #tpu.memory_space<vmem>>
    %dma_start3A_736 = arith.constant 0 : i32
    %dma_start3A_737 = tpu.memref_slice %arg4[%dma_start3A_736, %multiple_of3A_732] : memref<16x1000000xf32, #tpu.memory_space<hbm>> -> memref<8x128xf32, #tpu.memory_space<hbm>>
    %dma_start3A_738 = arith.constant 0 : i32
    %dma_start3A_739 = arith.constant 1280 : i32
    %dma_start3A_740 = tpu.memref_slice %arg9[%dma_start3A_738, %dma_start3A_739] : memref<16x2048xf32, #tpu.memory_space<vmem>> -> memref<8x128xf32, #tpu.memory_space<vmem>>
    %dma_start3A_741 = arith.constant 0 : i32
    %dma_start3A_742 = tpu.memref_slice %arg4[%dma_start3A_741, %multiple_of3A_732] : memref<16x1000000xf32, #tpu.memory_space<hbm>> -> memref<8x128xf32, #tpu.memory_space<hbm>>
    tpu.enqueue_dma source(%dma_start3A_742 : memref<8x128xf32, #tpu.memory_space<hbm>>) target(%dma_start3A_740 : memref<8x128xf32, #tpu.memory_space<vmem>>) target_semaphore(%arg16 : memref<!tpu.dma_semaphore, #tpu.memory_space<semaphore_mem>>)
    %dma_start3A_743 = arith.constant 8 : i32
    %dma_start3A_744 = arith.constant 1280 : i32
    %dma_start3A_745 = tpu.memref_slice %arg9[%dma_start3A_743, %dma_start3A_744] : memref<16x2048xf32, #tpu.memory_space<vmem>> -> memref<8x128xf32, #tpu.memory_space<vmem>>
    %dma_start3A_746 = arith.constant 8 : i32
    %dma_start3A_747 = tpu.memref_slice %arg4[%dma_start3A_746, %multiple_of3A_732] : memref<16x1000000xf32, #tpu.memory_space<hbm>> -> memref<8x128xf32, #tpu.memory_space<hbm>>
    %dma_start3A_748 = arith.constant 8 : i32
    %dma_start3A_749 = arith.constant 1280 : i32
    %dma_start3A_750 = tpu.memref_slice %arg9[%dma_start3A_748, %dma_start3A_749] : memref<16x2048xf32, #tpu.memory_space<vmem>> -> memref<8x128xf32, #tpu.memory_space<vmem>>
    %dma_start3A_751 = arith.constant 8 : i32
    %dma_start3A_752 = tpu.memref_slice %arg4[%dma_start3A_751, %multiple_of3A_732] : memref<16x1000000xf32, #tpu.memory_space<hbm>> -> memref<8x128xf32, #tpu.memory_space<hbm>>
    tpu.enqueue_dma source(%dma_start3A_752 : memref<8x128xf32, #tpu.memory_space<hbm>>) target(%dma_start3A_750 : memref<8x128xf32, #tpu.memory_space<vmem>>) target_semaphore(%arg18 : memref<!tpu.dma_semaphore, #tpu.memory_space<semaphore_mem>>)
    %slice3A_753 = vector.extract_strided_slice %get3A_455 {offsets = [11], sizes = [1], strides = [1]} : vector<16xi32> to vector<1xi32>
    %squeeze3A_754 = vector.extract %slice3A_753[0] : i32 from vector<1xi32>
    %shift_right_logical3A_755 = arith.constant 7 : i32
    %shift_right_logical3A_756 = arith.shrui %squeeze3A_754, %shift_right_logical3A_755 : i32
    %mul3A_757 = arith.constant 128 : i32
    %mul3A_758 = arith.muli %shift_right_logical3A_756, %mul3A_757 : i32
    %multiple_of3A_759 = tpu.assume_multiple %mul3A_758, 128 : i32
    %dma_start3A_760 = arith.constant 0 : i32
    %dma_start3A_761 = arith.constant 1408 : i32
    %dma_start3A_762 = tpu.memref_slice %arg9[%dma_start3A_760, %dma_start3A_761] : memref<16x2048xf32, #tpu.memory_space<vmem>> -> memref<8x128xf32, #tpu.memory_space<vmem>>
    %dma_start3A_763 = arith.constant 0 : i32
    %dma_start3A_764 = tpu.memref_slice %arg4[%dma_start3A_763, %multiple_of3A_759] : memref<16x1000000xf32, #tpu.memory_space<hbm>> -> memref<8x128xf32, #tpu.memory_space<hbm>>
    %dma_start3A_765 = arith.constant 0 : i32
    %dma_start3A_766 = arith.constant 1408 : i32
    %dma_start3A_767 = tpu.memref_slice %arg9[%dma_start3A_765, %dma_start3A_766] : memref<16x2048xf32, #tpu.memory_space<vmem>> -> memref<8x128xf32, #tpu.memory_space<vmem>>
    %dma_start3A_768 = arith.constant 0 : i32
    %dma_start3A_769 = tpu.memref_slice %arg4[%dma_start3A_768, %multiple_of3A_759] : memref<16x1000000xf32, #tpu.memory_space<hbm>> -> memref<8x128xf32, #tpu.memory_space<hbm>>
    tpu.enqueue_dma source(%dma_start3A_769 : memref<8x128xf32, #tpu.memory_space<hbm>>) target(%dma_start3A_767 : memref<8x128xf32, #tpu.memory_space<vmem>>) target_semaphore(%arg17 : memref<!tpu.dma_semaphore, #tpu.memory_space<semaphore_mem>>)
    %dma_start3A_770 = arith.constant 8 : i32
    %dma_start3A_771 = arith.constant 1408 : i32
    %dma_start3A_772 = tpu.memref_slice %arg9[%dma_start3A_770, %dma_start3A_771] : memref<16x2048xf32, #tpu.memory_space<vmem>> -> memref<8x128xf32, #tpu.memory_space<vmem>>
    %dma_start3A_773 = arith.constant 8 : i32
    %dma_start3A_774 = tpu.memref_slice %arg4[%dma_start3A_773, %multiple_of3A_759] : memref<16x1000000xf32, #tpu.memory_space<hbm>> -> memref<8x128xf32, #tpu.memory_space<hbm>>
    %dma_start3A_775 = arith.constant 8 : i32
    %dma_start3A_776 = arith.constant 1408 : i32
    %dma_start3A_777 = tpu.memref_slice %arg9[%dma_start3A_775, %dma_start3A_776] : memref<16x2048xf32, #tpu.memory_space<vmem>> -> memref<8x128xf32, #tpu.memory_space<vmem>>
    %dma_start3A_778 = arith.constant 8 : i32
    %dma_start3A_779 = tpu.memref_slice %arg4[%dma_start3A_778, %multiple_of3A_759] : memref<16x1000000xf32, #tpu.memory_space<hbm>> -> memref<8x128xf32, #tpu.memory_space<hbm>>
    tpu.enqueue_dma source(%dma_start3A_779 : memref<8x128xf32, #tpu.memory_space<hbm>>) target(%dma_start3A_777 : memref<8x128xf32, #tpu.memory_space<vmem>>) target_semaphore(%arg19 : memref<!tpu.dma_semaphore, #tpu.memory_space<semaphore_mem>>)
    %slice3A_780 = vector.extract_strided_slice %get3A_455 {offsets = [12], sizes = [1], strides = [1]} : vector<16xi32> to vector<1xi32>
    %squeeze3A_781 = vector.extract %slice3A_780[0] : i32 from vector<1xi32>
    %shift_right_logical3A_782 = arith.constant 7 : i32
    %shift_right_logical3A_783 = arith.shrui %squeeze3A_781, %shift_right_logical3A_782 : i32
    %mul3A_784 = arith.constant 128 : i32
    %mul3A_785 = arith.muli %shift_right_logical3A_783, %mul3A_784 : i32
    %multiple_of3A_786 = tpu.assume_multiple %mul3A_785, 128 : i32
    %dma_start3A_787 = arith.constant 0 : i32
    %dma_start3A_788 = arith.constant 1536 : i32
    %dma_start3A_789 = tpu.memref_slice %arg9[%dma_start3A_787, %dma_start3A_788] : memref<16x2048xf32, #tpu.memory_space<vmem>> -> memref<8x128xf32, #tpu.memory_space<vmem>>
    %dma_start3A_790 = arith.constant 0 : i32
    %dma_start3A_791 = tpu.memref_slice %arg4[%dma_start3A_790, %multiple_of3A_786] : memref<16x1000000xf32, #tpu.memory_space<hbm>> -> memref<8x128xf32, #tpu.memory_space<hbm>>
    %dma_start3A_792 = arith.constant 0 : i32
    %dma_start3A_793 = arith.constant 1536 : i32
    %dma_start3A_794 = tpu.memref_slice %arg9[%dma_start3A_792, %dma_start3A_793] : memref<16x2048xf32, #tpu.memory_space<vmem>> -> memref<8x128xf32, #tpu.memory_space<vmem>>
    %dma_start3A_795 = arith.constant 0 : i32
    %dma_start3A_796 = tpu.memref_slice %arg4[%dma_start3A_795, %multiple_of3A_786] : memref<16x1000000xf32, #tpu.memory_space<hbm>> -> memref<8x128xf32, #tpu.memory_space<hbm>>
    tpu.enqueue_dma source(%dma_start3A_796 : memref<8x128xf32, #tpu.memory_space<hbm>>) target(%dma_start3A_794 : memref<8x128xf32, #tpu.memory_space<vmem>>) target_semaphore(%arg16 : memref<!tpu.dma_semaphore, #tpu.memory_space<semaphore_mem>>)
    %dma_start3A_797 = arith.constant 8 : i32
    %dma_start3A_798 = arith.constant 1536 : i32
    %dma_start3A_799 = tpu.memref_slice %arg9[%dma_start3A_797, %dma_start3A_798] : memref<16x2048xf32, #tpu.memory_space<vmem>> -> memref<8x128xf32, #tpu.memory_space<vmem>>
    %dma_start3A_800 = arith.constant 8 : i32
    %dma_start3A_801 = tpu.memref_slice %arg4[%dma_start3A_800, %multiple_of3A_786] : memref<16x1000000xf32, #tpu.memory_space<hbm>> -> memref<8x128xf32, #tpu.memory_space<hbm>>
    %dma_start3A_802 = arith.constant 8 : i32
    %dma_start3A_803 = arith.constant 1536 : i32
    %dma_start3A_804 = tpu.memref_slice %arg9[%dma_start3A_802, %dma_start3A_803] : memref<16x2048xf32, #tpu.memory_space<vmem>> -> memref<8x128xf32, #tpu.memory_space<vmem>>
    %dma_start3A_805 = arith.constant 8 : i32
    %dma_start3A_806 = tpu.memref_slice %arg4[%dma_start3A_805, %multiple_of3A_786] : memref<16x1000000xf32, #tpu.memory_space<hbm>> -> memref<8x128xf32, #tpu.memory_space<hbm>>
    tpu.enqueue_dma source(%dma_start3A_806 : memref<8x128xf32, #tpu.memory_space<hbm>>) target(%dma_start3A_804 : memref<8x128xf32, #tpu.memory_space<vmem>>) target_semaphore(%arg18 : memref<!tpu.dma_semaphore, #tpu.memory_space<semaphore_mem>>)
    %slice3A_807 = vector.extract_strided_slice %get3A_455 {offsets = [13], sizes = [1], strides = [1]} : vector<16xi32> to vector<1xi32>
    %squeeze3A_808 = vector.extract %slice3A_807[0] : i32 from vector<1xi32>
    %shift_right_logical3A_809 = arith.constant 7 : i32
    %shift_right_logical3A_810 = arith.shrui %squeeze3A_808, %shift_right_logical3A_809 : i32
    %mul3A_811 = arith.constant 128 : i32
    %mul3A_812 = arith.muli %shift_right_logical3A_810, %mul3A_811 : i32
    %multiple_of3A_813 = tpu.assume_multiple %mul3A_812, 128 : i32
    %dma_start3A_814 = arith.constant 0 : i32
    %dma_start3A_815 = arith.constant 1664 : i32
    %dma_start3A_816 = tpu.memref_slice %arg9[%dma_start3A_814, %dma_start3A_815] : memref<16x2048xf32, #tpu.memory_space<vmem>> -> memref<8x128xf32, #tpu.memory_space<vmem>>
    %dma_start3A_817 = arith.constant 0 : i32
    %dma_start3A_818 = tpu.memref_slice %arg4[%dma_start3A_817, %multiple_of3A_813] : memref<16x1000000xf32, #tpu.memory_space<hbm>> -> memref<8x128xf32, #tpu.memory_space<hbm>>
    %dma_start3A_819 = arith.constant 0 : i32
    %dma_start3A_820 = arith.constant 1664 : i32
    %dma_start3A_821 = tpu.memref_slice %arg9[%dma_start3A_819, %dma_start3A_820] : memref<16x2048xf32, #tpu.memory_space<vmem>> -> memref<8x128xf32, #tpu.memory_space<vmem>>
    %dma_start3A_822 = arith.constant 0 : i32
    %dma_start3A_823 = tpu.memref_slice %arg4[%dma_start3A_822, %multiple_of3A_813] : memref<16x1000000xf32, #tpu.memory_space<hbm>> -> memref<8x128xf32, #tpu.memory_space<hbm>>
    tpu.enqueue_dma source(%dma_start3A_823 : memref<8x128xf32, #tpu.memory_space<hbm>>) target(%dma_start3A_821 : memref<8x128xf32, #tpu.memory_space<vmem>>) target_semaphore(%arg17 : memref<!tpu.dma_semaphore, #tpu.memory_space<semaphore_mem>>)
    %dma_start3A_824 = arith.constant 8 : i32
    %dma_start3A_825 = arith.constant 1664 : i32
    %dma_start3A_826 = tpu.memref_slice %arg9[%dma_start3A_824, %dma_start3A_825] : memref<16x2048xf32, #tpu.memory_space<vmem>> -> memref<8x128xf32, #tpu.memory_space<vmem>>
    %dma_start3A_827 = arith.constant 8 : i32
    %dma_start3A_828 = tpu.memref_slice %arg4[%dma_start3A_827, %multiple_of3A_813] : memref<16x1000000xf32, #tpu.memory_space<hbm>> -> memref<8x128xf32, #tpu.memory_space<hbm>>
    %dma_start3A_829 = arith.constant 8 : i32
    %dma_start3A_830 = arith.constant 1664 : i32
    %dma_start3A_831 = tpu.memref_slice %arg9[%dma_start3A_829, %dma_start3A_830] : memref<16x2048xf32, #tpu.memory_space<vmem>> -> memref<8x128xf32, #tpu.memory_space<vmem>>
    %dma_start3A_832 = arith.constant 8 : i32
    %dma_start3A_833 = tpu.memref_slice %arg4[%dma_start3A_832, %multiple_of3A_813] : memref<16x1000000xf32, #tpu.memory_space<hbm>> -> memref<8x128xf32, #tpu.memory_space<hbm>>
    tpu.enqueue_dma source(%dma_start3A_833 : memref<8x128xf32, #tpu.memory_space<hbm>>) target(%dma_start3A_831 : memref<8x128xf32, #tpu.memory_space<vmem>>) target_semaphore(%arg19 : memref<!tpu.dma_semaphore, #tpu.memory_space<semaphore_mem>>)
    %slice3A_834 = vector.extract_strided_slice %get3A_455 {offsets = [14], sizes = [1], strides = [1]} : vector<16xi32> to vector<1xi32>
    %squeeze3A_835 = vector.extract %slice3A_834[0] : i32 from vector<1xi32>
    %shift_right_logical3A_836 = arith.constant 7 : i32
    %shift_right_logical3A_837 = arith.shrui %squeeze3A_835, %shift_right_logical3A_836 : i32
    %mul3A_838 = arith.constant 128 : i32
    %mul3A_839 = arith.muli %shift_right_logical3A_837, %mul3A_838 : i32
    %multiple_of3A_840 = tpu.assume_multiple %mul3A_839, 128 : i32
    %dma_start3A_841 = arith.constant 0 : i32
    %dma_start3A_842 = arith.constant 1792 : i32
    %dma_start3A_843 = tpu.memref_slice %arg9[%dma_start3A_841, %dma_start3A_842] : memref<16x2048xf32, #tpu.memory_space<vmem>> -> memref<8x128xf32, #tpu.memory_space<vmem>>
    %dma_start3A_844 = arith.constant 0 : i32
    %dma_start3A_845 = tpu.memref_slice %arg4[%dma_start3A_844, %multiple_of3A_840] : memref<16x1000000xf32, #tpu.memory_space<hbm>> -> memref<8x128xf32, #tpu.memory_space<hbm>>
    %dma_start3A_846 = arith.constant 0 : i32
    %dma_start3A_847 = arith.constant 1792 : i32
    %dma_start3A_848 = tpu.memref_slice %arg9[%dma_start3A_846, %dma_start3A_847] : memref<16x2048xf32, #tpu.memory_space<vmem>> -> memref<8x128xf32, #tpu.memory_space<vmem>>
    %dma_start3A_849 = arith.constant 0 : i32
    %dma_start3A_850 = tpu.memref_slice %arg4[%dma_start3A_849, %multiple_of3A_840] : memref<16x1000000xf32, #tpu.memory_space<hbm>> -> memref<8x128xf32, #tpu.memory_space<hbm>>
    tpu.enqueue_dma source(%dma_start3A_850 : memref<8x128xf32, #tpu.memory_space<hbm>>) target(%dma_start3A_848 : memref<8x128xf32, #tpu.memory_space<vmem>>) target_semaphore(%arg16 : memref<!tpu.dma_semaphore, #tpu.memory_space<semaphore_mem>>)
    %dma_start3A_851 = arith.constant 8 : i32
    %dma_start3A_852 = arith.constant 1792 : i32
    %dma_start3A_853 = tpu.memref_slice %arg9[%dma_start3A_851, %dma_start3A_852] : memref<16x2048xf32, #tpu.memory_space<vmem>> -> memref<8x128xf32, #tpu.memory_space<vmem>>
    %dma_start3A_854 = arith.constant 8 : i32
    %dma_start3A_855 = tpu.memref_slice %arg4[%dma_start3A_854, %multiple_of3A_840] : memref<16x1000000xf32, #tpu.memory_space<hbm>> -> memref<8x128xf32, #tpu.memory_space<hbm>>
    %dma_start3A_856 = arith.constant 8 : i32
    %dma_start3A_857 = arith.constant 1792 : i32
    %dma_start3A_858 = tpu.memref_slice %arg9[%dma_start3A_856, %dma_start3A_857] : memref<16x2048xf32, #tpu.memory_space<vmem>> -> memref<8x128xf32, #tpu.memory_space<vmem>>
    %dma_start3A_859 = arith.constant 8 : i32
    %dma_start3A_860 = tpu.memref_slice %arg4[%dma_start3A_859, %multiple_of3A_840] : memref<16x1000000xf32, #tpu.memory_space<hbm>> -> memref<8x128xf32, #tpu.memory_space<hbm>>
    tpu.enqueue_dma source(%dma_start3A_860 : memref<8x128xf32, #tpu.memory_space<hbm>>) target(%dma_start3A_858 : memref<8x128xf32, #tpu.memory_space<vmem>>) target_semaphore(%arg18 : memref<!tpu.dma_semaphore, #tpu.memory_space<semaphore_mem>>)
    %slice3A_861 = vector.extract_strided_slice %get3A_455 {offsets = [15], sizes = [1], strides = [1]} : vector<16xi32> to vector<1xi32>
    %squeeze3A_862 = vector.extract %slice3A_861[0] : i32 from vector<1xi32>
    %shift_right_logical3A_863 = arith.constant 7 : i32
    %shift_right_logical3A_864 = arith.shrui %squeeze3A_862, %shift_right_logical3A_863 : i32
    %mul3A_865 = arith.constant 128 : i32
    %mul3A_866 = arith.muli %shift_right_logical3A_864, %mul3A_865 : i32
    %multiple_of3A_867 = tpu.assume_multiple %mul3A_866, 128 : i32
    %dma_start3A_868 = arith.constant 0 : i32
    %dma_start3A_869 = arith.constant 1920 : i32
    %dma_start3A_870 = tpu.memref_slice %arg9[%dma_start3A_868, %dma_start3A_869] : memref<16x2048xf32, #tpu.memory_space<vmem>> -> memref<8x128xf32, #tpu.memory_space<vmem>>
    %dma_start3A_871 = arith.constant 0 : i32
    %dma_start3A_872 = tpu.memref_slice %arg4[%dma_start3A_871, %multiple_of3A_867] : memref<16x1000000xf32, #tpu.memory_space<hbm>> -> memref<8x128xf32, #tpu.memory_space<hbm>>
    %dma_start3A_873 = arith.constant 0 : i32
    %dma_start3A_874 = arith.constant 1920 : i32
    %dma_start3A_875 = tpu.memref_slice %arg9[%dma_start3A_873, %dma_start3A_874] : memref<16x2048xf32, #tpu.memory_space<vmem>> -> memref<8x128xf32, #tpu.memory_space<vmem>>
    %dma_start3A_876 = arith.constant 0 : i32
    %dma_start3A_877 = tpu.memref_slice %arg4[%dma_start3A_876, %multiple_of3A_867] : memref<16x1000000xf32, #tpu.memory_space<hbm>> -> memref<8x128xf32, #tpu.memory_space<hbm>>
    tpu.enqueue_dma source(%dma_start3A_877 : memref<8x128xf32, #tpu.memory_space<hbm>>) target(%dma_start3A_875 : memref<8x128xf32, #tpu.memory_space<vmem>>) target_semaphore(%arg17 : memref<!tpu.dma_semaphore, #tpu.memory_space<semaphore_mem>>)
    %dma_start3A_878 = arith.constant 8 : i32
    %dma_start3A_879 = arith.constant 1920 : i32
    %dma_start3A_880 = tpu.memref_slice %arg9[%dma_start3A_878, %dma_start3A_879] : memref<16x2048xf32, #tpu.memory_space<vmem>> -> memref<8x128xf32, #tpu.memory_space<vmem>>
    %dma_start3A_881 = arith.constant 8 : i32
    %dma_start3A_882 = tpu.memref_slice %arg4[%dma_start3A_881, %multiple_of3A_867] : memref<16x1000000xf32, #tpu.memory_space<hbm>> -> memref<8x128xf32, #tpu.memory_space<hbm>>
    %dma_start3A_883 = arith.constant 8 : i32
    %dma_start3A_884 = arith.constant 1920 : i32
    %dma_start3A_885 = tpu.memref_slice %arg9[%dma_start3A_883, %dma_start3A_884] : memref<16x2048xf32, #tpu.memory_space<vmem>> -> memref<8x128xf32, #tpu.memory_space<vmem>>
    %dma_start3A_886 = arith.constant 8 : i32
    %dma_start3A_887 = tpu.memref_slice %arg4[%dma_start3A_886, %multiple_of3A_867] : memref<16x1000000xf32, #tpu.memory_space<hbm>> -> memref<8x128xf32, #tpu.memory_space<hbm>>
    tpu.enqueue_dma source(%dma_start3A_887 : memref<8x128xf32, #tpu.memory_space<hbm>>) target(%dma_start3A_885 : memref<8x128xf32, #tpu.memory_space<vmem>>) target_semaphore(%arg19 : memref<!tpu.dma_semaphore, #tpu.memory_space<semaphore_mem>>)
    %dma_wait3A = arith.constant 0 : i32
    %dma_wait3A_888 = arith.constant 0 : i32
    %dma_wait3A_889 = tpu.memref_slice %arg8[%dma_wait3A, %dma_wait3A_888] : memref<16x2048xf32, #tpu.memory_space<vmem>> -> memref<8x1024xf32, #tpu.memory_space<vmem>>
    %dma_wait3A_890 = arith.constant 0 : i32
    %dma_wait3A_891 = arith.constant 0 : i32
    %dma_wait3A_892 = tpu.memref_slice %arg3[%dma_wait3A_890, %dma_wait3A_891] : memref<16x1000000xf32, #tpu.memory_space<hbm>> -> memref<8x1024xf32, #tpu.memory_space<hbm>>
    %dma_wait3A_893 = arith.constant 0 : i32
    %dma_wait3A_894 = arith.constant 0 : i32
    %dma_wait3A_895 = tpu.memref_slice %arg8[%dma_wait3A_893, %dma_wait3A_894] : memref<16x2048xf32, #tpu.memory_space<vmem>> -> memref<8x1024xf32, #tpu.memory_space<vmem>>
    %dma_wait3A_896 = arith.constant 0 : i32
    %dma_wait3A_897 = arith.constant 0 : i32
    %dma_wait3A_898 = tpu.memref_slice %arg3[%dma_wait3A_896, %dma_wait3A_897] : memref<16x1000000xf32, #tpu.memory_space<hbm>> -> memref<8x1024xf32, #tpu.memory_space<hbm>>
    tpu.wait_dma2 semaphore(%arg12 : memref<!tpu.dma_semaphore, #tpu.memory_space<semaphore_mem>>) src(%dma_wait3A_898 : memref<8x1024xf32, #tpu.memory_space<hbm>>) dst(%dma_wait3A_895 : memref<8x1024xf32, #tpu.memory_space<vmem>>)
    %dma_wait3A_899 = arith.constant 0 : i32
    %dma_wait3A_900 = arith.constant 0 : i32
    %dma_wait3A_901 = tpu.memref_slice %arg8[%dma_wait3A_899, %dma_wait3A_900] : memref<16x2048xf32, #tpu.memory_space<vmem>> -> memref<8x1024xf32, #tpu.memory_space<vmem>>
    %dma_wait3A_902 = arith.constant 0 : i32
    %dma_wait3A_903 = arith.constant 0 : i32
    %dma_wait3A_904 = tpu.memref_slice %arg3[%dma_wait3A_902, %dma_wait3A_903] : memref<16x1000000xf32, #tpu.memory_space<hbm>> -> memref<8x1024xf32, #tpu.memory_space<hbm>>
    %dma_wait3A_905 = arith.constant 0 : i32
    %dma_wait3A_906 = arith.constant 0 : i32
    %dma_wait3A_907 = tpu.memref_slice %arg8[%dma_wait3A_905, %dma_wait3A_906] : memref<16x2048xf32, #tpu.memory_space<vmem>> -> memref<8x1024xf32, #tpu.memory_space<vmem>>
    %dma_wait3A_908 = arith.constant 0 : i32
    %dma_wait3A_909 = arith.constant 0 : i32
    %dma_wait3A_910 = tpu.memref_slice %arg3[%dma_wait3A_908, %dma_wait3A_909] : memref<16x1000000xf32, #tpu.memory_space<hbm>> -> memref<8x1024xf32, #tpu.memory_space<hbm>>
    tpu.wait_dma2 semaphore(%arg13 : memref<!tpu.dma_semaphore, #tpu.memory_space<semaphore_mem>>) src(%dma_wait3A_910 : memref<8x1024xf32, #tpu.memory_space<hbm>>) dst(%dma_wait3A_907 : memref<8x1024xf32, #tpu.memory_space<vmem>>)
    %dma_wait3A_911 = arith.constant 0 : i32
    %dma_wait3A_912 = arith.constant 0 : i32
    %dma_wait3A_913 = tpu.memref_slice %arg8[%dma_wait3A_911, %dma_wait3A_912] : memref<16x2048xf32, #tpu.memory_space<vmem>> -> memref<8x1024xf32, #tpu.memory_space<vmem>>
    %dma_wait3A_914 = arith.constant 0 : i32
    %dma_wait3A_915 = arith.constant 0 : i32
    %dma_wait3A_916 = tpu.memref_slice %arg3[%dma_wait3A_914, %dma_wait3A_915] : memref<16x1000000xf32, #tpu.memory_space<hbm>> -> memref<8x1024xf32, #tpu.memory_space<hbm>>
    %dma_wait3A_917 = arith.constant 0 : i32
    %dma_wait3A_918 = arith.constant 0 : i32
    %dma_wait3A_919 = tpu.memref_slice %arg8[%dma_wait3A_917, %dma_wait3A_918] : memref<16x2048xf32, #tpu.memory_space<vmem>> -> memref<8x1024xf32, #tpu.memory_space<vmem>>
    %dma_wait3A_920 = arith.constant 0 : i32
    %dma_wait3A_921 = arith.constant 0 : i32
    %dma_wait3A_922 = tpu.memref_slice %arg3[%dma_wait3A_920, %dma_wait3A_921] : memref<16x1000000xf32, #tpu.memory_space<hbm>> -> memref<8x1024xf32, #tpu.memory_space<hbm>>
    tpu.wait_dma2 semaphore(%arg14 : memref<!tpu.dma_semaphore, #tpu.memory_space<semaphore_mem>>) src(%dma_wait3A_922 : memref<8x1024xf32, #tpu.memory_space<hbm>>) dst(%dma_wait3A_919 : memref<8x1024xf32, #tpu.memory_space<vmem>>)
    %dma_wait3A_923 = arith.constant 0 : i32
    %dma_wait3A_924 = arith.constant 0 : i32
    %dma_wait3A_925 = tpu.memref_slice %arg8[%dma_wait3A_923, %dma_wait3A_924] : memref<16x2048xf32, #tpu.memory_space<vmem>> -> memref<8x1024xf32, #tpu.memory_space<vmem>>
    %dma_wait3A_926 = arith.constant 0 : i32
    %dma_wait3A_927 = arith.constant 0 : i32
    %dma_wait3A_928 = tpu.memref_slice %arg3[%dma_wait3A_926, %dma_wait3A_927] : memref<16x1000000xf32, #tpu.memory_space<hbm>> -> memref<8x1024xf32, #tpu.memory_space<hbm>>
    %dma_wait3A_929 = arith.constant 0 : i32
    %dma_wait3A_930 = arith.constant 0 : i32
    %dma_wait3A_931 = tpu.memref_slice %arg8[%dma_wait3A_929, %dma_wait3A_930] : memref<16x2048xf32, #tpu.memory_space<vmem>> -> memref<8x1024xf32, #tpu.memory_space<vmem>>
    %dma_wait3A_932 = arith.constant 0 : i32
    %dma_wait3A_933 = arith.constant 0 : i32
    %dma_wait3A_934 = tpu.memref_slice %arg3[%dma_wait3A_932, %dma_wait3A_933] : memref<16x1000000xf32, #tpu.memory_space<hbm>> -> memref<8x1024xf32, #tpu.memory_space<hbm>>
    tpu.wait_dma2 semaphore(%arg15 : memref<!tpu.dma_semaphore, #tpu.memory_space<semaphore_mem>>) src(%dma_wait3A_934 : memref<8x1024xf32, #tpu.memory_space<hbm>>) dst(%dma_wait3A_931 : memref<8x1024xf32, #tpu.memory_space<vmem>>)
    %div3A_935 = arith.constant 496 : i32
    %div3A_936 = arith.constant 128 : i32
    %div3A_937 = arith.divsi %div3A_935, %div3A_936 : i32
    %add3A_938 = arith.constant 0 : i32
    %add3A_939 = arith.addi %add3A_938, %div3A_937 : i32
    %rem3A_940 = arith.constant 496 : i32
    %rem3A_941 = arith.constant 128 : i32
    %rem3A_942 = arith.remsi %rem3A_940, %rem3A_941 : i32
    %get3A_943 = arith.index_cast %add3A_939 : i32 to index
    %get3A_944 = arith.index_cast %rem3A_942 : i32 to index
    %get3A_945 = tpu.vector_load %arg7[%get3A_943, %get3A_944] {strides = array<i32>} : memref<8x128xi32, #tpu.memory_space<vmem>>, vector<16xi32>,
    %and3A = arith.constant 127 : i32
    %and3A_946 = vector.broadcast %and3A : i32 to vector<16xi32>
    %and3A_947 = arith.andi %get3A_945, %and3A_946 : vector<16xi32>
    %iota3A = tpu.iota {dimensions = array<i32: 0>} : vector<16xi32>
    %mul3A_948 = arith.constant 128 : i32
    %mul3A_949 = vector.broadcast %mul3A_948 : i32 to vector<16xi32>
    %mul3A_950 = arith.muli %iota3A, %mul3A_949 : vector<16xi32>
    %add3A_951 = arith.addi %mul3A_950, %and3A_947 : vector<16xi32>
    %iota3A_952 = tpu.iota {dimensions = array<i32: 0>} : vector<16xi32>
    %add3A_953 = arith.constant 496 : i32
    %add3A_954 = vector.broadcast %add3A_953 : i32 to vector<16xi32>
    %add3A_955 = arith.addi %iota3A_952, %add3A_954 : vector<16xi32>
    %scan3A_956 = arith.constant 0 : i32
    %scan3A_957 = arith.constant 0 : i32
    %scan3A_958 = arith.constant 16 : i32
    %scan3A_959 = arith.addi %scan3A_957, %scan3A_958 : i32
    %scan3A_960 = arith.constant 1 : i32
    %scan3A_961 = scf.for %scan3A_1044 = %scan3A_957 to %scan3A_959 step %scan3A_960 iter_args(%scan3A_1045 = %scan3A_956) -> (i32)  : i32 {
      %broadcast_in_dim3A = arith.constant 0 : i32
      %broadcast_in_dim3A_1046 = vector.broadcast %broadcast_in_dim3A : i32 to vector<16xi32>
      %add3A_1047 = vector.broadcast %scan3A_1044 : i32 to vector<16xi32>
      %add3A_1048 = arith.addi %broadcast_in_dim3A_1046, %add3A_1047 : vector<16xi32>
      %gather3A = tpu.vector_load_idx %arg8[%add3A_1048, %add3A_951] : memref<16x2048xf32, #tpu.memory_space<vmem>>[vector<16xi32>, vector<16xi32>], vector<16xf32>,
      tpu.vector_store_idx %arg10[%add3A_1048, %add3A_955], %gather3A : memref<16x512xf32, #tpu.memory_space<vmem>>[vector<16xi32>, vector<16xi32>], vector<16xf32>,
      %scan3A_1049 = arith.constant 0 : i32
      scf.yield %scan3A_1049 : i32
    }
    %scan3A_962 = arith.constant 16 : i32
    %dma_wait3A_963 = arith.constant 0 : i32
    %dma_wait3A_964 = arith.constant 0 : i32
    %dma_wait3A_965 = tpu.memref_slice %arg9[%dma_wait3A_963, %dma_wait3A_964] : memref<16x2048xf32, #tpu.memory_space<vmem>> -> memref<8x1024xf32, #tpu.memory_space<vmem>>
    %dma_wait3A_966 = arith.constant 0 : i32
    %dma_wait3A_967 = arith.constant 0 : i32
    %dma_wait3A_968 = tpu.memref_slice %arg4[%dma_wait3A_966, %dma_wait3A_967] : memref<16x1000000xf32, #tpu.memory_space<hbm>> -> memref<8x1024xf32, #tpu.memory_space<hbm>>
    %dma_wait3A_969 = arith.constant 0 : i32
    %dma_wait3A_970 = arith.constant 0 : i32
    %dma_wait3A_971 = tpu.memref_slice %arg9[%dma_wait3A_969, %dma_wait3A_970] : memref<16x2048xf32, #tpu.memory_space<vmem>> -> memref<8x1024xf32, #tpu.memory_space<vmem>>
    %dma_wait3A_972 = arith.constant 0 : i32
    %dma_wait3A_973 = arith.constant 0 : i32
    %dma_wait3A_974 = tpu.memref_slice %arg4[%dma_wait3A_972, %dma_wait3A_973] : memref<16x1000000xf32, #tpu.memory_space<hbm>> -> memref<8x1024xf32, #tpu.memory_space<hbm>>
    tpu.wait_dma2 semaphore(%arg16 : memref<!tpu.dma_semaphore, #tpu.memory_space<semaphore_mem>>) src(%dma_wait3A_974 : memref<8x1024xf32, #tpu.memory_space<hbm>>) dst(%dma_wait3A_971 : memref<8x1024xf32, #tpu.memory_space<vmem>>)
    %dma_wait3A_975 = arith.constant 0 : i32
    %dma_wait3A_976 = arith.constant 0 : i32
    %dma_wait3A_977 = tpu.memref_slice %arg9[%dma_wait3A_975, %dma_wait3A_976] : memref<16x2048xf32, #tpu.memory_space<vmem>> -> memref<8x1024xf32, #tpu.memory_space<vmem>>
    %dma_wait3A_978 = arith.constant 0 : i32
    %dma_wait3A_979 = arith.constant 0 : i32
    %dma_wait3A_980 = tpu.memref_slice %arg4[%dma_wait3A_978, %dma_wait3A_979] : memref<16x1000000xf32, #tpu.memory_space<hbm>> -> memref<8x1024xf32, #tpu.memory_space<hbm>>
    %dma_wait3A_981 = arith.constant 0 : i32
    %dma_wait3A_982 = arith.constant 0 : i32
    %dma_wait3A_983 = tpu.memref_slice %arg9[%dma_wait3A_981, %dma_wait3A_982] : memref<16x2048xf32, #tpu.memory_space<vmem>> -> memref<8x1024xf32, #tpu.memory_space<vmem>>
    %dma_wait3A_984 = arith.constant 0 : i32
    %dma_wait3A_985 = arith.constant 0 : i32
    %dma_wait3A_986 = tpu.memref_slice %arg4[%dma_wait3A_984, %dma_wait3A_985] : memref<16x1000000xf32, #tpu.memory_space<hbm>> -> memref<8x1024xf32, #tpu.memory_space<hbm>>
    tpu.wait_dma2 semaphore(%arg17 : memref<!tpu.dma_semaphore, #tpu.memory_space<semaphore_mem>>) src(%dma_wait3A_986 : memref<8x1024xf32, #tpu.memory_space<hbm>>) dst(%dma_wait3A_983 : memref<8x1024xf32, #tpu.memory_space<vmem>>)
    %dma_wait3A_987 = arith.constant 0 : i32
    %dma_wait3A_988 = arith.constant 0 : i32
    %dma_wait3A_989 = tpu.memref_slice %arg9[%dma_wait3A_987, %dma_wait3A_988] : memref<16x2048xf32, #tpu.memory_space<vmem>> -> memref<8x1024xf32, #tpu.memory_space<vmem>>
    %dma_wait3A_990 = arith.constant 0 : i32
    %dma_wait3A_991 = arith.constant 0 : i32
    %dma_wait3A_992 = tpu.memref_slice %arg4[%dma_wait3A_990, %dma_wait3A_991] : memref<16x1000000xf32, #tpu.memory_space<hbm>> -> memref<8x1024xf32, #tpu.memory_space<hbm>>
    %dma_wait3A_993 = arith.constant 0 : i32
    %dma_wait3A_994 = arith.constant 0 : i32
    %dma_wait3A_995 = tpu.memref_slice %arg9[%dma_wait3A_993, %dma_wait3A_994] : memref<16x2048xf32, #tpu.memory_space<vmem>> -> memref<8x1024xf32, #tpu.memory_space<vmem>>
    %dma_wait3A_996 = arith.constant 0 : i32
    %dma_wait3A_997 = arith.constant 0 : i32
    %dma_wait3A_998 = tpu.memref_slice %arg4[%dma_wait3A_996, %dma_wait3A_997] : memref<16x1000000xf32, #tpu.memory_space<hbm>> -> memref<8x1024xf32, #tpu.memory_space<hbm>>
    tpu.wait_dma2 semaphore(%arg18 : memref<!tpu.dma_semaphore, #tpu.memory_space<semaphore_mem>>) src(%dma_wait3A_998 : memref<8x1024xf32, #tpu.memory_space<hbm>>) dst(%dma_wait3A_995 : memref<8x1024xf32, #tpu.memory_space<vmem>>)
    %dma_wait3A_999 = arith.constant 0 : i32
    %dma_wait3A_1000 = arith.constant 0 : i32
    %dma_wait3A_1001 = tpu.memref_slice %arg9[%dma_wait3A_999, %dma_wait3A_1000] : memref<16x2048xf32, #tpu.memory_space<vmem>> -> memref<8x1024xf32, #tpu.memory_space<vmem>>
    %dma_wait3A_1002 = arith.constant 0 : i32
    %dma_wait3A_1003 = arith.constant 0 : i32
    %dma_wait3A_1004 = tpu.memref_slice %arg4[%dma_wait3A_1002, %dma_wait3A_1003] : memref<16x1000000xf32, #tpu.memory_space<hbm>> -> memref<8x1024xf32, #tpu.memory_space<hbm>>
    %dma_wait3A_1005 = arith.constant 0 : i32
    %dma_wait3A_1006 = arith.constant 0 : i32
    %dma_wait3A_1007 = tpu.memref_slice %arg9[%dma_wait3A_1005, %dma_wait3A_1006] : memref<16x2048xf32, #tpu.memory_space<vmem>> -> memref<8x1024xf32, #tpu.memory_space<vmem>>
    %dma_wait3A_1008 = arith.constant 0 : i32
    %dma_wait3A_1009 = arith.constant 0 : i32
    %dma_wait3A_1010 = tpu.memref_slice %arg4[%dma_wait3A_1008, %dma_wait3A_1009] : memref<16x1000000xf32, #tpu.memory_space<hbm>> -> memref<8x1024xf32, #tpu.memory_space<hbm>>
    tpu.wait_dma2 semaphore(%arg19 : memref<!tpu.dma_semaphore, #tpu.memory_space<semaphore_mem>>) src(%dma_wait3A_1010 : memref<8x1024xf32, #tpu.memory_space<hbm>>) dst(%dma_wait3A_1007 : memref<8x1024xf32, #tpu.memory_space<vmem>>)
    %div3A_1011 = arith.constant 496 : i32
    %div3A_1012 = arith.constant 128 : i32
    %div3A_1013 = arith.divsi %div3A_1011, %div3A_1012 : i32
    %add3A_1014 = arith.constant 4 : i32
    %add3A_1015 = arith.addi %add3A_1014, %div3A_1013 : i32
    %rem3A_1016 = arith.constant 496 : i32
    %rem3A_1017 = arith.constant 128 : i32
    %rem3A_1018 = arith.remsi %rem3A_1016, %rem3A_1017 : i32
    %get3A_1019 = arith.index_cast %add3A_1015 : i32 to index
    %get3A_1020 = arith.index_cast %rem3A_1018 : i32 to index
    %get3A_1021 = tpu.vector_load %arg7[%get3A_1019, %get3A_1020] {strides = array<i32>} : memref<8x128xi32, #tpu.memory_space<vmem>>, vector<16xi32>,
    %and3A_1022 = arith.constant 127 : i32
    %and3A_1023 = vector.broadcast %and3A_1022 : i32 to vector<16xi32>
    %and3A_1024 = arith.andi %get3A_1021, %and3A_1023 : vector<16xi32>
    %iota3A_1025 = tpu.iota {dimensions = array<i32: 0>} : vector<16xi32>
    %mul3A_1026 = arith.constant 128 : i32
    %mul3A_1027 = vector.broadcast %mul3A_1026 : i32 to vector<16xi32>
    %mul3A_1028 = arith.muli %iota3A_1025, %mul3A_1027 : vector<16xi32>
    %add3A_1029 = arith.addi %mul3A_1028, %and3A_1024 : vector<16xi32>
    %iota3A_1030 = tpu.iota {dimensions = array<i32: 0>} : vector<16xi32>
    %add3A_1031 = arith.constant 496 : i32
    %add3A_1032 = vector.broadcast %add3A_1031 : i32 to vector<16xi32>
    %add3A_1033 = arith.addi %iota3A_1030, %add3A_1032 : vector<16xi32>
    %scan3A_1034 = arith.constant 0 : i32
    %scan3A_1035 = arith.constant 0 : i32
    %scan3A_1036 = arith.constant 16 : i32
    %scan3A_1037 = arith.addi %scan3A_1035, %scan3A_1036 : i32
    %scan3A_1038 = arith.constant 1 : i32
    %scan3A_1039 = scf.for %scan3A_1044 = %scan3A_1035 to %scan3A_1037 step %scan3A_1038 iter_args(%scan3A_1045 = %scan3A_1034) -> (i32)  : i32 {
      %broadcast_in_dim3A = arith.constant 0 : i32
      %broadcast_in_dim3A_1046 = vector.broadcast %broadcast_in_dim3A : i32 to vector<16xi32>
      %add3A_1047 = vector.broadcast %scan3A_1044 : i32 to vector<16xi32>
      %add3A_1048 = arith.addi %broadcast_in_dim3A_1046, %add3A_1047 : vector<16xi32>
      %gather3A = tpu.vector_load_idx %arg9[%add3A_1048, %add3A_1029] : memref<16x2048xf32, #tpu.memory_space<vmem>>[vector<16xi32>, vector<16xi32>], vector<16xf32>,
      tpu.vector_store_idx %arg11[%add3A_1048, %add3A_1033], %gather3A : memref<16x512xf32, #tpu.memory_space<vmem>>[vector<16xi32>, vector<16xi32>], vector<16xf32>,
      %scan3A_1049 = arith.constant 0 : i32
      scf.yield %scan3A_1049 : i32
    }
    %scan3A_1040 = arith.constant 16 : i32
    %mul3A_1041 = arith.constant 512 : i32
    %mul3A_1042 = arith.muli %add3A, %mul3A_1041 : i32
    %multiple_of3A_1043 = tpu.assume_multiple %mul3A_1042, 128 : i32
    "tpu.region"() ({
      %run_scoped3A = tpu.sem_alloc : memref<!tpu.dma_semaphore, #tpu.memory_space<semaphore_mem>>
      %dma_start3A_1044 = arith.constant 0 : i32
      %dma_start3A_1045 = tpu.memref_slice %arg5[%dma_start3A_1044, %multiple_of3A_1043] : memref<16x16384xf32, #tpu.memory_space<hbm>> -> memref<16x512xf32, #tpu.memory_space<hbm>>
      %dma_start3A_1046 = arith.constant 0 : i32
      %dma_start3A_1047 = tpu.memref_slice %arg5[%dma_start3A_1046, %multiple_of3A_1043] : memref<16x16384xf32, #tpu.memory_space<hbm>> -> memref<16x512xf32, #tpu.memory_space<hbm>>
      tpu.enqueue_dma source(%arg10 : memref<16x512xf32, #tpu.memory_space<vmem>>) target(%dma_start3A_1047 : memref<16x512xf32, #tpu.memory_space<hbm>>) target_semaphore(%run_scoped3A : memref<!tpu.dma_semaphore, #tpu.memory_space<semaphore_mem>>)
      %dma_wait3A_1048 = arith.constant 0 : i32
      %dma_wait3A_1049 = tpu.memref_slice %arg5[%dma_wait3A_1048, %multiple_of3A_1043] : memref<16x16384xf32, #tpu.memory_space<hbm>> -> memref<16x512xf32, #tpu.memory_space<hbm>>
      %dma_wait3A_1050 = arith.constant 0 : i32
      %dma_wait3A_1051 = tpu.memref_slice %arg5[%dma_wait3A_1050, %multiple_of3A_1043] : memref<16x16384xf32, #tpu.memory_space<hbm>> -> memref<16x512xf32, #tpu.memory_space<hbm>>
      tpu.wait_dma2 semaphore(%run_scoped3A : memref<!tpu.dma_semaphore, #tpu.memory_space<semaphore_mem>>) src(%arg10 : memref<16x512xf32, #tpu.memory_space<vmem>>) dst(%dma_wait3A_1051 : memref<16x512xf32, #tpu.memory_space<hbm>>)
      tpu.yield
    }) : () -> ()
    "tpu.region"() ({
      %run_scoped3A = tpu.sem_alloc : memref<!tpu.dma_semaphore, #tpu.memory_space<semaphore_mem>>
      %dma_start3A_1044 = arith.constant 0 : i32
      %dma_start3A_1045 = tpu.memref_slice %arg6[%dma_start3A_1044, %multiple_of3A_1043] : memref<16x16384xf32, #tpu.memory_space<hbm>> -> memref<16x512xf32, #tpu.memory_space<hbm>>
      %dma_start3A_1046 = arith.constant 0 : i32
      %dma_start3A_1047 = tpu.memref_slice %arg6[%dma_start3A_1046, %multiple_of3A_1043] : memref<16x16384xf32, #tpu.memory_space<hbm>> -> memref<16x512xf32, #tpu.memory_space<hbm>>
      tpu.enqueue_dma source(%arg11 : memref<16x512xf32, #tpu.memory_space<vmem>>) target(%dma_start3A_1047 : memref<16x512xf32, #tpu.memory_space<hbm>>) target_semaphore(%run_scoped3A : memref<!tpu.dma_semaphore, #tpu.memory_space<semaphore_mem>>)
      %dma_wait3A_1048 = arith.constant 0 : i32
      %dma_wait3A_1049 = tpu.memref_slice %arg6[%dma_wait3A_1048, %multiple_of3A_1043] : memref<16x16384xf32, #tpu.memory_space<hbm>> -> memref<16x512xf32, #tpu.memory_space<hbm>>
      %dma_wait3A_1050 = arith.constant 0 : i32
      %dma_wait3A_1051 = tpu.memref_slice %arg6[%dma_wait3A_1050, %multiple_of3A_1043] : memref<16x16384xf32, #tpu.memory_space<hbm>> -> memref<16x512xf32, #tpu.memory_space<hbm>>
      tpu.wait_dma2 semaphore(%run_scoped3A : memref<!tpu.dma_semaphore, #tpu.memory_space<semaphore_mem>>) src(%arg11 : memref<16x512xf32, #tpu.memory_space<vmem>>) dst(%dma_wait3A_1051 : memref<16x512xf32, #tpu.memory_space<hbm>>)
      tpu.yield
    }) : () -> ()
    return
  }
}

module attributes {stable_mosaic.version = 14 : i64} {
  func.func @_mlp_body(%arg0: memref<16x16384xf32, #tpu.memory_space<vmem>>, %arg1: memref<16x16384xf32, #tpu.memory_space<vmem>>, %arg2: memref<64x16xf32, #tpu.memory_space<vmem>>, %arg3: memref<64x16xf32, #tpu.memory_space<vmem>>, %arg4: memref<64x1xf32, #tpu.memory_space<vmem>>, %arg5: memref<32x64xf32, #tpu.memory_space<vmem>>, %arg6: memref<32x1xf32, #tpu.memory_space<vmem>>, %arg7: memref<1x32xf32, #tpu.memory_space<vmem>>, %arg8: memref<1x1xf32, #tpu.memory_space<vmem>>, %arg9: memref<1x16384xf32, #tpu.memory_space<vmem>>) attributes {dimension_semantics = [], scalar_prefetch = 0 : i64, scratch_operands = 0 : i64, tpu.core_type = #tpu.core_type<tc>} {
    %get3A = arith.constant 0 : index
    %get3A_0 = arith.constant 0 : index
    %get3A_1 = vector.load %arg2[%get3A, %get3A_0] : memref<64x16xf32, #tpu.memory_space<vmem>>, vector<64x16xf32>
    %get3A_2 = arith.constant 0 : index
    %get3A_3 = arith.constant 0 : index
    %get3A_4 = vector.load %arg0[%get3A_2, %get3A_3] : memref<16x16384xf32, #tpu.memory_space<vmem>>, vector<16x16384xf32>
    %dot_general3A = arith.constant dense<0.000000e+00> : vector<64x16384xf32>
    %dot_general3A_5 = tpu.matmul %get3A_1, %get3A_4, %dot_general3A {dimension_numbers = #tpu.dot_dimension_numbers<[1], [0], [0], [1], [0, 0, 1, 1], [], []>, transpose_lhs_hint = false} : vector<64x16xf32>, vector<16x16384xf32>, vector<64x16384xf32> -> vector<64x16384xf32>
    %get3A_6 = arith.constant 0 : index
    %get3A_7 = arith.constant 0 : index
    %get3A_8 = vector.load %arg3[%get3A_6, %get3A_7] : memref<64x16xf32, #tpu.memory_space<vmem>>, vector<64x16xf32>
    %get3A_9 = arith.constant 0 : index
    %get3A_10 = arith.constant 0 : index
    %get3A_11 = vector.load %arg1[%get3A_9, %get3A_10] : memref<16x16384xf32, #tpu.memory_space<vmem>>, vector<16x16384xf32>
    %dot_general3A_12 = arith.constant dense<0.000000e+00> : vector<64x16384xf32>
    %dot_general3A_13 = tpu.matmul %get3A_8, %get3A_11, %dot_general3A_12 {dimension_numbers = #tpu.dot_dimension_numbers<[1], [0], [0], [1], [0, 0, 1, 1], [], []>, transpose_lhs_hint = false} : vector<64x16xf32>, vector<16x16384xf32>, vector<64x16384xf32> -> vector<64x16384xf32>
    %add3A = arith.addf %dot_general3A_5, %dot_general3A_13 : vector<64x16384xf32>
    %get3A_14 = arith.constant 0 : index
    %get3A_15 = arith.constant 0 : index
    %get3A_16 = vector.load %arg4[%get3A_14, %get3A_15] : memref<64x1xf32, #tpu.memory_space<vmem>>, vector<64x1xf32>
    %add3A_17 = vector.broadcast %get3A_16 : vector<64x1xf32> to vector<64x16384xf32>
    %add3A_18 = arith.addf %add3A, %add3A_17 : vector<64x16384xf32>
    %max3A = arith.constant 0.000000e+00 : f32
    %max3A_19 = vector.broadcast %max3A : f32 to vector<64x16384xf32>
    %max3A_20 = arith.maximumf %add3A_18, %max3A_19 : vector<64x16384xf32>
    %get3A_21 = arith.constant 0 : index
    %get3A_22 = arith.constant 0 : index
    %get3A_23 = vector.load %arg5[%get3A_21, %get3A_22] : memref<32x64xf32, #tpu.memory_space<vmem>>, vector<32x64xf32>
    %dot_general3A_24 = arith.constant dense<0.000000e+00> : vector<32x16384xf32>
    %dot_general3A_25 = tpu.matmul %get3A_23, %max3A_20, %dot_general3A_24 {dimension_numbers = #tpu.dot_dimension_numbers<[1], [0], [0], [1], [0, 0, 1, 1], [], []>, transpose_lhs_hint = false} : vector<32x64xf32>, vector<64x16384xf32>, vector<32x16384xf32> -> vector<32x16384xf32>
    %get3A_26 = arith.constant 0 : index
    %get3A_27 = arith.constant 0 : index
    %get3A_28 = vector.load %arg6[%get3A_26, %get3A_27] : memref<32x1xf32, #tpu.memory_space<vmem>>, vector<32x1xf32>
    %add3A_29 = vector.broadcast %get3A_28 : vector<32x1xf32> to vector<32x16384xf32>
    %add3A_30 = arith.addf %dot_general3A_25, %add3A_29 : vector<32x16384xf32>
    %max3A_31 = arith.constant 0.000000e+00 : f32
    %max3A_32 = vector.broadcast %max3A_31 : f32 to vector<32x16384xf32>
    %max3A_33 = arith.maximumf %add3A_30, %max3A_32 : vector<32x16384xf32>
    %get3A_34 = arith.constant 0 : index
    %get3A_35 = arith.constant 0 : index
    %get3A_36 = vector.load %arg7[%get3A_34, %get3A_35] : memref<1x32xf32, #tpu.memory_space<vmem>>, vector<1x32xf32>
    %dot_general3A_37 = arith.constant dense<0.000000e+00> : vector<1x16384xf32>
    %dot_general3A_38 = tpu.matmul %get3A_36, %max3A_33, %dot_general3A_37 {dimension_numbers = #tpu.dot_dimension_numbers<[1], [0], [0], [1], [0, 0, 1, 1], [], []>, transpose_lhs_hint = false} : vector<1x32xf32>, vector<32x16384xf32>, vector<1x16384xf32> -> vector<1x16384xf32>
    %get3A_39 = arith.constant 0 : index
    %get3A_40 = arith.constant 0 : index
    %get3A_41 = vector.load %arg8[%get3A_39, %get3A_40] : memref<1x1xf32, #tpu.memory_space<vmem>>, vector<1x1xf32>
    %add3A_42 = vector.broadcast %get3A_41 : vector<1x1xf32> to vector<1x16384xf32>
    %add3A_43 = arith.addf %dot_general3A_38, %add3A_42 : vector<1x16384xf32>
    %swap3A = arith.constant 0 : index
    %swap3A_44 = arith.constant 0 : index
    %swap3A_45 = vector.load %arg9[%swap3A, %swap3A_44] : memref<1x16384xf32, #tpu.memory_space<vmem>>, vector<1x16384xf32>
    tpu.vector_store %arg9[%swap3A, %swap3A_44], %add3A_43 {strides = array<i32>} : memref<1x16384xf32, #tpu.memory_space<vmem>>, vector<1x16384xf32>,
    return
  }
}

</mosaic_0001>

<sc_bundles>
// kernel: kernel.4.cloned.1.call-start
scs
__scs_entry_jumppad:
0x0: {  	(pc) =	sbr.rel $0x88, $3  }
0x1: {  	(tag) =	ssettag $0x0;
	lr =	simm.s32 $0x1  }
0x2: {  	[smem:$0x3F97] =	sst lr;
	_ =	strace $0xD0000000  }
0x3: {  	_ = 	snop  }
0x4: {  	_ = 	snop  }
0x5: {  	_ = 	snop  }
0x6: {  	_ = 	snop  }
0x7: {  	_ = 	snop  }
__scs_overlays_trampoline_lowered:
0x8: {  	[smem:$0x3FA6] =	sst s0  }
0x9: {  	[smem:$0x3FA7] =	sst s1  }
0xa: {  	[smem:$0x3FA8] =	sst s2  }
0xb: {  	[smem:$0x3FA9] =	sst s3  }
0xc: {  	[smem:$0x3FAA] =	sst s4  }
0xd: {  	[smem:$0x3FAB] =	sst s5  }
0xe: {  	[smem:$0x3FAC] =	sst s6  }
0xf: {  	[smem:$0x3FAD] =	sst s7  }
0x10: {  	[smem:$0x3FAE] =	sst s8  }
0x11: {  	[smem:$0x3FAF] =	sst s9;
	s0 =	simm.s32 @!p0 $0x0  }
0x12: {  	s1 =	sld [smem:$0x3F95];
	s0 =	simm.s32 @p0 $0x1  }
0x13: {  	[smem:$0x3FB0] =	sst s0;
	s0 =	simm.s32 @!p1 $0x0  }
0x14: {  	s2 =	sld [smem:$0x3F94];
	s0 =	simm.s32 @p1 $0x1  }
0x15: {  	[smem:$0x3FB1] =	sst s0;
	s0 =	simm.s32 @!p2 $0x0  }
0x16: {  	s3 =	sld [smem:$0x3FDB];
	s0 =	simm.s32 @p2 $0x1  }
0x17: {  	s4 =	simm.s32 $0x1BF5;
	[smem:$0x3FB3] =	sst s0  }
0x18: {  	s0 =	sld [smem:$0x3F96];
	_ =	swait.ge [sflag:s4], $0x0  }
0x19: {  	s7 =	sld [smem:$0x3F97]  }
0x1a: {  	s8 =	sadd.s32 $0xFFFFE003, lr  }
0x1b: {  	s9 =	sadd.s32 $0xFFFFFEF7, lr;
	s5 =	simm.s32 $0xFFFFFFFF;
	p2 =	slt.u32 s8, $0xFFFFF086  }
0x1c: {  	p1 =	slt.u32 s9, $0xF7A;
	s5 =	simm.s32 @!p2 $0x0  }
0x1d: {  	s5 =	simm.s32 @p1 $0x1;
	p0 =	seq.s32 s7, s2  }
0x1e: {  	s7 =	smul.u32 @!p0 $0xF7A, s2;
	p2 =	seq.s32 @!p0 s5, $0x0  }
0x1f: {  	s9 =	smul.u32 $0xF7A, s1;
	s8 =	simm.s32 @!p0 $0x1BF5;
	p2 =	por !p2, p0  }
0x20: {  	[sflag:s8] =	ssyncset.s32 @!p0 $0xFFFFF086;
	s6 =	sadd.s32 @!p0 s3, s7;
	s7 =	simm.s32 @!p0 $0x108  }
0x21: {  	s3 =	sadd.s32 s3, s9;
	s6 =	sadd.s32 @!p0 $0x88, s6;
	s7 =	simm.s32 @p2 $0x1082  }
0x22: {  	[simem:s7], [sflag:s8] =	dma.local @!p0 [hbm:s6], $0xF7A  }
0x23: {  	s9 =	sor.u32 $0xD0000000, s2;
	s6 =	simm.s32 $0x108;
	_ =	swait.ge @!p0 [sflag:s8], $0x0  }
0x24: {  	s3 =	sadd.s32 $0x88, s3;
	s6 =	simm.s32 @!p1 $0x1082;
	[sflag:s4] =	ssyncset.s32 $0xFFFFF086  }
0x25: {  	[simem:s6], [sflag:s4] =	dma.local [hbm:s3], $0xF7A  }
0x26: {  	[smem:$0x3F97] =	sst s1;
	(tag) =	ssettag s2;
	_ =	strace s9  }
0x27: {  	s1 =	sld [smem:$0x3FA7]  }
0x28: {  	s2 =	sld [smem:$0x3FA8]  }
0x29: {  	s4 =	sld [smem:$0x3FAA]  }
0x2a: {  	p0 =	seq.s32 s5, $0x0;
	s5 =	sld [smem:$0x3FAB]  }
0x2b: {  	s6 =	sld [smem:$0x3FAC]  }
0x2c: {  	s7 =	sld [smem:$0x3FAD]  }
0x2d: {  	s3 =	simm.s32 $0x108;
	s8 =	sld [smem:$0x3FAE]  }
0x2e: {  	s3 =	simm.s32 @!p0 $0x1082;
	s9 =	sld [smem:$0x3FAF]  }
0x2f: {  	lr =	sadd.s32 s0, s3;
	s0 =	sld [smem:$0x3FA6]  }
0x30: {  	s3 =	sld [smem:$0x3FA9]  }
0x31: {  	[smem:$0x3FB2] =	sst s10  }
0x32: {  	s10 =	sld [smem:$0x3FB0];
	_ =	sdelay $0x3  }
0x33: {  	p0 =	seq.s32 s10, $0x1;
	s10 =	sld [smem:$0x3FB2];
	_ =	sdelay $0x3  }
0x34: {  	[smem:$0x3FB2] =	sst s10  }
0x35: {  	s10 =	sld [smem:$0x3FB1];
	_ =	sdelay $0x3  }
0x36: {  	p1 =	seq.s32 s10, $0x1;
	s10 =	sld [smem:$0x3FB2];
	_ =	sdelay $0x3  }
0x37: {  	[smem:$0x3FB2] =	sst s10  }
0x38: {  	s10 =	sld [smem:$0x3FB3]  }
0x39: {  	_ = 	snop;
	(pc) =	sbr.ind lr, $3  }
0x3a: {  	_ = 	snop  }
0x3b: {  	_ = 	snop  }
0x3c: {  	p2 =	seq.s32 s10, $0x1;
	s10 =	sld [smem:$0x3FB2]  }
0x3d: {  	_ =	shalt  }
0x3e: {  	_ =	shalt  }
0x3f: {  	_ =	shalt  }
0x40: {  	_ =	shalt  }
0x41: {  	_ =	shalt  }
0x42: {  	_ =	shalt  }
0x43: {  	_ =	shalt  }
0x44: {  	_ =	shalt  }
0x45: {  	_ =	shalt  }
0x46: {  	_ =	shalt  }
0x47: {  	_ =	shalt  }
0x48: {  	_ =	shalt  }
0x49: {  	_ =	shalt  }
0x4a: {  	_ =	shalt  }
0x4b: {  	_ =	shalt  }
0x4c: {  	_ =	shalt  }
0x4d: {  	_ =	shalt  }
0x4e: {  	_ =	shalt  }
0x4f: {  	_ =	shalt  }
0x50: {  	_ =	shalt  }
0x51: {  	_ =	shalt  }
0x52: {  	_ =	shalt  }
0x53: {  	_ =	shalt  }
0x54: {  	_ =	shalt  }
0x55: {  	_ =	shalt  }
0x56: {  	_ =	shalt  }
0x57: {  	_ =	shalt  }
0x58: {  	_ =	shalt  }
0x59: {  	_ =	shalt  }
0x5a: {  	_ =	shalt  }
0x5b: {  	_ =	shalt  }
0x5c: {  	_ =	shalt  }
0x5d: {  	_ =	shalt  }
0x5e: {  	_ =	shalt  }
0x5f: {  	_ =	shalt  }
0x60: {  	_ =	shalt  }
0x61: {  	_ =	shalt  }
0x62: {  	_ =	shalt  }
0x63: {  	_ =	shalt  }
0x64: {  	_ =	shalt  }
0x65: {  	_ =	shalt  }
0x66: {  	_ =	shalt  }
0x67: {  	_ =	shalt  }
0x68: {  	_ =	shalt  }
0x69: {  	_ =	shalt  }
0x6a: {  	_ =	shalt  }
0x6b: {  	_ =	shalt  }
0x6c: {  	_ =	shalt  }
0x6d: {  	_ =	shalt  }
0x6e: {  	_ =	shalt  }
0x6f: {  	_ =	shalt  }
0x70: {  	_ =	shalt  }
0x71: {  	_ =	shalt  }
0x72: {  	_ =	shalt  }
0x73: {  	_ =	shalt  }
0x74: {  	_ =	shalt  }
0x75: {  	_ =	shalt  }
0x76: {  	_ =	shalt  }
0x77: {  	_ =	shalt  }
0x78: {  	_ =	shalt  }
0x79: {  	_ =	shalt  }
0x7a: {  	_ =	shalt  }
0x7b: {  	_ =	shalt  }
0x7c: {  	_ =	shalt  }
0x7d: {  	_ =	shalt  }
0x7e: {  	_ =	shalt  }
0x7f: {  	_ =	shalt  }
0x80: {  	_ =	shalt  }
0x81: {  	_ =	shalt  }
0x82: {  	_ =	shalt  }
0x83: {  	_ =	shalt  }
0x84: {  	_ =	shalt  }
0x85: {  	_ =	shalt  }
0x86: {  	_ =	shalt  }
0x87: {  	_ =	shalt  }
.Lfunc_end0:
.L_simem_size_0:
called_computation_lowered:
.L_overlay_start_0:
0x88: {  	s2 =	sld [smem:$0x3FD9]  }
0x89: {  	s3 =	sld [smem:$0x3FFE];
	_ =	sdelay $0x1  }
0x8a: {  	s1 =	srdreg.scid  }
0x8b: {  	s0 =	sand.u32 $0x1, s1  }
0x8c: {  	s17 =	sshll.u32 s0, $0xA;
	s2 =	sadd.s32 s3, s2  }
0x8d: {  	s2 =	sadd.s32 s2, s17  }
0x8e: {  	[smem:$0x3FBE] =	sst s2  }
0x8f: {  	_ = 	snop  }
0x90: {  	s2 =	sld [smem:$0x3FC7]  }
0x91: {  	s18 =	sld [smem:$0x3FC6];
	(tm) =	ssettm $0x1  }
0x92: {  	s4 =	sld [smem:$0x3FFB];
	_ =	sdelay $0x3  }
0x93: {  	_ =	strace s4  }
0x94: {  	s4 =	sld [smem:$0x3FFC];
	_ =	sdelay $0x3  }
0x95: {  	_ =	strace s4  }
0x96: {  	s4 =	sld [smem:$0x3FFD];
	_ =	sdelay $0x3  }
0x97: {  	_ =	strace s4  }
0x98: {  	_ =	strace $0x8FFFFFFF  }
0x99: {  	s19 =	sld [smem:$0x3FDB];
	_ =	sdelay $0x1  }
0x9a: {  	s5 =	simm.s32 $_scs_section_size  }
0x9b: {  	s6 =	simm.s32 $_size__tile_overlayer_lowered;
	s7 =	simm.s32 $_tile_overlayer_lowered  }
0x9c: {  	s22 =	simm.s32 $0x1BFF;
	s21 =	sshll.u32 s7, $0x1;
	s4 =	sadd.s32 s5, s19  }
0x9d: {  	s8 =	simm.s32 $0x0;
	s20 =	sshll.u32 s6, $0x1;
	s6 =	sadd.s32 s21, s4  }
0x9e: {  	[timem:s8], [sflag:s22] =	dma.local [hbm:s6], s20  }
0x9f: {  	_ =	swait.ge [sflag:s22], s20  }
0xa0: {  	s5 =	ssub.s32 $0x0, s20;
	[sflag:s22] =	ssyncset.done $0x0  }
0xa1: {  	[sflag:s22] =	ssyncadd.s32 s5;
	_ =	sdelay $0x1  }
0xa2: {  	s23 =	simm.s32 $0x1B8B  }
0xa3: {  	_ =	swait.ge [sflag:s23], $0x1  }
0xa4: {  	[sflag:s23] =	ssyncset.done $0x0  }
0xa5: {  	s25 =	simm.s32 $0x1B8E;
	s24 =	sld [smem:$0x3FFE];
	[sflag:s23] =	ssyncadd.s32 $0xFFFFFFFF  }
0xa6: {  	s26 =	simm.s32 $execute0_lowered;
	[smem:$0x3FD2] =	sst s25  }
0xa7: {  	s6 =	sshll.u32 s26, $0x1;
	_ =	strace $0x80000046;
	[dreg:$0x1] =	wrdreg $0xFFFFFFFF  }
0xa8: {  	s28 =	simm.s32 $_size_execute0_lowered;
	s4 =	sadd.s32 s4, s6;
	[dreg:$0x0] =	wrdreg $0x0  }
0xa9: {  	s6 =	sshll.u32 s28, $0x1;
	[dreg:$0x2] =	wrdreg s4  }
0xaa: {  	[dreg:$0x3] =	wrdreg s6  }
0xab: {  	[dreg:$0x4] =	wrdreg $0xC0  }
0xac: {  	_ =	task [dreg:s8], $0x5FFFF  }
0xad: {  	[dreg:$0x1] =	wrdreg $0xFFFFFFFF  }
0xae: {  	[dreg:$0x0] =	wrdreg $0x60  }
0xaf: {  	[dreg:$0x2] =	wrdreg s24  }
0xb0: {  	[dreg:$0x3] =	wrdreg s2  }
0xb1: {  	[dreg:$0x4] =	wrdreg s18  }
0xb2: {  	[dreg:$0x5] =	wrdreg $0x9  }
0xb3: {  	_ =	task.clear_ibuf [dreg:s8], $0x6FFFF;
	_ =	strace $0x90000046  }
0xb4: {  	s29 =	simm.s32 $0x9;
	_ =	strace $0x80000048  }
0xb5: {  	_ =	swait.ge [sflag:s29], $0x1  }
0xb6: {  	[sflag:s29] =	ssyncadd.s32 $0xFFFFFFFF  }
0xb7: {  	_ =	strace $0x90000048  }
0xb8: {  	_ =	sfence  }
0xb9: {  	s30 =	sld [smem:$0x0];
	_ =	sdelay $0x2  }
0xba: {  	s31 =	sshll.u32 s1, $0xD;
	s1 =	sshrl.u32 s1, $0x2  }
0xbb: {  	s3 =	sand.u32 $0x4000, s31;
	s1 =	sadd.s32 s1, s30  }
0xbc: {  	s0 =	sor.u32 s3, s0;
	s1 =	sshll.u32 s1, $0x11  }
0xbd: {  	s0 =	sor.u32 s1, s0  }
0xbe: {  	s0 =	sadd.s32 $0x8F2B, s0  }
0xbf: {  	[sflag:s0] =	ssyncadd.remote.s32 $0x1  }
0xc0: {  	_ =	sfence.sel $0xFFFF  }
0xc1: {  	[dreg:$0x0] =	wrdreg $0xFFFFFFFF;
	(pc) =	sbr.abs _section_cstart, $3  }
0xc2: {  	[dreg:$0x1] =	wrdreg $0xFFFFFFFF  }
0xc3: {  	_ =	task.clear_ibuf [dreg:s8], $0x2FFFF;
	_ =	strace $0x9FFFFFFF  }
0xc4: {  	(tm) =	ssettm $0x7FFFFFFF  }
0xc5: {  	_ =	shalt  }
tec
execute0_lowered:
.L_overlay_start_1:
0x0: {  	(tag) =	ssettag $0x1  }
0x1: {  	s0 =	rddreg [dreg:$0x0]  }
0x2: {  	s1 =	rddreg [dreg:$0x1]  }
0x3: {  	s3 =	rddreg [dreg:$0x2];
	s5 =	simm.s32 $0x0;
	s2 =	srdreg.scid  }
0x4: {  	s4 =	stileid.u32;
	s10 =	simm.s32 $0x400;
	s16 =	simm.s32 $0x1000  }
0x5: {  	s14 =	simm.s32 $0x8400;
	s9 =	simm.s32 $0xB000;
	s11 =	simm.s32 $0xB400  }
0x6: {  	s12 =	simm.s32 $0xF400;
	s13 =	simm.s32 $0xB800;
	s15 =	simm.s32 $0xF800  }
0x7: {  	s17 =	simm.s32 $0xBC00;
	s18 =	simm.s32 $0xFC00;
	s19 =	simm.s32 $0xC000  }
0x8: {  	s20 =	simm.s32 $0x10000;
	s21 =	simm.s32 $0x1;
	s22 =	simm.s32 $0x2  }
0x9: {  	s28 =	simm.s32 $0x6;
	s2 =	sand.u32 $0x1, s2;
	s4 =	sshll.u32 s4, $0x1  }
0xa: {  	s29 =	simm.s32 $0x7;
	s30 =	simm.s32 $0x8;
	s4 =	sor.u32 s2, s4  }
0xb: {  	s31 =	simm.s32 $0x12400;
	[smem:$0x7FF] =	sst s5;
	s23 =	sshll.u32 s4, $0x7  }
0xc: {  	_ =	strace $0x80000047;
	s4 =	sshll.u32 s4, $0x9;
	s5 =	sadd.s32 s23, s0  }
0xd: {  	s2 =	ssub.s32 $0x2, s2;
	s0 =	sadd.s32 s4, s0;
	s24 =	sadd.s32 $0x1800, s5  }
0xe: {  	s6 =	sshrl.u32 s2, $0x1;
	s25 =	sadd.s32 $0x2800, s0;
	[dreg:$0x4] =	wrdreg s24  }
0xf: {  	s2 =	ssub.s32 s2, s6;
	s0 =	sadd.s32 $0xA800, s0;
	[dreg:$0x5] =	wrdreg s25  }
0x10: {  	s4 =	simm.s32 $0xF000;
	s26 =	smax.u32 s2, $0x1;
	[dreg:$0x6] =	wrdreg s0  }
0x11: {  	v0 =	vlaneseq.u32;
	s23 =	simm.s32 $0x3;
	s5 =	simm.s32 $0x0;
	[dreg:$0x7] =	wrdreg s26  }
0x12: {  	v1 =	vmul.u32 $0x400, v0;
	v2 =	vor.u32 $0x70, v0;
	s24 =	simm.s32 $0x4;
	s25 =	simm.s32 $0x10400;
	s26 =	simm.s32 $0x5  }
.LBB2_1:
0x13: {  	[dreg:$0x8] =	wrdreg s5  }
0x14: {  	s8 =	simm.s32 $0x9;
	s2 =	simm.s32 $0x0;
	s0 =	rddreg [dreg:$0x4]  }
0x15: {  	[tilespmem:s2], [sflag:$0x9] =	stream.linear.gather [hbm4b:s0+s2], $0x400, $0x38;
	[tilespmem:$0x14400] =	vst v63  }
0x16: {  	_ =	swait.ge [sflag:s8], $0x400  }
0x17: {  	[sflag:s8] =	ssyncset.done $0x0  }
0x18: {  	[sflag:s8] =	ssyncadd.s32 $0xFFFFFC00  }
0x19: {  	v3 =	vld [tilespmem:$0x0];
	_ =	sdelay $0x4  }
0x1a: {  	(v2sf) =	vpush v3, $0x0;
	_ =	sdelay $0x3  }
0x1b: {  	(v2sf) =	vpush v3, $0x1;
	_ =	sdelay $0x4  }
0x1c: {  	(v2sf) =	vpush v3, $0x2;
	_ =	sdelay $0x5  }
0x1d: {  	s5 =	spop (v2sf)  }
0x1e: {  	(v2sf) =	vpush v3, $0x3;
	s0 =	sand.u32 $0xFFFFF80, s5  }
0x1f: {  	s0 =	sadd.s32 s1, s0  }
0x20: {  	[tilespmem:s10], [sflag:$0x1] =	stream.linear.gather [hbm4b:s0+s2], $0x400, $0x38;
	[tilespmem:$0x14400] =	vst v63  }
0x21: {  	s6 =	simm.s32 $0x4400;
	s7 =	spop (v2sf);
	s0 =	sadd.s32 $0xF4280, s0  }
0x22: {  	(v2sf) =	vpush v3, $0x4;
	[tilespmem:s6], [sflag:$0x3] =	stream.linear.gather [hbm4b:s0+s2], $0x400, $0x38;
	[tilespmem:$0x14400] =	vst v63  }
0x23: {  	s0 =	sand.u32 $0xFFFFF80, s7  }
0x24: {  	s8 =	simm.s32 $0x800;
	s0 =	sadd.s32 s1, s0  }
0x25: {  	[tilespmem:s8], [sflag:$0x2] =	stream.linear.gather [hbm4b:s0+s2], $0x400, $0x38;
	[tilespmem:$0x14400] =	vst v63  }
0x26: {  	s6 =	simm.s32 $0x4800;
	s7 =	spop (v2sf);
	s0 =	sadd.s32 $0xF4280, s0  }
0x27: {  	(v2sf) =	vpush v3, $0x5;
	[tilespmem:s6], [sflag:$0x4] =	stream.linear.gather [hbm4b:s0+s2], $0x400, $0x38;
	[tilespmem:$0x14400] =	vst v63  }
0x28: {  	s0 =	sand.u32 $0xFFFFF80, s7  }
0x29: {  	s8 =	simm.s32 $0xC00;
	s0 =	sadd.s32 s1, s0  }
0x2a: {  	[tilespmem:s8], [sflag:$0x1] =	stream.linear.gather [hbm4b:s0+s2], $0x400, $0x38;
	[tilespmem:$0x14400] =	vst v63  }
0x2b: {  	s6 =	simm.s32 $0x4C00;
	s0 =	sadd.s32 $0xF4280, s0  }
0x2c: {  	[tilespmem:s6], [sflag:$0x3] =	stream.linear.gather [hbm4b:s0+s2], $0x400, $0x38;
	[tilespmem:$0x14400] =	vst v63  }
0x2d: {  	s7 =	spop (v2sf)  }
0x2e: {  	(v2sf) =	vpush v3, $0x6;
	s0 =	sand.u32 $0xFFFFF80, s7  }
0x2f: {  	s0 =	sadd.s32 s1, s0  }
0x30: {  	[tilespmem:s16], [sflag:$0x2] =	stream.linear.gather [hbm4b:s0+s2], $0x400, $0x38;
	[tilespmem:$0x14400] =	vst v63  }
0x31: {  	s8 =	simm.s32 $0x5000;
	s6 =	spop (v2sf);
	s0 =	sadd.s32 $0xF4280, s0  }
0x32: {  	(v2sf) =	vpush v3, $0x7;
	[tilespmem:s8], [sflag:$0x4] =	stream.linear.gather [hbm4b:s0+s2], $0x400, $0x38;
	[tilespmem:$0x14400] =	vst v63  }
0x33: {  	s0 =	sand.u32 $0xFFFFF80, s6  }
0x34: {  	s7 =	simm.s32 $0x1400;
	s0 =	sadd.s32 s1, s0  }
0x35: {  	[tilespmem:s7], [sflag:$0x1] =	stream.linear.gather [hbm4b:s0+s2], $0x400, $0x38;
	[tilespmem:$0x14400] =	vst v63  }
0x36: {  	s8 =	simm.s32 $0x5400;
	s6 =	spop (v2sf);
	s0 =	sadd.s32 $0xF4280, s0  }
0x37: {  	(v2sf) =	vpush v3, $0x8;
	[tilespmem:s8], [sflag:$0x3] =	stream.linear.gather [hbm4b:s0+s2], $0x400, $0x38;
	[tilespmem:$0x14400] =	vst v63  }
0x38: {  	s0 =	sand.u32 $0xFFFFF80, s6  }
0x39: {  	s7 =	simm.s32 $0x1800;
	s0 =	sadd.s32 s1, s0  }
0x3a: {  	[tilespmem:s7], [sflag:$0x2] =	stream.linear.gather [hbm4b:s0+s2], $0x400, $0x38;
	[tilespmem:$0x14400] =	vst v63  }
0x3b: {  	s8 =	simm.s32 $0x5800;
	s0 =	sadd.s32 $0xF4280, s0  }
0x3c: {  	[tilespmem:s8], [sflag:$0x4] =	stream.linear.gather [hbm4b:s0+s2], $0x400, $0x38;
	[tilespmem:$0x14400] =	vst v63  }
0x3d: {  	s6 =	spop (v2sf)  }
0x3e: {  	(v2sf) =	vpush v3, $0x9;
	s0 =	sand.u32 $0xFFFFF80, s6  }
0x3f: {  	s7 =	simm.s32 $0x1C00;
	s0 =	sadd.s32 s1, s0  }
0x40: {  	[tilespmem:s7], [sflag:$0x1] =	stream.linear.gather [hbm4b:s0+s2], $0x400, $0x38;
	[tilespmem:$0x14400] =	vst v63  }
0x41: {  	s8 =	simm.s32 $0x5C00;
	s6 =	spop (v2sf);
	s0 =	sadd.s32 $0xF4280, s0  }
0x42: {  	(v2sf) =	vpush v3, $0xA;
	[tilespmem:s8], [sflag:$0x3] =	stream.linear.gather [hbm4b:s0+s2], $0x400, $0x38;
	[tilespmem:$0x14400] =	vst v63  }
0x43: {  	s0 =	sand.u32 $0xFFFFF80, s6  }
0x44: {  	s7 =	simm.s32 $0x2000;
	s0 =	sadd.s32 s1, s0  }
0x45: {  	[tilespmem:s7], [sflag:$0x2] =	stream.linear.gather [hbm4b:s0+s2], $0x400, $0x38;
	[tilespmem:$0x14400] =	vst v63  }
0x46: {  	s8 =	simm.s32 $0x6000;
	s6 =	spop (v2sf);
	s0 =	sadd.s32 $0xF4280, s0  }
0x47: {  	(v2sf) =	vpush v3, $0xB;
	[tilespmem:s8], [sflag:$0x4] =	stream.linear.gather [hbm4b:s0+s2], $0x400, $0x38;
	[tilespmem:$0x14400] =	vst v63  }
0x48: {  	s0 =	sand.u32 $0xFFFFF80, s6  }
0x49: {  	s7 =	simm.s32 $0x2400;
	s0 =	sadd.s32 s1, s0  }
0x4a: {  	[tilespmem:s7], [sflag:$0x1] =	stream.linear.gather [hbm4b:s0+s2], $0x400, $0x38;
	[tilespmem:$0x14400] =	vst v63  }
0x4b: {  	s8 =	simm.s32 $0x6400;
	s0 =	sadd.s32 $0xF4280, s0  }
0x4c: {  	[tilespmem:s8], [sflag:$0x3] =	stream.linear.gather [hbm4b:s0+s2], $0x400, $0x38;
	[tilespmem:$0x14400] =	vst v63  }
0x4d: {  	s6 =	spop (v2sf)  }
0x4e: {  	(v2sf) =	vpush v3, $0xC;
	s0 =	sand.u32 $0xFFFFF80, s6  }
0x4f: {  	s7 =	simm.s32 $0x2800;
	s0 =	sadd.s32 s1, s0  }
0x50: {  	[tilespmem:s7], [sflag:$0x2] =	stream.linear.gather [hbm4b:s0+s2], $0x400, $0x38;
	[tilespmem:$0x14400] =	vst v63  }
0x51: {  	s8 =	simm.s32 $0x6800;
	s6 =	spop (v2sf);
	s0 =	sadd.s32 $0xF4280, s0  }
0x52: {  	(v2sf) =	vpush v3, $0xD;
	[tilespmem:s8], [sflag:$0x4] =	stream.linear.gather [hbm4b:s0+s2], $0x400, $0x38;
	[tilespmem:$0x14400] =	vst v63  }
0x53: {  	s0 =	sand.u32 $0xFFFFF80, s6  }
0x54: {  	s7 =	simm.s32 $0x2C00;
	s0 =	sadd.s32 s1, s0  }
0x55: {  	[tilespmem:s7], [sflag:$0x1] =	stream.linear.gather [hbm4b:s0+s2], $0x400, $0x38;
	[tilespmem:$0x14400] =	vst v63  }
0x56: {  	s8 =	simm.s32 $0x6C00;
	s6 =	spop (v2sf);
	s0 =	sadd.s32 $0xF4280, s0  }
0x57: {  	(v2sf) =	vpush v3, $0xE;
	[tilespmem:s8], [sflag:$0x3] =	stream.linear.gather [hbm4b:s0+s2], $0x400, $0x38;
	[tilespmem:$0x14400] =	vst v63  }
0x58: {  	s0 =	sand.u32 $0xFFFFF80, s6  }
0x59: {  	s7 =	simm.s32 $0x3000;
	s0 =	sadd.s32 s1, s0  }
0x5a: {  	[tilespmem:s7], [sflag:$0x2] =	stream.linear.gather [hbm4b:s0+s2], $0x400, $0x38;
	[tilespmem:$0x14400] =	vst v63  }
0x5b: {  	s8 =	simm.s32 $0x7000;
	s0 =	sadd.s32 $0xF4280, s0  }
0x5c: {  	[tilespmem:s8], [sflag:$0x4] =	stream.linear.gather [hbm4b:s0+s2], $0x400, $0x38;
	[tilespmem:$0x14400] =	vst v63  }
0x5d: {  	s6 =	spop (v2sf)  }
0x5e: {  	(v2sf) =	vpush v3, $0xF;
	s0 =	sand.u32 $0xFFFFF80, s6  }
0x5f: {  	s7 =	simm.s32 $0x3400;
	s0 =	sadd.s32 s1, s0  }
0x60: {  	[tilespmem:s7], [sflag:$0x1] =	stream.linear.gather [hbm4b:s0+s2], $0x400, $0x38;
	[tilespmem:$0x14400] =	vst v63  }
0x61: {  	s8 =	simm.s32 $0x7400;
	s6 =	spop (v2sf);
	s0 =	sadd.s32 $0xF4280, s0  }
0x62: {  	[tilespmem:s8], [sflag:$0x3] =	stream.linear.gather [hbm4b:s0+s2], $0x400, $0x38;
	[tilespmem:$0x14400] =	vst v63  }
0x63: {  	s0 =	sand.u32 $0xFFFFF80, s6  }
0x64: {  	s7 =	simm.s32 $0x3800;
	s0 =	sadd.s32 s1, s0  }
0x65: {  	[tilespmem:s7], [sflag:$0x2] =	stream.linear.gather [hbm4b:s0+s2], $0x400, $0x38;
	[tilespmem:$0x14400] =	vst v63  }
0x66: {  	s8 =	simm.s32 $0x7800;
	s6 =	spop (v2sf);
	s0 =	sadd.s32 $0xF4280, s0  }
0x67: {  	[tilespmem:s8], [sflag:$0x4] =	stream.linear.gather [hbm4b:s0+s2], $0x400, $0x38;
	[tilespmem:$0x14400] =	vst v63  }
0x68: {  	s0 =	sand.u32 $0xFFFFF80, s6  }
0x69: {  	s7 =	simm.s32 $0x3C00;
	s0 =	sadd.s32 s1, s0  }
0x6a: {  	[tilespmem:s7], [sflag:$0x1] =	stream.linear.gather [hbm4b:s0+s2], $0x400, $0x38;
	[tilespmem:$0x14400] =	vst v63  }
0x6b: {  	s8 =	simm.s32 $0x7C00;
	s0 =	sadd.s32 $0xF4280, s0  }
0x6c: {  	[tilespmem:s8], [sflag:$0x3] =	stream.linear.gather [hbm4b:s0+s2], $0x400, $0x38;
	[tilespmem:$0x14400] =	vst v63  }
0x6d: {  	s6 =	spop (v2sf)  }
0x6e: {  	s0 =	sand.u32 $0xFFFFF80, s6  }
0x6f: {  	s7 =	simm.s32 $0x4000;
	s0 =	sadd.s32 s1, s0  }
0x70: {  	[tilespmem:s7], [sflag:$0x2] =	stream.linear.gather [hbm4b:s0+s2], $0x400, $0x38;
	[tilespmem:$0x14400] =	vst v63  }
0x71: {  	s8 =	simm.s32 $0x8000;
	s0 =	sadd.s32 $0xF4280, s0  }
0x72: {  	[tilespmem:s8], [sflag:$0x4] =	stream.linear.gather [hbm4b:s0+s2], $0x400, $0x38;
	[tilespmem:$0x14400] =	vst v63  }
0x73: {  	s0 =	simm.s32 $0x0  }
.LBB2_3:
0x74: {  	s5 =	sshll.u32 s0, $0x4  }
0x75: {  	s2 =	sand.u32 $0x1F0, s5  }
0x76: {  	v3 =	vld [tilespmem:s2+$0x200];
	_ =	sdelay $0x4  }
0x77: {  	(v2sf) =	vpush v3, $0x0;
	_ =	sdelay $0x5  }
0x78: {  	(v2sf) =	vpush v3, $0x1;
	_ =	sdelay $0x5  }
0x79: {  	(v2sf) =	vpush v3, $0x2;
	_ =	sdelay $0x2  }
0x7a: {  	s6 =	spop (v2sf)  }
0x7b: {  	s6 =	sand.u32 $0xFFFFF80, s6  }
0x7c: {  	s7 =	sadd.s32 s3, s6;
	s6 =	simm.s32 $0x0  }
0x7d: {  	(v2sf) =	vpush v3, $0x3;
	[tilespmem:s14], [sflag:$0x5] =	stream.linear.gather [hbm4b:s7+s6], $0x400, $0x38;
	[tilespmem:$0x14400] =	vst v63  }
0x7e: {  	s8 =	simm.s32 $0xC400;
	s7 =	sadd.s32 $0xF4280, s7  }
0x7f: {  	[tilespmem:s8], [sflag:$0x7] =	stream.linear.gather [hbm4b:s7+s6], $0x400, $0x38;
	[tilespmem:$0x14400] =	vst v63  }
0x80: {  	s8 =	spop (v2sf)  }
0x81: {  	s7 =	sand.u32 $0xFFFFF80, s8  }
0x82: {  	s8 =	simm.s32 $0x8800;
	s7 =	sadd.s32 s3, s7  }
0x83: {  	(v2sf) =	vpush v3, $0x4;
	[tilespmem:s8], [sflag:$0x6] =	stream.linear.gather [hbm4b:s7+s6], $0x400, $0x38;
	[tilespmem:$0x14400] =	vst v63  }
0x84: {  	s7 =	sadd.s32 $0xF4280, s7;
	s8 =	simm.s32 $0xC800  }
0x85: {  	[tilespmem:s8], [sflag:$0x8] =	stream.linear.gather [hbm4b:s7+s6], $0x400, $0x38;
	[tilespmem:$0x14400] =	vst v63  }
0x86: {  	s8 =	spop (v2sf)  }
0x87: {  	s7 =	sand.u32 $0xFFFFF80, s8  }
0x88: {  	s8 =	simm.s32 $0x8C00;
	s7 =	sadd.s32 s3, s7  }
0x89: {  	(v2sf) =	vpush v3, $0x5;
	[tilespmem:s8], [sflag:$0x5] =	stream.linear.gather [hbm4b:s7+s6], $0x400, $0x38;
	[tilespmem:$0x14400] =	vst v63  }
0x8a: {  	s7 =	sadd.s32 $0xF4280, s7;
	s8 =	simm.s32 $0xCC00  }
0x8b: {  	[tilespmem:s8], [sflag:$0x7] =	stream.linear.gather [hbm4b:s7+s6], $0x400, $0x38;
	[tilespmem:$0x14400] =	vst v63  }
0x8c: {  	s8 =	spop (v2sf)  }
0x8d: {  	s7 =	sand.u32 $0xFFFFF80, s8  }
0x8e: {  	s8 =	simm.s32 $0x9000;
	s7 =	sadd.s32 s3, s7  }
0x8f: {  	(v2sf) =	vpush v3, $0x6;
	[tilespmem:s8], [sflag:$0x6] =	stream.linear.gather [hbm4b:s7+s6], $0x400, $0x38;
	[tilespmem:$0x14400] =	vst v63  }
0x90: {  	s7 =	sadd.s32 $0xF4280, s7;
	s8 =	simm.s32 $0xD000  }
0x91: {  	[tilespmem:s8], [sflag:$0x8] =	stream.linear.gather [hbm4b:s7+s6], $0x400, $0x38;
	[tilespmem:$0x14400] =	vst v63  }
0x92: {  	s8 =	spop (v2sf)  }
0x93: {  	s7 =	sand.u32 $0xFFFFF80, s8  }
0x94: {  	s8 =	simm.s32 $0x9400;
	s7 =	sadd.s32 s3, s7  }
0x95: {  	(v2sf) =	vpush v3, $0x7;
	[tilespmem:s8], [sflag:$0x5] =	stream.linear.gather [hbm4b:s7+s6], $0x400, $0x38;
	[tilespmem:$0x14400] =	vst v63  }
0x96: {  	s7 =	sadd.s32 $0xF4280, s7;
	s8 =	simm.s32 $0xD400  }
0x97: {  	[tilespmem:s8], [sflag:$0x7] =	stream.linear.gather [hbm4b:s7+s6], $0x400, $0x38;
	[tilespmem:$0x14400] =	vst v63  }
0x98: {  	s8 =	spop (v2sf)  }
0x99: {  	s7 =	sand.u32 $0xFFFFF80, s8  }
0x9a: {  	s8 =	simm.s32 $0x9800;
	s7 =	sadd.s32 s3, s7  }
0x9b: {  	(v2sf) =	vpush v3, $0x8;
	[tilespmem:s8], [sflag:$0x6] =	stream.linear.gather [hbm4b:s7+s6], $0x400, $0x38;
	[tilespmem:$0x14400] =	vst v63  }
0x9c: {  	s7 =	sadd.s32 $0xF4280, s7;
	s8 =	simm.s32 $0xD800  }
0x9d: {  	[tilespmem:s8], [sflag:$0x8] =	stream.linear.gather [hbm4b:s7+s6], $0x400, $0x38;
	[tilespmem:$0x14400] =	vst v63  }
0x9e: {  	s8 =	spop (v2sf)  }
0x9f: {  	s7 =	sand.u32 $0xFFFFF80, s8  }
0xa0: {  	s8 =	simm.s32 $0x9C00;
	s7 =	sadd.s32 s3, s7  }
0xa1: {  	(v2sf) =	vpush v3, $0x9;
	[tilespmem:s8], [sflag:$0x5] =	stream.linear.gather [hbm4b:s7+s6], $0x400, $0x38;
	[tilespmem:$0x14400] =	vst v63  }
0xa2: {  	s7 =	sadd.s32 $0xF4280, s7;
	s8 =	simm.s32 $0xDC00  }
0xa3: {  	[tilespmem:s8], [sflag:$0x7] =	stream.linear.gather [hbm4b:s7+s6], $0x400, $0x38;
	[tilespmem:$0x14400] =	vst v63  }
0xa4: {  	s8 =	spop (v2sf)  }
0xa5: {  	s7 =	sand.u32 $0xFFFFF80, s8  }
0xa6: {  	s8 =	simm.s32 $0xA000;
	s7 =	sadd.s32 s3, s7  }
0xa7: {  	(v2sf) =	vpush v3, $0xA;
	[tilespmem:s8], [sflag:$0x6] =	stream.linear.gather [hbm4b:s7+s6], $0x400, $0x38;
	[tilespmem:$0x14400] =	vst v63  }
0xa8: {  	s7 =	sadd.s32 $0xF4280, s7;
	s8 =	simm.s32 $0xE000  }
0xa9: {  	[tilespmem:s8], [sflag:$0x8] =	stream.linear.gather [hbm4b:s7+s6], $0x400, $0x38;
	[tilespmem:$0x14400] =	vst v63  }
0xaa: {  	s8 =	spop (v2sf)  }
0xab: {  	s7 =	sand.u32 $0xFFFFF80, s8  }
0xac: {  	s8 =	simm.s32 $0xA400;
	s7 =	sadd.s32 s3, s7  }
0xad: {  	(v2sf) =	vpush v3, $0xB;
	[tilespmem:s8], [sflag:$0x5] =	stream.linear.gather [hbm4b:s7+s6], $0x400, $0x38;
	[tilespmem:$0x14400] =	vst v63  }
0xae: {  	s7 =	sadd.s32 $0xF4280, s7;
	s8 =	simm.s32 $0xE400  }
0xaf: {  	[tilespmem:s8], [sflag:$0x7] =	stream.linear.gather [hbm4b:s7+s6], $0x400, $0x38;
	[tilespmem:$0x14400] =	vst v63  }
0xb0: {  	s8 =	spop (v2sf)  }
0xb1: {  	s7 =	sand.u32 $0xFFFFF80, s8  }
0xb2: {  	s8 =	simm.s32 $0xA800;
	s7 =	sadd.s32 s3, s7  }
0xb3: {  	(v2sf) =	vpush v3, $0xC;
	[tilespmem:s8], [sflag:$0x6] =	stream.linear.gather [hbm4b:s7+s6], $0x400, $0x38;
	[tilespmem:$0x14400] =	vst v63  }
0xb4: {  	s7 =	sadd.s32 $0xF4280, s7;
	s8 =	simm.s32 $0xE800  }
0xb5: {  	[tilespmem:s8], [sflag:$0x8] =	stream.linear.gather [hbm4b:s7+s6], $0x400, $0x38;
	[tilespmem:$0x14400] =	vst v63  }
0xb6: {  	s8 =	spop (v2sf)  }
0xb7: {  	s7 =	sand.u32 $0xFFFFF80, s8  }
0xb8: {  	s8 =	simm.s32 $0xAC00;
	s7 =	sadd.s32 s3, s7  }
0xb9: {  	(v2sf) =	vpush v3, $0xD;
	[tilespmem:s8], [sflag:$0x5] =	stream.linear.gather [hbm4b:s7+s6], $0x400, $0x38;
	[tilespmem:$0x14400] =	vst v63  }
0xba: {  	s7 =	sadd.s32 $0xF4280, s7;
	s8 =	simm.s32 $0xEC00  }
0xbb: {  	[tilespmem:s8], [sflag:$0x7] =	stream.linear.gather [hbm4b:s7+s6], $0x400, $0x38;
	[tilespmem:$0x14400] =	vst v63  }
0xbc: {  	s8 =	spop (v2sf)  }
0xbd: {  	s7 =	sand.u32 $0xFFFFF80, s8  }
0xbe: {  	s7 =	sadd.s32 s3, s7  }
0xbf: {  	(v2sf) =	vpush v3, $0xE;
	[tilespmem:s9], [sflag:$0x6] =	stream.linear.gather [hbm4b:s7+s6], $0x400, $0x38;
	[tilespmem:$0x14400] =	vst v63  }
0xc0: {  	s7 =	sadd.s32 $0xF4280, s7  }
0xc1: {  	[tilespmem:s4], [sflag:$0x8] =	stream.linear.gather [hbm4b:s7+s6], $0x400, $0x38;
	[tilespmem:$0x14400] =	vst v63  }
0xc2: {  	s8 =	spop (v2sf)  }
0xc3: {  	s7 =	sand.u32 $0xFFFFF80, s8  }
0xc4: {  	s7 =	sadd.s32 s3, s7  }
0xc5: {  	(v2sf) =	vpush v3, $0xF;
	[tilespmem:s11], [sflag:$0x5] =	stream.linear.gather [hbm4b:s7+s6], $0x400, $0x38;
	[tilespmem:$0x14400] =	vst v63  }
0xc6: {  	s7 =	sadd.s32 $0xF4280, s7  }
0xc7: {  	[tilespmem:s12], [sflag:$0x7] =	stream.linear.gather [hbm4b:s7+s6], $0x400, $0x38;
	[tilespmem:$0x14400] =	vst v63  }
0xc8: {  	s8 =	spop (v2sf)  }
0xc9: {  	s7 =	sand.u32 $0xFFFFF80, s8  }
0xca: {  	s7 =	sadd.s32 s3, s7  }
0xcb: {  	[tilespmem:s13], [sflag:$0x6] =	stream.linear.gather [hbm4b:s7+s6], $0x400, $0x38;
	[tilespmem:$0x14400] =	vst v63  }
0xcc: {  	s7 =	sadd.s32 $0xF4280, s7  }
0xcd: {  	[tilespmem:s15], [sflag:$0x8] =	stream.linear.gather [hbm4b:s7+s6], $0x400, $0x38;
	[tilespmem:$0x14400] =	vst v63  }
0xce: {  	s8 =	spop (v2sf)  }
0xcf: {  	s7 =	sand.u32 $0xFFFFF80, s8  }
0xd0: {  	s7 =	sadd.s32 s3, s7  }
0xd1: {  	[tilespmem:s17], [sflag:$0x5] =	stream.linear.gather [hbm4b:s7+s6], $0x400, $0x38;
	[tilespmem:$0x14400] =	vst v63  }
0xd2: {  	s7 =	sadd.s32 $0xF4280, s7  }
0xd3: {  	[tilespmem:s18], [sflag:$0x7] =	stream.linear.gather [hbm4b:s7+s6], $0x400, $0x38;
	[tilespmem:$0x14400] =	vst v63  }
0xd4: {  	s8 =	spop (v2sf)  }
0xd5: {  	s7 =	sand.u32 $0xFFFFF80, s8  }
0xd6: {  	s7 =	sadd.s32 s3, s7  }
0xd7: {  	[tilespmem:s19], [sflag:$0x6] =	stream.linear.gather [hbm4b:s7+s6], $0x400, $0x38;
	[tilespmem:$0x14400] =	vst v63  }
0xd8: {  	s7 =	sadd.s32 $0xF4280, s7  }
0xd9: {  	[tilespmem:s20], [sflag:$0x8] =	stream.linear.gather [hbm4b:s7+s6], $0x400, $0x38;
	[tilespmem:$0x14400] =	vst v63  }
0xda: {  	_ =	swait.ge [sflag:s21], $0x2000  }
0xdb: {  	[sflag:s21] =	ssyncset.done $0x0  }
0xdc: {  	[sflag:s21] =	ssyncadd.s32 $0xFFFFE000  }
0xdd: {  	_ =	swait.ge [sflag:s22], $0x2000  }
0xde: {  	[sflag:s22] =	ssyncset.done $0x0  }
0xdf: {  	[sflag:s22] =	ssyncadd.s32 $0xFFFFE000  }
0xe0: {  	_ =	swait.ge [sflag:s23], $0x2000  }
0xe1: {  	[sflag:s23] =	ssyncset.done $0x0  }
0xe2: {  	[sflag:s23] =	ssyncadd.s32 $0xFFFFE000  }
0xe3: {  	_ =	swait.ge [sflag:s24], $0x2000  }
0xe4: {  	[sflag:s24] =	ssyncset.done $0x0  }
0xe5: {  	[sflag:s24] =	ssyncadd.s32 $0xFFFFE000  }
0xe6: {  	v3 =	vld [tilespmem:s2+$0x0];
	_ =	sdelay $0x3  }
0xe7: {  	v5 =	vmov s6  }
0xe8: {  	v7 =	vshrl.u32 v5, $0x3;
	v3 =	vand.u32 $0x7F, v3  }
0xe9: {  	v5 =	vshll.u32 v5, $0x7;
	v4 =	vor.u32 v1, v3;
	v3 =	vshll.u32 v7, $0xE  }
0xea: {  	v8 =	vand.u32 $0x380, v5;
	v3 =	vor.u32 v4, v3  }
0xeb: {  	v6 =	vmov s5;
	v9 =	vor.u32 v8, v3  }
0xec: {  	v6 =	vshll.u32 v6, $0x3;
	v5 =	vor.u32 s5, v0;
	s7 =	simm.s32 $0x1  }
0xed: {  	v10 =	vmov s7;
	v3 =	vand.u32 $0x7F, v5;
	v5 =	vand.u32 $0xC00, v6  }
0xee: {  	v6 =	vshrl.u32 v10, $0x3;
	v3 =	vor.u32 v3, v5;
	v5 =	vshll.u32 v7, $0xC  }
0xef: {  	v10 =	vshll.u32 v10, $0x7;
	v7 =	vshll.u32 v6, $0xE;
	v11 =	vor.u32 v3, v5  }
0xf0: {  	v5 =	vand.u32 $0x380, v10;
	v10 =	vor.u32 v4, v7;
	v7 =	vld.idx.msk [tilespmem:v9+s10+$0x0], $0xffff;
	v9 =	vor.u32 v8, v11  }
0xf1: {  	v8 =	vor.u32 v5, v10;
	_ =	sdelay $0x1  }
0xf2: {  	s8 =	simm.s32 $0x2  }
0xf3: {  	s5 =	simm.s32 $0x3;
	s2 =	sor.u32 $0x200, s2;
	v10 =	vmov s8  }
.LBB2_4:
0xf4: {  	p0 =	sne.s32 s5, $0xF;
	v11 =	vshll.u32 v6, $0xC;
	v6 =	vshrl.u32 v10, $0x3;
	[tilespmem:v9+s25+$0x0] =	vst.idx.msk $0xffff, v7  }
0xf5: {  	v10 =	vshll.u32 v10, $0x7;
	v9 =	vshll.u32 v6, $0xE;
	v7 =	vld.idx.msk [tilespmem:v8+s10+$0x0], $0xffff;
	v8 =	vor.u32 v3, v11  }
.Ltmp0:
0xf6: {  	v11 =	vor.u32 v4, v9;
	v9 =	vor.u32 v5, v8;
	v5 =	vand.u32 $0x380, v10;
	(pc) =	sbr.rel @p0 .LBB2_4-.Ltmp0, $2  }
0xf7: {  	v8 =	vor.u32 v5, v11;
	_ =	sdelay $0x2  }
0xf8: {  	v10 =	vmov s5;
	s5 =	sadd.s32 $0x1, s5  }
0xf9: {  	_ =	sdelay $0x2  }
0xfa: {  	v11 =	vshrl.u32 v10, $0x3;
	v6 =	vshll.u32 v6, $0xC  }
0xfb: {  	[tilespmem:v9+s25+$0x0] =	vst.idx.msk $0xffff, v7;
	v9 =	vshll.u32 v10, $0x7;
	v7 =	vshll.u32 v11, $0xE;
	v6 =	vor.u32 v3, v6  }
0xfc: {  	v8 =	vld.idx.msk [tilespmem:v8+s10+$0x0], $0xffff;
	v9 =	vand.u32 $0x380, v9;
	v4 =	vor.u32 v4, v7;
	v5 =	vor.u32 v5, v6  }
0xfd: {  	v4 =	vor.u32 v9, v4;
	_ =	sdelay $0x2  }
0xfe: {  	v6 =	vshll.u32 v11, $0xC  }
0xff: {  	[tilespmem:v5+s25+$0x0] =	vst.idx.msk $0xffff, v8;
	v5 =	vor.u32 v3, v6  }
0x100: {  	v4 =	vld.idx.msk [tilespmem:v4+s10+$0x0], $0xffff;
	v5 =	vor.u32 v9, v5;
	_ =	sdelay $0x2  }
0x101: {  	s0 =	sadd.s32 $0x1, s0  }
0x102: {  	s5 =	sshll.u32 s0, $0x4  }
0x103: {  	s5 =	sand.u32 $0x3F0, s5;
	[tilespmem:v5+s25+$0x0] =	vst.idx.msk $0xffff, v4  }
0x104: {  	v4 =	vld [tilespmem:s5+$0x0];
	_ =	sdelay $0x4  }
0x105: {  	(v2sf) =	vpush v4, $0x0;
	_ =	sdelay $0x5  }
0x106: {  	(v2sf) =	vpush v4, $0x1;
	_ =	sdelay $0x3  }
0x107: {  	(v2sf) =	vpush v4, $0x2;
	_ =	sdelay $0x4  }
0x108: {  	s6 =	spop (v2sf)  }
0x109: {  	s5 =	sand.u32 $0xFFFFF80, s6  }
0x10a: {  	(v2sf) =	vpush v4, $0x3;
	s6 =	sadd.s32 s1, s5;
	s5 =	simm.s32 $0x0  }
0x10b: {  	[tilespmem:s10], [sflag:$0x1] =	stream.linear.gather [hbm4b:s6+s5], $0x400, $0x38;
	[tilespmem:$0x14400] =	vst v63  }
0x10c: {  	s7 =	simm.s32 $0x4400;
	s6 =	sadd.s32 $0xF4280, s6  }
0x10d: {  	[tilespmem:s7], [sflag:$0x3] =	stream.linear.gather [hbm4b:s6+s5], $0x400, $0x38;
	[tilespmem:$0x14400] =	vst v63  }
0x10e: {  	s7 =	spop (v2sf)  }
0x10f: {  	s6 =	sand.u32 $0xFFFFF80, s7  }
0x110: {  	s8 =	simm.s32 $0x800;
	(v2sf) =	vpush v4, $0x4;
	s6 =	sadd.s32 s1, s6  }
0x111: {  	[tilespmem:s8], [sflag:$0x2] =	stream.linear.gather [hbm4b:s6+s5], $0x400, $0x38;
	[tilespmem:$0x14400] =	vst v63  }
0x112: {  	s7 =	spop (v2sf);
	s6 =	sadd.s32 $0xF4280, s6;
	s8 =	simm.s32 $0x4800  }
0x113: {  	[tilespmem:s8], [sflag:$0x4] =	stream.linear.gather [hbm4b:s6+s5], $0x400, $0x38;
	[tilespmem:$0x14400] =	vst v63  }
0x114: {  	(v2sf) =	vpush v4, $0x5;
	s6 =	sand.u32 $0xFFFFF80, s7  }
0x115: {  	s8 =	simm.s32 $0xC00;
	s6 =	sadd.s32 s1, s6  }
0x116: {  	[tilespmem:s8], [sflag:$0x1] =	stream.linear.gather [hbm4b:s6+s5], $0x400, $0x38;
	[tilespmem:$0x14400] =	vst v63  }
0x117: {  	s6 =	sadd.s32 $0xF4280, s6;
	s8 =	simm.s32 $0x4C00  }
0x118: {  	[tilespmem:s8], [sflag:$0x3] =	stream.linear.gather [hbm4b:s6+s5], $0x400, $0x38;
	[tilespmem:$0x14400] =	vst v63  }
0x119: {  	s7 =	spop (v2sf)  }
0x11a: {  	s6 =	sand.u32 $0xFFFFF80, s7  }
0x11b: {  	(v2sf) =	vpush v4, $0x6;
	s6 =	sadd.s32 s1, s6  }
0x11c: {  	[tilespmem:s16], [sflag:$0x2] =	stream.linear.gather [hbm4b:s6+s5], $0x400, $0x38;
	[tilespmem:$0x14400] =	vst v63  }
0x11d: {  	s8 =	simm.s32 $0x5000;
	s6 =	sadd.s32 $0xF4280, s6  }
0x11e: {  	[tilespmem:s8], [sflag:$0x4] =	stream.linear.gather [hbm4b:s6+s5], $0x400, $0x38;
	[tilespmem:$0x14400] =	vst v63  }
0x11f: {  	s7 =	spop (v2sf)  }
0x120: {  	s6 =	sand.u32 $0xFFFFF80, s7  }
0x121: {  	s8 =	simm.s32 $0x1400;
	(v2sf) =	vpush v4, $0x7;
	s6 =	sadd.s32 s1, s6  }
0x122: {  	[tilespmem:s8], [sflag:$0x1] =	stream.linear.gather [hbm4b:s6+s5], $0x400, $0x38;
	[tilespmem:$0x14400] =	vst v63  }
0x123: {  	s7 =	spop (v2sf);
	s6 =	sadd.s32 $0xF4280, s6;
	s8 =	simm.s32 $0x5400  }
0x124: {  	[tilespmem:s8], [sflag:$0x3] =	stream.linear.gather [hbm4b:s6+s5], $0x400, $0x38;
	[tilespmem:$0x14400] =	vst v63  }
0x125: {  	(v2sf) =	vpush v4, $0x8;
	s6 =	sand.u32 $0xFFFFF80, s7  }
0x126: {  	s8 =	simm.s32 $0x1800;
	s6 =	sadd.s32 s1, s6  }
0x127: {  	[tilespmem:s8], [sflag:$0x2] =	stream.linear.gather [hbm4b:s6+s5], $0x400, $0x38;
	[tilespmem:$0x14400] =	vst v63  }
0x128: {  	s6 =	sadd.s32 $0xF4280, s6;
	s8 =	simm.s32 $0x5800  }
0x129: {  	[tilespmem:s8], [sflag:$0x4] =	stream.linear.gather [hbm4b:s6+s5], $0x400, $0x38;
	[tilespmem:$0x14400] =	vst v63  }
0x12a: {  	s7 =	spop (v2sf)  }
0x12b: {  	s6 =	sand.u32 $0xFFFFF80, s7  }
0x12c: {  	s8 =	simm.s32 $0x1C00;
	(v2sf) =	vpush v4, $0x9;
	s6 =	sadd.s32 s1, s6  }
0x12d: {  	[tilespmem:s8], [sflag:$0x1] =	stream.linear.gather [hbm4b:s6+s5], $0x400, $0x38;
	[tilespmem:$0x14400] =	vst v63  }
0x12e: {  	s6 =	sadd.s32 $0xF4280, s6;
	s8 =	simm.s32 $0x5C00  }
0x12f: {  	[tilespmem:s8], [sflag:$0x3] =	stream.linear.gather [hbm4b:s6+s5], $0x400, $0x38;
	[tilespmem:$0x14400] =	vst v63  }
0x130: {  	s7 =	spop (v2sf)  }
0x131: {  	s6 =	sand.u32 $0xFFFFF80, s7  }
0x132: {  	s8 =	simm.s32 $0x2000;
	(v2sf) =	vpush v4, $0xA;
	s6 =	sadd.s32 s1, s6  }
0x133: {  	[tilespmem:s8], [sflag:$0x2] =	stream.linear.gather [hbm4b:s6+s5], $0x400, $0x38;
	[tilespmem:$0x14400] =	vst v63  }
0x134: {  	s7 =	spop (v2sf);
	s6 =	sadd.s32 $0xF4280, s6;
	s8 =	simm.s32 $0x6000  }
0x135: {  	[tilespmem:s8], [sflag:$0x4] =	stream.linear.gather [hbm4b:s6+s5], $0x400, $0x38;
	[tilespmem:$0x14400] =	vst v63  }
0x136: {  	(v2sf) =	vpush v4, $0xB;
	s6 =	sand.u32 $0xFFFFF80, s7  }
0x137: {  	s8 =	simm.s32 $0x2400;
	s6 =	sadd.s32 s1, s6  }
0x138: {  	[tilespmem:s8], [sflag:$0x1] =	stream.linear.gather [hbm4b:s6+s5], $0x400, $0x38;
	[tilespmem:$0x14400] =	vst v63  }
0x139: {  	s6 =	sadd.s32 $0xF4280, s6;
	s8 =	simm.s32 $0x6400  }
0x13a: {  	[tilespmem:s8], [sflag:$0x3] =	stream.linear.gather [hbm4b:s6+s5], $0x400, $0x38;
	[tilespmem:$0x14400] =	vst v63  }
0x13b: {  	s7 =	spop (v2sf)  }
0x13c: {  	s6 =	sand.u32 $0xFFFFF80, s7  }
0x13d: {  	s8 =	simm.s32 $0x2800;
	(v2sf) =	vpush v4, $0xC;
	s6 =	sadd.s32 s1, s6  }
0x13e: {  	[tilespmem:s8], [sflag:$0x2] =	stream.linear.gather [hbm4b:s6+s5], $0x400, $0x38;
	[tilespmem:$0x14400] =	vst v63  }
0x13f: {  	s6 =	sadd.s32 $0xF4280, s6;
	s8 =	simm.s32 $0x6800  }
0x140: {  	[tilespmem:s8], [sflag:$0x4] =	stream.linear.gather [hbm4b:s6+s5], $0x400, $0x38;
	[tilespmem:$0x14400] =	vst v63  }
0x141: {  	s7 =	spop (v2sf)  }
0x142: {  	s6 =	sand.u32 $0xFFFFF80, s7  }
0x143: {  	s8 =	simm.s32 $0x2C00;
	(v2sf) =	vpush v4, $0xD;
	s6 =	sadd.s32 s1, s6  }
0x144: {  	[tilespmem:s8], [sflag:$0x1] =	stream.linear.gather [hbm4b:s6+s5], $0x400, $0x38;
	[tilespmem:$0x14400] =	vst v63  }
0x145: {  	s7 =	spop (v2sf);
	s6 =	sadd.s32 $0xF4280, s6;
	s8 =	simm.s32 $0x6C00  }
0x146: {  	[tilespmem:s8], [sflag:$0x3] =	stream.linear.gather [hbm4b:s6+s5], $0x400, $0x38;
	[tilespmem:$0x14400] =	vst v63  }
0x147: {  	(v2sf) =	vpush v4, $0xE;
	s6 =	sand.u32 $0xFFFFF80, s7  }
0x148: {  	s8 =	simm.s32 $0x3000;
	s6 =	sadd.s32 s1, s6  }
0x149: {  	[tilespmem:s8], [sflag:$0x2] =	stream.linear.gather [hbm4b:s6+s5], $0x400, $0x38;
	[tilespmem:$0x14400] =	vst v63  }
0x14a: {  	s6 =	sadd.s32 $0xF4280, s6;
	s8 =	simm.s32 $0x7000  }
0x14b: {  	[tilespmem:s8], [sflag:$0x4] =	stream.linear.gather [hbm4b:s6+s5], $0x400, $0x38;
	[tilespmem:$0x14400] =	vst v63  }
0x14c: {  	s7 =	spop (v2sf)  }
0x14d: {  	s6 =	sand.u32 $0xFFFFF80, s7  }
0x14e: {  	s8 =	simm.s32 $0x3400;
	(v2sf) =	vpush v4, $0xF;
	s6 =	sadd.s32 s1, s6  }
0x14f: {  	[tilespmem:s8], [sflag:$0x1] =	stream.linear.gather [hbm4b:s6+s5], $0x400, $0x38;
	[tilespmem:$0x14400] =	vst v63  }
0x150: {  	s6 =	sadd.s32 $0xF4280, s6;
	s8 =	simm.s32 $0x7400  }
0x151: {  	[tilespmem:s8], [sflag:$0x3] =	stream.linear.gather [hbm4b:s6+s5], $0x400, $0x38;
	[tilespmem:$0x14400] =	vst v63  }
0x152: {  	s7 =	spop (v2sf)  }
0x153: {  	s6 =	sand.u32 $0xFFFFF80, s7  }
0x154: {  	s8 =	simm.s32 $0x3800;
	s6 =	sadd.s32 s1, s6  }
0x155: {  	[tilespmem:s8], [sflag:$0x2] =	stream.linear.gather [hbm4b:s6+s5], $0x400, $0x38;
	[tilespmem:$0x14400] =	vst v63  }
0x156: {  	s7 =	spop (v2sf);
	s6 =	sadd.s32 $0xF4280, s6;
	s8 =	simm.s32 $0x7800  }
0x157: {  	[tilespmem:s8], [sflag:$0x4] =	stream.linear.gather [hbm4b:s6+s5], $0x400, $0x38;
	[tilespmem:$0x14400] =	vst v63  }
0x158: {  	s6 =	sand.u32 $0xFFFFF80, s7  }
0x159: {  	s8 =	simm.s32 $0x3C00;
	s6 =	sadd.s32 s1, s6  }
0x15a: {  	[tilespmem:s8], [sflag:$0x1] =	stream.linear.gather [hbm4b:s6+s5], $0x400, $0x38;
	[tilespmem:$0x14400] =	vst v63  }
0x15b: {  	s6 =	sadd.s32 $0xF4280, s6;
	s8 =	simm.s32 $0x7C00  }
0x15c: {  	[tilespmem:s8], [sflag:$0x3] =	stream.linear.gather [hbm4b:s6+s5], $0x400, $0x38;
	[tilespmem:$0x14400] =	vst v63  }
0x15d: {  	s7 =	spop (v2sf)  }
0x15e: {  	s6 =	sand.u32 $0xFFFFF80, s7  }
0x15f: {  	s8 =	simm.s32 $0x4000;
	s6 =	sadd.s32 s1, s6  }
0x160: {  	[tilespmem:s8], [sflag:$0x2] =	stream.linear.gather [hbm4b:s6+s5], $0x400, $0x38;
	[tilespmem:$0x14400] =	vst v63  }
0x161: {  	s6 =	sadd.s32 $0xF4280, s6;
	s8 =	simm.s32 $0x8000  }
0x162: {  	[tilespmem:s8], [sflag:$0x4] =	stream.linear.gather [hbm4b:s6+s5], $0x400, $0x38;
	[tilespmem:$0x14400] =	vst v63  }
0x163: {  	_ =	swait.ge [sflag:s26], $0x2000  }
0x164: {  	[sflag:s26] =	ssyncset.done $0x0  }
0x165: {  	[sflag:s26] =	ssyncadd.s32 $0xFFFFE000  }
0x166: {  	_ =	swait.ge [sflag:s28], $0x2000  }
0x167: {  	[sflag:s28] =	ssyncset.done $0x0  }
0x168: {  	[sflag:s28] =	ssyncadd.s32 $0xFFFFE000  }
0x169: {  	_ =	swait.ge [sflag:s29], $0x2000  }
0x16a: {  	[sflag:s29] =	ssyncset.done $0x0  }
0x16b: {  	[sflag:s29] =	ssyncadd.s32 $0xFFFFE000  }
0x16c: {  	_ =	swait.ge [sflag:s30], $0x2000  }
0x16d: {  	[sflag:s30] =	ssyncset.done $0x0  }
0x16e: {  	[sflag:s30] =	ssyncadd.s32 $0xFFFFE000  }
0x16f: {  	v4 =	vld [tilespmem:s2+$0x0];
	_ =	sdelay $0x3  }
0x170: {  	v5 =	vmov s5  }
0x171: {  	v7 =	vshrl.u32 v5, $0x3;
	v4 =	vand.u32 $0x7F, v4  }
0x172: {  	v5 =	vshll.u32 v5, $0x7;
	v6 =	vshll.u32 v7, $0xE;
	v4 =	vor.u32 v1, v4  }
0x173: {  	v8 =	vand.u32 $0x380, v5;
	v5 =	vor.u32 v4, v6  }
0x174: {  	v9 =	vor.u32 v8, v5  }
0x175: {  	s7 =	simm.s32 $0x1  }
0x176: {  	v5 =	vmov s7  }
0x177: {  	v7 =	vshll.u32 v7, $0xC;
	v6 =	vshrl.u32 v5, $0x3  }
0x178: {  	v11 =	vor.u32 v3, v7;
	v5 =	vshll.u32 v5, $0x7;
	v10 =	vshll.u32 v6, $0xE  }
0x179: {  	v5 =	vand.u32 $0x380, v5;
	v10 =	vor.u32 v4, v10;
	v7 =	vld.idx.msk [tilespmem:v9+s14+$0x0], $0xffff;
	v9 =	vor.u32 v8, v11  }
0x17a: {  	v8 =	vor.u32 v5, v10;
	_ =	sdelay $0x1  }
0x17b: {  	s8 =	simm.s32 $0x2  }
0x17c: {  	s2 =	simm.s32 $0x3;
	v10 =	vmov s8  }
.LBB2_6:
0x17d: {  	p0 =	seq.s32 s2, $0xF;
	v11 =	vshll.u32 v6, $0xC;
	v6 =	vshrl.u32 v10, $0x3;
	[tilespmem:v9+s31+$0x0] =	vst.idx.msk $0xffff, v7  }
0x17e: {  	v10 =	vshll.u32 v10, $0x7;
	v9 =	vshll.u32 v6, $0xE;
	v7 =	vld.idx.msk [tilespmem:v8+s14+$0x0], $0xffff;
	v8 =	vor.u32 v3, v11  }
.Ltmp1:
0x17f: {  	v11 =	vor.u32 v4, v9;
	v9 =	vor.u32 v5, v8;
	v5 =	vand.u32 $0x380, v10;
	(pc) =	sbr.rel @!p0 .LBB2_6-.Ltmp1, $2  }
0x180: {  	v8 =	vor.u32 v5, v11;
	_ =	sdelay $0x2  }
0x181: {  	v10 =	vmov s2;
	s2 =	sadd.s32 $0x1, s2  }
0x182: {  	_ =	sdelay $0x2  }
0x183: {  	v11 =	vshrl.u32 v10, $0x3;
	v6 =	vshll.u32 v6, $0xC  }
0x184: {  	[tilespmem:v9+s31+$0x0] =	vst.idx.msk $0xffff, v7;
	v62 =	vshll.u32 v10, $0x7;
	v61 =	vshll.u32 v11, $0xE;
	v6 =	vor.u32 v3, v6  }
0x185: {  	v8 =	vld.idx.msk [tilespmem:v8+s14+$0x0], $0xffff;
	v9 =	vand.u32 $0x380, v62;
	v4 =	vor.u32 v4, v61;
	v5 =	vor.u32 v5, v6  }
0x186: {  	v4 =	vor.u32 v9, v4;
	_ =	sdelay $0x2  }
0x187: {  	v63 =	vshll.u32 v11, $0xC  }
0x188: {  	v3 =	vor.u32 v3, v63;
	[tilespmem:v5+s31+$0x0] =	vst.idx.msk $0xffff, v8  }
0x189: {  	v3 =	vor.u32 v9, v3;
	v4 =	vld.idx.msk [tilespmem:v4+s14+$0x0], $0xffff;
	_ =	sdelay $0x4  }
0x18a: {  	[tilespmem:v3+s31+$0x0] =	vst.idx.msk $0xffff, v4  }
0x18b: {  	p0 =	seq.s32 s0, $0x1F  }
.Ltmp2:
0x18c: {  	_ = 	snop;
	(pc) =	sbr.rel @!p0 .LBB2_3-.Ltmp2, $1  }
0x18d: {  	_ =	sdelay $0x3  }
0x18e: {  	v3 =	vld [tilespmem:$0x3F0];
	_ =	sdelay $0x4  }
0x18f: {  	(v2sf) =	vpush v3, $0x0;
	_ =	sdelay $0x3  }
0x190: {  	(v2sf) =	vpush v3, $0x1;
	_ =	sdelay $0x4  }
0x191: {  	(v2sf) =	vpush v3, $0x2;
	_ =	sdelay $0x5  }
0x192: {  	s0 =	spop (v2sf)  }
0x193: {  	(v2sf) =	vpush v3, $0x3;
	s0 =	sand.u32 $0xFFFFF80, s0  }
0x194: {  	s2 =	sadd.s32 s3, s0;
	s0 =	simm.s32 $0x0  }
0x195: {  	[tilespmem:s14], [sflag:$0x5] =	stream.linear.gather [hbm4b:s2+s0], $0x400, $0x38;
	[tilespmem:$0x14400] =	vst v63  }
0x196: {  	s5 =	simm.s32 $0xC400;
	s6 =	spop (v2sf);
	s2 =	sadd.s32 $0xF4280, s2  }
0x197: {  	(v2sf) =	vpush v3, $0x4;
	[tilespmem:s5], [sflag:$0x7] =	stream.linear.gather [hbm4b:s2+s0], $0x400, $0x38;
	[tilespmem:$0x14400] =	vst v63  }
0x198: {  	s2 =	sand.u32 $0xFFFFF80, s6  }
0x199: {  	s7 =	simm.s32 $0x8800;
	s2 =	sadd.s32 s3, s2  }
0x19a: {  	[tilespmem:s7], [sflag:$0x6] =	stream.linear.gather [hbm4b:s2+s0], $0x400, $0x38;
	[tilespmem:$0x14400] =	vst v63  }
0x19b: {  	s8 =	simm.s32 $0xC800;
	s6 =	spop (v2sf);
	s2 =	sadd.s32 $0xF4280, s2  }
0x19c: {  	(v2sf) =	vpush v3, $0x5;
	[tilespmem:s8], [sflag:$0x8] =	stream.linear.gather [hbm4b:s2+s0], $0x400, $0x38;
	[tilespmem:$0x14400] =	vst v63  }
0x19d: {  	s2 =	sand.u32 $0xFFFFF80, s6  }
0x19e: {  	s7 =	simm.s32 $0x8C00;
	s2 =	sadd.s32 s3, s2  }
0x19f: {  	[tilespmem:s7], [sflag:$0x5] =	stream.linear.gather [hbm4b:s2+s0], $0x400, $0x38;
	[tilespmem:$0x14400] =	vst v63  }
0x1a0: {  	s8 =	simm.s32 $0xCC00;
	s2 =	sadd.s32 $0xF4280, s2  }
0x1a1: {  	[tilespmem:s8], [sflag:$0x7] =	stream.linear.gather [hbm4b:s2+s0], $0x400, $0x38;
	[tilespmem:$0x14400] =	vst v63  }
0x1a2: {  	s6 =	spop (v2sf)  }
0x1a3: {  	(v2sf) =	vpush v3, $0x6;
	s2 =	sand.u32 $0xFFFFF80, s6  }
0x1a4: {  	s7 =	simm.s32 $0x9000;
	s2 =	sadd.s32 s3, s2  }
0x1a5: {  	[tilespmem:s7], [sflag:$0x6] =	stream.linear.gather [hbm4b:s2+s0], $0x400, $0x38;
	[tilespmem:$0x14400] =	vst v63  }
0x1a6: {  	s8 =	simm.s32 $0xD000;
	s6 =	spop (v2sf);
	s2 =	sadd.s32 $0xF4280, s2  }
0x1a7: {  	(v2sf) =	vpush v3, $0x7;
	[tilespmem:s8], [sflag:$0x8] =	stream.linear.gather [hbm4b:s2+s0], $0x400, $0x38;
	[tilespmem:$0x14400] =	vst v63  }
0x1a8: {  	s2 =	sand.u32 $0xFFFFF80, s6  }
0x1a9: {  	s7 =	simm.s32 $0x9400;
	s2 =	sadd.s32 s3, s2  }
0x1aa: {  	[tilespmem:s7], [sflag:$0x5] =	stream.linear.gather [hbm4b:s2+s0], $0x400, $0x38;
	[tilespmem:$0x14400] =	vst v63  }
0x1ab: {  	s8 =	simm.s32 $0xD400;
	s6 =	spop (v2sf);
	s2 =	sadd.s32 $0xF4280, s2  }
0x1ac: {  	(v2sf) =	vpush v3, $0x8;
	[tilespmem:s8], [sflag:$0x7] =	stream.linear.gather [hbm4b:s2+s0], $0x400, $0x38;
	[tilespmem:$0x14400] =	vst v63  }
0x1ad: {  	s2 =	sand.u32 $0xFFFFF80, s6  }
0x1ae: {  	s7 =	simm.s32 $0x9800;
	s2 =	sadd.s32 s3, s2  }
0x1af: {  	[tilespmem:s7], [sflag:$0x6] =	stream.linear.gather [hbm4b:s2+s0], $0x400, $0x38;
	[tilespmem:$0x14400] =	vst v63  }
0x1b0: {  	s8 =	simm.s32 $0xD800;
	s2 =	sadd.s32 $0xF4280, s2  }
0x1b1: {  	[tilespmem:s8], [sflag:$0x8] =	stream.linear.gather [hbm4b:s2+s0], $0x400, $0x38;
	[tilespmem:$0x14400] =	vst v63  }
0x1b2: {  	s6 =	spop (v2sf)  }
0x1b3: {  	(v2sf) =	vpush v3, $0x9;
	s2 =	sand.u32 $0xFFFFF80, s6  }
0x1b4: {  	s7 =	simm.s32 $0x9C00;
	s2 =	sadd.s32 s3, s2  }
0x1b5: {  	[tilespmem:s7], [sflag:$0x5] =	stream.linear.gather [hbm4b:s2+s0], $0x400, $0x38;
	[tilespmem:$0x14400] =	vst v63  }
0x1b6: {  	s8 =	simm.s32 $0xDC00;
	s6 =	spop (v2sf);
	s2 =	sadd.s32 $0xF4280, s2  }
0x1b7: {  	(v2sf) =	vpush v3, $0xA;
	[tilespmem:s8], [sflag:$0x7] =	stream.linear.gather [hbm4b:s2+s0], $0x400, $0x38;
	[tilespmem:$0x14400] =	vst v63  }
0x1b8: {  	s2 =	sand.u32 $0xFFFFF80, s6  }
0x1b9: {  	s7 =	simm.s32 $0xA000;
	s2 =	sadd.s32 s3, s2  }
0x1ba: {  	[tilespmem:s7], [sflag:$0x6] =	stream.linear.gather [hbm4b:s2+s0], $0x400, $0x38;
	[tilespmem:$0x14400] =	vst v63  }
0x1bb: {  	s8 =	simm.s32 $0xE000;
	s6 =	spop (v2sf);
	s2 =	sadd.s32 $0xF4280, s2  }
0x1bc: {  	(v2sf) =	vpush v3, $0xB;
	[tilespmem:s8], [sflag:$0x8] =	stream.linear.gather [hbm4b:s2+s0], $0x400, $0x38;
	[tilespmem:$0x14400] =	vst v63  }
0x1bd: {  	s2 =	sand.u32 $0xFFFFF80, s6  }
0x1be: {  	s7 =	simm.s32 $0xA400;
	s2 =	sadd.s32 s3, s2  }
0x1bf: {  	[tilespmem:s7], [sflag:$0x5] =	stream.linear.gather [hbm4b:s2+s0], $0x400, $0x38;
	[tilespmem:$0x14400] =	vst v63  }
0x1c0: {  	s8 =	simm.s32 $0xE400;
	s2 =	sadd.s32 $0xF4280, s2  }
0x1c1: {  	[tilespmem:s8], [sflag:$0x7] =	stream.linear.gather [hbm4b:s2+s0], $0x400, $0x38;
	[tilespmem:$0x14400] =	vst v63  }
0x1c2: {  	s6 =	spop (v2sf)  }
0x1c3: {  	(v2sf) =	vpush v3, $0xC;
	s2 =	sand.u32 $0xFFFFF80, s6  }
0x1c4: {  	s7 =	simm.s32 $0xA800;
	s2 =	sadd.s32 s3, s2  }
0x1c5: {  	[tilespmem:s7], [sflag:$0x6] =	stream.linear.gather [hbm4b:s2+s0], $0x400, $0x38;
	[tilespmem:$0x14400] =	vst v63  }
0x1c6: {  	s8 =	simm.s32 $0xE800;
	s6 =	spop (v2sf);
	s2 =	sadd.s32 $0xF4280, s2  }
0x1c7: {  	(v2sf) =	vpush v3, $0xD;
	[tilespmem:s8], [sflag:$0x8] =	stream.linear.gather [hbm4b:s2+s0], $0x400, $0x38;
	[tilespmem:$0x14400] =	vst v63  }
0x1c8: {  	s2 =	sand.u32 $0xFFFFF80, s6  }
0x1c9: {  	s7 =	simm.s32 $0xAC00;
	s2 =	sadd.s32 s3, s2  }
0x1ca: {  	[tilespmem:s7], [sflag:$0x5] =	stream.linear.gather [hbm4b:s2+s0], $0x400, $0x38;
	[tilespmem:$0x14400] =	vst v63  }
0x1cb: {  	s8 =	simm.s32 $0xEC00;
	s6 =	spop (v2sf);
	s2 =	sadd.s32 $0xF4280, s2  }
0x1cc: {  	(v2sf) =	vpush v3, $0xE;
	[tilespmem:s8], [sflag:$0x7] =	stream.linear.gather [hbm4b:s2+s0], $0x400, $0x38;
	[tilespmem:$0x14400] =	vst v63  }
0x1cd: {  	s2 =	sand.u32 $0xFFFFF80, s6  }
0x1ce: {  	s2 =	sadd.s32 s3, s2  }
0x1cf: {  	[tilespmem:s9], [sflag:$0x6] =	stream.linear.gather [hbm4b:s2+s0], $0x400, $0x38;
	[tilespmem:$0x14400] =	vst v63  }
0x1d0: {  	s2 =	sadd.s32 $0xF4280, s2  }
0x1d1: {  	[tilespmem:s4], [sflag:$0x8] =	stream.linear.gather [hbm4b:s2+s0], $0x400, $0x38;
	[tilespmem:$0x14400] =	vst v63  }
0x1d2: {  	s7 =	spop (v2sf)  }
0x1d3: {  	(v2sf) =	vpush v3, $0xF;
	s2 =	sand.u32 $0xFFFFF80, s7  }
0x1d4: {  	s2 =	sadd.s32 s3, s2  }
0x1d5: {  	[tilespmem:s11], [sflag:$0x5] =	stream.linear.gather [hbm4b:s2+s0], $0x400, $0x38;
	[tilespmem:$0x14400] =	vst v63  }
0x1d6: {  	s8 =	spop (v2sf);
	s2 =	sadd.s32 $0xF4280, s2  }
0x1d7: {  	[tilespmem:s12], [sflag:$0x7] =	stream.linear.gather [hbm4b:s2+s0], $0x400, $0x38;
	[tilespmem:$0x14400] =	vst v63  }
0x1d8: {  	s2 =	sand.u32 $0xFFFFF80, s8  }
0x1d9: {  	s2 =	sadd.s32 s3, s2  }
0x1da: {  	[tilespmem:s13], [sflag:$0x6] =	stream.linear.gather [hbm4b:s2+s0], $0x400, $0x38;
	[tilespmem:$0x14400] =	vst v63  }
0x1db: {  	s5 =	spop (v2sf);
	s2 =	sadd.s32 $0xF4280, s2  }
0x1dc: {  	[tilespmem:s15], [sflag:$0x8] =	stream.linear.gather [hbm4b:s2+s0], $0x400, $0x38;
	[tilespmem:$0x14400] =	vst v63  }
0x1dd: {  	s2 =	sand.u32 $0xFFFFF80, s5  }
0x1de: {  	s2 =	sadd.s32 s3, s2  }
0x1df: {  	[tilespmem:s17], [sflag:$0x5] =	stream.linear.gather [hbm4b:s2+s0], $0x400, $0x38;
	[tilespmem:$0x14400] =	vst v63  }
0x1e0: {  	s2 =	sadd.s32 $0xF4280, s2  }
0x1e1: {  	[tilespmem:s18], [sflag:$0x7] =	stream.linear.gather [hbm4b:s2+s0], $0x400, $0x38;
	[tilespmem:$0x14400] =	vst v63  }
0x1e2: {  	s6 =	spop (v2sf)  }
0x1e3: {  	s2 =	sand.u32 $0xFFFFF80, s6  }
0x1e4: {  	s2 =	sadd.s32 s3, s2  }
0x1e5: {  	[tilespmem:s19], [sflag:$0x6] =	stream.linear.gather [hbm4b:s2+s0], $0x400, $0x38;
	[tilespmem:$0x14400] =	vst v63  }
0x1e6: {  	s2 =	sadd.s32 $0xF4280, s2  }
0x1e7: {  	[tilespmem:s20], [sflag:$0x8] =	stream.linear.gather [hbm4b:s2+s0], $0x400, $0x38;
	[tilespmem:$0x14400] =	vst v63  }
0x1e8: {  	_ =	swait.ge [sflag:s21], $0x2000  }
0x1e9: {  	[sflag:s21] =	ssyncset.done $0x0  }
0x1ea: {  	[sflag:s21] =	ssyncadd.s32 $0xFFFFE000  }
0x1eb: {  	_ =	swait.ge [sflag:s22], $0x2000  }
0x1ec: {  	[sflag:s22] =	ssyncset.done $0x0  }
0x1ed: {  	[sflag:s22] =	ssyncadd.s32 $0xFFFFE000  }
0x1ee: {  	_ =	swait.ge [sflag:s23], $0x2000  }
0x1ef: {  	[sflag:s23] =	ssyncset.done $0x0  }
0x1f0: {  	[sflag:s23] =	ssyncadd.s32 $0xFFFFE000  }
0x1f1: {  	_ =	swait.ge [sflag:s24], $0x2000  }
0x1f2: {  	[sflag:s24] =	ssyncset.done $0x0  }
0x1f3: {  	[sflag:s24] =	ssyncadd.s32 $0xFFFFE000  }
0x1f4: {  	v3 =	vld [tilespmem:$0x1F0];
	_ =	sdelay $0x3  }
0x1f5: {  	v4 =	vmov s0  }
0x1f6: {  	v5 =	vshrl.u32 v4, $0x3;
	v3 =	vand.u32 $0x7F, v3  }
0x1f7: {  	v4 =	vshll.u32 v4, $0x7;
	v6 =	vshll.u32 v5, $0xE;
	v3 =	vor.u32 v1, v3  }
0x1f8: {  	v4 =	vand.u32 $0x380, v4;
	v6 =	vor.u32 v3, v6  }
0x1f9: {  	v8 =	vor.u32 v4, v6  }
0x1fa: {  	s7 =	simm.s32 $0x1  }
0x1fb: {  	v5 =	vshll.u32 v5, $0xC;
	v6 =	vmov s7  }
0x1fc: {  	v4 =	vor.u32 v4, v5;
	v9 =	vshrl.u32 v6, $0x3  }
0x1fd: {  	v6 =	vshll.u32 v6, $0x7;
	v4 =	vor.u32 v2, v4;
	v5 =	vshll.u32 v9, $0xE  }
0x1fe: {  	v6 =	vand.u32 $0x380, v6;
	v7 =	vor.u32 $0xC00, v4;
	v5 =	vor.u32 v3, v5;
	v4 =	vld.idx.msk [tilespmem:v8+s10+$0x0], $0xffff  }
0x1ff: {  	v5 =	vor.u32 v6, v5;
	_ =	sdelay $0x1  }
0x200: {  	s8 =	simm.s32 $0x2  }
0x201: {  	s0 =	simm.s32 $0x3;
	v9 =	vshll.u32 v9, $0xC;
	v8 =	vmov s8  }
.LBB2_9:
0x202: {  	p0 =	sne.s32 s0, $0xF;
	v10 =	vshrl.u32 v8, $0x3;
	v6 =	vor.u32 v6, v9;
	[tilespmem:v7+s25+$0x0] =	vst.idx.msk $0xffff, v4  }
0x203: {  	v8 =	vshll.u32 v8, $0x7;
	v7 =	vshll.u32 v10, $0xE;
	v4 =	vld.idx.msk [tilespmem:v5+s10+$0x0], $0xffff;
	v5 =	vor.u32 v2, v6  }
.Ltmp3:
0x204: {  	v6 =	vand.u32 $0x380, v8;
	v8 =	vor.u32 v3, v7;
	v7 =	vor.u32 $0xC00, v5;
	(pc) =	sbr.rel @p0 .LBB2_9-.Ltmp3, $2  }
0x205: {  	v5 =	vor.u32 v6, v8;
	_ =	sdelay $0x2  }
0x206: {  	v9 =	vshll.u32 v10, $0xC;
	v8 =	vmov s0;
	s0 =	sadd.s32 $0x1, s0  }
0x207: {  	_ =	sdelay $0x2  }
0x208: {  	v10 =	vshrl.u32 v8, $0x3;
	v6 =	vor.u32 v6, v9  }
0x209: {  	[tilespmem:v7+s25+$0x0] =	vst.idx.msk $0xffff, v4;
	v7 =	vshll.u32 v8, $0x7;
	v4 =	vshll.u32 v10, $0xE;
	v6 =	vor.u32 v2, v6  }
0x20a: {  	v5 =	vld.idx.msk [tilespmem:v5+s10+$0x0], $0xffff;
	v7 =	vand.u32 $0x380, v7;
	v3 =	vor.u32 v3, v4;
	v4 =	vor.u32 $0xC00, v6  }
0x20b: {  	v3 =	vor.u32 v7, v3;
	_ =	sdelay $0x1  }
0x20c: {  	v6 =	vshll.u32 v10, $0xC  }
0x20d: {  	v6 =	vor.u32 v7, v6  }
0x20e: {  	[tilespmem:v4+s25+$0x0] =	vst.idx.msk $0xffff, v5;
	v4 =	vor.u32 v2, v6  }
0x20f: {  	v3 =	vld.idx.msk [tilespmem:v3+s10+$0x0], $0xffff;
	v4 =	vor.u32 $0xC00, v4;
	_ =	sdelay $0x4  }
0x210: {  	[tilespmem:v4+s25+$0x0] =	vst.idx.msk $0xffff, v3  }
0x211: {  	_ =	swait.ge [sflag:s26], $0x2000  }
0x212: {  	[sflag:s26] =	ssyncset.done $0x0  }
0x213: {  	[sflag:s26] =	ssyncadd.s32 $0xFFFFE000  }
0x214: {  	_ =	swait.ge [sflag:s28], $0x2000  }
0x215: {  	[sflag:s28] =	ssyncset.done $0x0  }
0x216: {  	[sflag:s28] =	ssyncadd.s32 $0xFFFFE000  }
0x217: {  	_ =	swait.ge [sflag:s29], $0x2000  }
0x218: {  	[sflag:s29] =	ssyncset.done $0x0  }
0x219: {  	[sflag:s29] =	ssyncadd.s32 $0xFFFFE000  }
0x21a: {  	_ =	swait.ge [sflag:s30], $0x2000  }
0x21b: {  	[sflag:s30] =	ssyncset.done $0x0  }
0x21c: {  	[sflag:s30] =	ssyncadd.s32 $0xFFFFE000  }
0x21d: {  	v3 =	vld [tilespmem:$0x3F0];
	_ =	sdelay $0x2  }
0x21e: {  	s0 =	simm.s32 $0x0  }
0x21f: {  	v4 =	vmov s0  }
0x220: {  	v5 =	vshrl.u32 v4, $0x3;
	v3 =	vand.u32 $0x7F, v3  }
0x221: {  	v4 =	vshll.u32 v4, $0x7;
	v6 =	vshll.u32 v5, $0xE;
	v3 =	vor.u32 v1, v3  }
0x222: {  	v4 =	vand.u32 $0x380, v4;
	v6 =	vor.u32 v3, v6  }
0x223: {  	v8 =	vor.u32 v4, v6  }
0x224: {  	s7 =	simm.s32 $0x1  }
0x225: {  	v5 =	vshll.u32 v5, $0xC;
	v6 =	vmov s7  }
0x226: {  	v4 =	vor.u32 v4, v5;
	v9 =	vshrl.u32 v6, $0x3  }
0x227: {  	v6 =	vshll.u32 v6, $0x7;
	v4 =	vor.u32 v2, v4;
	v5 =	vshll.u32 v9, $0xE  }
0x228: {  	v6 =	vand.u32 $0x380, v6;
	v7 =	vor.u32 $0xC00, v4;
	v5 =	vor.u32 v3, v5;
	v4 =	vld.idx.msk [tilespmem:v8+s14+$0x0], $0xffff  }
0x229: {  	v5 =	vor.u32 v6, v5;
	_ =	sdelay $0x1  }
0x22a: {  	s8 =	simm.s32 $0x2  }
0x22b: {  	s2 =	simm.s32 $0x9;
	s0 =	simm.s32 $0x3;
	v9 =	vshll.u32 v9, $0xC;
	v8 =	vmov s8  }
.LBB2_11:
0x22c: {  	p0 =	sne.s32 s0, $0xF;
	v10 =	vshrl.u32 v8, $0x3;
	v6 =	vor.u32 v6, v9;
	[tilespmem:v7+s31+$0x0] =	vst.idx.msk $0xffff, v4  }
0x22d: {  	v8 =	vshll.u32 v8, $0x7;
	v7 =	vshll.u32 v10, $0xE;
	v4 =	vld.idx.msk [tilespmem:v5+s14+$0x0], $0xffff;
	v5 =	vor.u32 v2, v6  }
.Ltmp4:
0x22e: {  	v6 =	vand.u32 $0x380, v8;
	v8 =	vor.u32 v3, v7;
	v7 =	vor.u32 $0xC00, v5;
	(pc) =	sbr.rel @p0 .LBB2_11-.Ltmp4, $2  }
0x22f: {  	v5 =	vor.u32 v6, v8;
	_ =	sdelay $0x2  }
0x230: {  	v9 =	vshll.u32 v10, $0xC;
	v8 =	vmov s0;
	s0 =	sadd.s32 $0x1, s0  }
0x231: {  	_ =	sdelay $0x2  }
0x232: {  	v10 =	vshrl.u32 v8, $0x3;
	v6 =	vor.u32 v6, v9  }
0x233: {  	[tilespmem:v7+s31+$0x0] =	vst.idx.msk $0xffff, v4;
	v60 =	vshll.u32 v8, $0x7;
	v59 =	vshll.u32 v10, $0xE;
	v6 =	vor.u32 v2, v6  }
0x234: {  	v5 =	vld.idx.msk [tilespmem:v5+s14+$0x0], $0xffff;
	v7 =	vand.u32 $0x380, v60;
	v3 =	vor.u32 v3, v59;
	v61 =	vor.u32 $0xC00, v6  }
0x235: {  	v3 =	vor.u32 v7, v3;
	_ =	sdelay $0x1  }
0x236: {  	v62 =	vshll.u32 v10, $0xC  }
0x237: {  	v6 =	vor.u32 v7, v62  }
0x238: {  	v63 =	vor.u32 v2, v6;
	[tilespmem:v61+s31+$0x0] =	vst.idx.msk $0xffff, v5  }
0x239: {  	v4 =	vor.u32 $0xC00, v63;
	v3 =	vld.idx.msk [tilespmem:v3+s14+$0x0], $0xffff;
	_ =	sdelay $0x4  }
0x23a: {  	s0 =	rddreg [dreg:$0x5];
	s5 =	simm.s32 $0x20000;
	[tilespmem:v4+s31+$0x0] =	vst.idx.msk $0xffff, v3  }
0x23b: {  	[hbm4b:s0+s16] =	stream.strided.scatter [tilespmem:s25], [sflag:$0x9], $0x2000, s5, s16, $0x38;
	[tilespmem:$0x14400] =	vst v63  }
0x23c: {  	_ =	swait.ge [sflag:s2], $0x2000  }
0x23d: {  	[sflag:s2] =	ssyncset.done $0x0  }
0x23e: {  	s6 =	rddreg [dreg:$0x6];
	[sflag:s2] =	ssyncadd.s32 $0xFFFFE000  }
0x23f: {  	[hbm4b:s6+s16] =	stream.strided.scatter [tilespmem:s31], [sflag:$0x9], $0x2000, s5, s16, $0x38;
	[tilespmem:$0x14400] =	vst v63  }
0x240: {  	_ =	swait.ge [sflag:s2], $0x2000  }
0x241: {  	s7 =	rddreg [dreg:$0x8]  }
0x242: {  	s8 =	rddreg [dreg:$0x7];
	s5 =	sadd.s32 $0x1, s7  }
0x243: {  	p0 =	sne.s32 s5, s8  }
.Ltmp5:
0x244: {  	_ = 	snop;
	(pc) =	sbr.rel @p0 .LBB2_1-.Ltmp5, $3  }
0x245: {  	_ =	sdelay $0x1  }
0x246: {  	[sflag:s2] =	ssyncset.done $0x0  }
0x247: {  	[sflag:s2] =	ssyncadd.s32 $0xFFFFE000  }
0x248: {  	_ =	sfence.sel $0x180000  }
0x249: {  	[bflag:$0x0] =	sbarrier.arrive $0xFFFF  }
0x24a: {  	_ =	strace $0x90000047  }
0x24b: {  	s0 =	stileid.u32;
	[bflag:$0x2] =	sbarrier.arrive $0xFFFF  }
0x24c: {  	p0 =	sne.s32 s0, $0x0;
	s0 =	rddreg [dreg:$0x3]  }
0x24d: {  	s0 =	sadd.s32 @!p0 $0x100000, s0  }
0x24e: {  	[sflag:s0] =	ssyncadd.tile.s32 @!p0 $0x1;
	_ =	shalt  }
.Lfunc_end2:
_tile_overlayer_lowered:
.L_overlay_start_2:
0x24f: {  	(tag) =	ssettag $0x2  }
0x250: {  	s0 =	rddreg [dreg:$0x0];
	s2 =	stileid.u32  }
0x251: {  	s1 =	rddreg [dreg:$0x1];
	p0 =	sne.s32 s2, $0x0  }
0x252: {  	s3 =	rddreg [dreg:$0x2];
	[bflag:$0x3] =	sbarrier.arrive $0xFFFF;
	s2 =	simm.s32 @!p0 $0x1C09  }
0x253: {  	[timem:s3], [sflag:s2] =	dma.local @!p0 [hbm:s0], s1  }
0x254: {  	s0 =	simm.s32 @!p0 $0x9  }
0x255: {  	_ =	swait.ge @!p0 [sflag:s0], s1  }
0x256: {  	s1 =	ssub.s32 @!p0 $0x0, s1;
	[sflag:s0] =	ssyncset.done @!p0 $0x0  }
0x257: {  	[sflag:s0] =	ssyncadd.s32 @!p0 s1  }
0x258: {  	[bflag:$0x3] =	sbarrier.arrive $0xFFFF  }
0x259: {  	_ =	shalt  }

</sc_bundles>
